<compile_context>
chip_gen: v7x
topology: tpu7x:2x2x1
jax: 0.10.2.dev20260603
libtpu: 0.0.44.dev20260713+nightly
codegen_flags: <defaults>
</compile_context>

<pallas_src>
import functools

import jax
import jax.numpy as jnp
from jax import lax
from jax.experimental import pallas as pl
from jax.experimental.pallas import tpu as pltpu
from jax.experimental.pallas import tpu_sc as plsc

N = 10000
NP = 10240
E = 160000
EP = 163840
C = 256
H = 128
NC = 2
NS = 16
CH = 128
ROWS_T = NP // NS

_F32 = jnp.float32
_HIGH = jax.lax.Precision.HIGHEST


def _mesh():
    return plsc.VectorSubcoreMesh(core_axis_name="c", subcore_axis_name="s")


def _deg_body(dst_hbm, zeros_hbm, ones_hbm, out_hbm, acc_sh, idx_v, ones_v, sem):
    del sem
    c = lax.axis_index("c")
    s = lax.axis_index("s")
    pltpu.sync_copy(zeros_hbm, acc_sh.at[pl.ds(s * ROWS_T, ROWS_T)])
    pltpu.sync_copy(ones_hbm, ones_v)
    plsc.subcore_barrier()
    base_e = (c * NS + s) * (EP // (NC * NS))

    def chunk(i, carry):
        pltpu.sync_copy(dst_hbm.at[pl.ds(base_e + i * CH, CH)], idx_v)
        pltpu.sync_copy(ones_v, acc_sh.at[idx_v], add=True)
        return carry

    lax.fori_loop(0, EP // (NC * NS) // CH, chunk, 0)
    plsc.subcore_barrier()
    pltpu.sync_copy(acc_sh.at[pl.ds(s * ROWS_T, ROWS_T)],
                    out_hbm.at[pl.ds(c * NP + s * ROWS_T, ROWS_T)])


def _deg(dst, zeros_t, ones_c):
    return pl.kernel(
        _deg_body,
        out_type=jax.ShapeDtypeStruct((NC * NP,), _F32),
        mesh=_mesh(),
        compiler_params=pltpu.CompilerParams(needs_layout_passes=False),
        scratch_types=[
            pltpu.VMEM_SHARED((NP,), _F32),
            pltpu.VMEM((CH,), jnp.int32),
            pltpu.VMEM((CH,), _F32),
            pltpu.SemaphoreType.DMA,
        ],
    )(dst, zeros_t, ones_c)


def _conv_body(hs_cat_hbm, src_hbm, dst_hbm, zrows_hbm, out_hbm,
               acc_sh, si_v, so_v, di_v, rows_v, sem):
    c = lax.axis_index("c")
    s = lax.axis_index("s")

    def z(i, carry):
        pltpu.sync_copy(zrows_hbm, acc_sh.at[pl.ds(s * ROWS_T + i * CH, CH)])
        return carry

    lax.fori_loop(0, ROWS_T // CH, z, 0)
    plsc.subcore_barrier()
    row_off = c * NP
    e_per_tile = EP // NS

    def chunk(i, carry):
        base = s * e_per_tile + i * CH
        pltpu.sync_copy(src_hbm.at[pl.ds(base, CH)], si_v)
        for g in range(CH // 16):
            so_v[pl.ds(g * 16, 16)] = si_v[pl.ds(g * 16, 16)] + row_off
        pltpu.async_copy(hs_cat_hbm.at[so_v], rows_v, sem).wait()
        pltpu.sync_copy(dst_hbm.at[pl.ds(base, CH)], di_v)
        pltpu.sync_copy(rows_v, acc_sh.at[di_v], add=True)
        return carry

    lax.fori_loop(0, e_per_tile // CH, chunk, 0)
    plsc.subcore_barrier()

    def co(i, carry):
        r = s * ROWS_T + i * CH
        pltpu.sync_copy(acc_sh.at[pl.ds(r, CH)],
                        out_hbm.at[pl.ds(c * NP + r, CH)])
        return carry

    lax.fori_loop(0, ROWS_T // CH, co, 0)


def _conv(hs_cat, src, dst, zrows):
    return pl.kernel(
        _conv_body,
        out_type=jax.ShapeDtypeStruct((NC * NP, H), _F32),
        mesh=_mesh(),
        compiler_params=pltpu.CompilerParams(needs_layout_passes=False),
        scratch_types=[
            pltpu.VMEM_SHARED((NP, H), _F32),
            pltpu.VMEM((CH,), jnp.int32),
            pltpu.VMEM((CH,), jnp.int32),
            pltpu.VMEM((CH,), jnp.int32),
            pltpu.VMEM((CH, H), _F32),
            pltpu.SemaphoreType.DMA,
        ],
    )(hs_cat, src, dst, zrows)


def _edge_body(a_hbm, b_hbm, src_hbm, tgt_hbm, mw2_hbm, mb2_hbm, out_hbm,
               si_v, ti_v, ar_v, br_v, mw2_v, mb2_v, ob_v, sem1, sem2):
    c = lax.axis_index("c")
    s = lax.axis_index("s")
    w = s * NC + c
    e_per_w = EP // (NC * NS)
    base_all = w * e_per_w
    pltpu.sync_copy(mw2_hbm, mw2_v)
    pltpu.sync_copy(mb2_hbm, mb2_v)
    mb2 = mb2_v[...]
    lane = lax.iota(jnp.int32, 16)

    def chunk(i, carry):
        base = base_all + i * CH
        pltpu.sync_copy(src_hbm.at[pl.ds(base, CH)], si_v)
        pltpu.sync_copy(tgt_hbm.at[pl.ds(base, CH)], ti_v)
        ca = pltpu.async_copy(a_hbm.at[si_v], ar_v, sem1)
        cb = pltpu.async_copy(b_hbm.at[ti_v], br_v, sem2)
        ca.wait()
        cb.wait()

        def grp(g8, carry2):
            eids = g8 * 16 + lane

            def ch16(g, acc):
                mg = mw2_v[pl.ds(g * 16, 16)]
                base_c = g * 16
                for k in range(16):
                    ci = jnp.full((16,), base_c + k, jnp.int32)
                    av = plsc.load_gather(ar_v, [eids, ci])
                    bv = plsc.load_gather(br_v, [eids, ci])
                    acc = acc + jnp.maximum(av + bv, 0.0) * mg[k]
                return acc

            acc = lax.fori_loop(0, C // 16, ch16, mb2)
            ob_v[pl.ds(g8 * 16, 16)] = acc
            return carry2

        lax.fori_loop(0, CH // 16, grp, 0)
        pltpu.sync_copy(ob_v, out_hbm.at[pl.ds(base, CH)])
        return carry

    lax.fori_loop(0, e_per_w // CH, chunk, 0)


def _edge(a, b, src, tgt, mw2, mb2_16):
    return pl.kernel(
        _edge_body,
        out_type=jax.ShapeDtypeStruct((EP,), _F32),
        mesh=_mesh(),
        compiler_params=pltpu.CompilerParams(needs_layout_passes=False),
        scratch_types=[
            pltpu.VMEM((CH,), jnp.int32),
            pltpu.VMEM((CH,), jnp.int32),
            pltpu.VMEM((CH, C), _F32),
            pltpu.VMEM((CH, C), _F32),
            pltpu.VMEM((C,), _F32),
            pltpu.VMEM((16,), _F32),
            pltpu.VMEM((CH,), _F32),
            pltpu.SemaphoreType.DMA,
            pltpu.SemaphoreType.DMA,
        ],
    )(a, b, src, tgt, mw2, mb2_16)


def _mm(a, b):
    return jax.lax.dot_general(a, b, (((1,), (0,)), ((), ())),
                               preferred_element_type=_F32, precision=_HIGH)


def _tc1_body(x_ref, w_ref, deg_ref, hs_ref, dinv_ref):
    dvec = jax.lax.rsqrt(deg_ref[:, 0:1] + deg_ref[:, 1:2] + 1.0)
    hs_ref[...] = _mm(x_ref[...], w_ref[...]) * dvec
    dinv_ref[...] = dvec


def _tc1(x_pad, W1, deg01):
    nb = NP // C
    return pl.pallas_call(
        _tc1_body,
        grid=(nb, 2),
        in_specs=[
            pl.BlockSpec((C, C), lambda i, h: (i, 0)),
            pl.BlockSpec((C, H), lambda i, h: (0, h)),
            pl.BlockSpec((C, 2), lambda i, h: (i, 0)),
        ],
        out_specs=[
            pl.BlockSpec((C, H), lambda i, h: (h * nb + i, 0)),
            pl.BlockSpec((C, 1), lambda i, h: (i, 0)),
        ],
        out_shape=[
            jax.ShapeDtypeStruct((NC * NP, H), _F32),
            jax.ShapeDtypeStruct((NP, 1), _F32),
        ],
    )(x_pad, W1, deg01)


def _tc2_body(accl, accr, hsl, hsr, dinv, b1, w2, o_ref):
    tot = jnp.concatenate([accl[...] + hsl[...], accr[...] + hsr[...]], axis=1)
    hfull = jnp.maximum(tot * dinv[...] + b1[0:1, :], 0.0)
    o_ref[...] = _mm(hfull, w2[...]) * dinv[...]


def _tc2(accL, accR, hsL, hsR, dinv, b1b, W2):
    nb = NP // C
    return pl.pallas_call(
        _tc2_body,
        grid=(nb, 2),
        in_specs=[
            pl.BlockSpec((C, H), lambda i, h: (i, 0)),
            pl.BlockSpec((C, H), lambda i, h: (i, 0)),
            pl.BlockSpec((C, H), lambda i, h: (i, 0)),
            pl.BlockSpec((C, H), lambda i, h: (i, 0)),
            pl.BlockSpec((C, 1), lambda i, h: (i, 0)),
            pl.BlockSpec((8, C), lambda i, h: (0, 0)),
            pl.BlockSpec((C, H), lambda i, h: (0, h)),
        ],
        out_specs=[pl.BlockSpec((C, H), lambda i, h: (h * nb + i, 0))],
        out_shape=[jax.ShapeDtypeStruct((NC * NP, H), _F32)],
    )(accL, accR, hsL, hsR, dinv, b1b, W2)[0]


def _tc3_body(accl, accr, hsl, hsr, dinv, b2, mw1, mb1, a_ref, b_ref):
    tot = jnp.concatenate([accl[...] + hsl[...], accr[...] + hsr[...]], axis=1)
    h2 = tot * dinv[...] + b2[0:1, :]
    a_ref[...] = _mm(h2, mw1[0:C, :])
    b_ref[...] = _mm(h2, mw1[C:2 * C, :]) + mb1[0:1, :]


def _tc3(accL, accR, hsL, hsR, dinv, b2b, MW1, mb1b):
    nb = NP // C
    return pl.pallas_call(
        _tc3_body,
        grid=(nb,),
        in_specs=[
            pl.BlockSpec((C, H), lambda i: (i, 0)),
            pl.BlockSpec((C, H), lambda i: (i, 0)),
            pl.BlockSpec((C, H), lambda i: (i, 0)),
            pl.BlockSpec((C, H), lambda i: (i, 0)),
            pl.BlockSpec((C, 1), lambda i: (i, 0)),
            pl.BlockSpec((8, C), lambda i: (0, 0)),
            pl.BlockSpec((2 * C, C), lambda i: (0, 0)),
            pl.BlockSpec((8, C), lambda i: (0, 0)),
        ],
        out_specs=[
            pl.BlockSpec((C, C), lambda i: (i, 0)),
            pl.BlockSpec((C, C), lambda i: (i, 0)),
        ],
        out_shape=[
            jax.ShapeDtypeStruct((NP, C), _F32),
            jax.ShapeDtypeStruct((NP, C), _F32),
        ],
    )(accL, accR, hsL, hsR, dinv, b2b, MW1, mb1b)


def kernel(x, edge_index, W1, b1, W2, b2, MW1, Mb1, MW2, Mb2):
    ei = edge_index.astype(jnp.int32)
    pad_idx = N + (jnp.arange(EP - E, dtype=jnp.int32) % (NP - N))
    src = jnp.concatenate([ei[0], pad_idx])
    dst = jnp.concatenate([ei[1], pad_idx])
    x_pad = jnp.concatenate([x, jnp.zeros((NP - N, C), _F32)], axis=0)
    zeros_t = jnp.zeros((ROWS_T,), _F32)
    ones_c = jnp.ones((CH,), _F32)
    zrows = jnp.zeros((CH, H), _F32)
    b1b = jnp.broadcast_to(b1[None, :], (8, C))
    b2b = jnp.broadcast_to(b2[None, :], (8, C))
    mb1b = jnp.broadcast_to(Mb1[None, :], (8, C))

    degp = _deg(dst, zeros_t, ones_c)
    deg01 = degp.reshape(NC, NP).transpose(1, 0)
    hs1, dinv = _tc1(x_pad, W1, deg01)
    acc1 = _conv(hs1, src, dst, zrows)
    hs2 = _tc2(acc1[:NP], acc1[NP:], hs1[:NP], hs1[NP:], dinv, b1b, W2)
    acc2 = _conv(hs2, src, dst, zrows)
    A, B = _tc3(acc2[:NP], acc2[NP:], hs2[:NP], hs2[NP:], dinv, b2b, MW1, mb1b)
    logits_pad = _edge(A, B, src, dst, MW2[:, 0],
                       jnp.broadcast_to(Mb2, (16,)))
    return logits_pad[:E]

# --- scband reference (transcript-rebuilt; emitter-appended) ---
"""Pipeline reference for scband-edge-classifier-72937134621178 (READ-ONLY COPY).

The authoritative reference and input builder live on the scoring server;
editing this copy changes nothing except your own understanding.
"""

import jax, jax.numpy as jnp
import numpy as np

N_NODES = 10000
N_EDGES = 160000
IN_CH = 256
HID = 256

def setup_inputs(seed: int = 0) -> dict:
    key = jax.random.key(seed)
    ks = jax.random.split(key, 12)
    x = jax.random.normal(ks[0], (N_NODES, IN_CH), dtype=jnp.float32)
    edge_index = jax.random.randint(ks[1], (2, N_EDGES), 0, N_NODES, dtype=jnp.int64)
    s1 = 1.0 / np.sqrt(IN_CH)
    s2 = 1.0 / np.sqrt(HID)
    s3 = 1.0 / np.sqrt(2 * HID)
    W1 = jax.random.uniform(ks[2], (IN_CH, HID), jnp.float32, -s1, s1)
    b1 = jnp.zeros((HID,), jnp.float32)
    W2 = jax.random.uniform(ks[3], (HID, HID), jnp.float32, -s2, s2)
    b2 = jnp.zeros((HID,), jnp.float32)
    MW1 = jax.random.uniform(ks[4], (2 * HID, HID), jnp.float32, -s3, s3)
    Mb1 = jax.random.uniform(ks[5], (HID,), jnp.float32, -s3, s3)
    MW2 = jax.random.uniform(ks[6], (HID, 1), jnp.float32, -s2, s2)
    Mb2 = jax.random.uniform(ks[7], (1,), jnp.float32, -s2, s2)
    return {"x": x, "edge_index": edge_index, "W1": W1, "b1": b1, "W2": W2, "b2": b2, "MW1": MW1, "Mb1": Mb1, "MW2": MW2, "Mb2": Mb2}

def _gcn_conv(x, edge_index, W, b):
    n = x.shape[0]
    loop = jnp.arange(n, dtype=edge_index.dtype)
    src = jnp.concatenate([edge_index[0], loop])
    dst = jnp.concatenate([edge_index[1], loop])
    deg = jnp.zeros((n,), jnp.float32).at[dst].add(1.0)
    dinv = jnp.where(deg > 0, deg ** -0.5, 0.0)
    norm = dinv[src] * dinv[dst]
    h = x @ W
    msg = h[src] * norm[:, None]
    out = jnp.zeros((n, W.shape[1]), jnp.float32).at[dst].add(msg)
    return out + b

def reference(x, edge_index, W1, b1, W2, b2, MW1, Mb1, MW2, Mb2):
    h = _gcn_conv(x, edge_index, W1, b1)
    h = jax.nn.relu(h)
    h = _gcn_conv(h, edge_index, W2, b2)
    src, tgt = edge_index[0], edge_index[1]
    edge_feat = jnp.concatenate([h[src], h[tgt]], axis=1)
    z = jax.nn.relu(edge_feat @ MW1 + Mb1)
    logits = (z @ MW2 + Mb2).squeeze(-1)
    return logits

if __name__ == "__main__":
    import jax
    _d = setup_inputs()
    print(jax.jit(kernel)(*tuple(_d.values())))

</pallas_src>

<mosaic_0001>
#map = affine_map<(d0, d1) -> (0)>
module attributes {stable_mosaic.version = 14 : i64} {
  func.func @_deg_body(%arg0: i32, %arg1: i32, %arg2: memref<163840xi32, #tpu.memory_space<hbm>>, %arg3: memref<640xf32, #tpu.memory_space<hbm>>, %arg4: memref<128xf32, #tpu.memory_space<hbm>>, %arg5: memref<20480xf32, #tpu.memory_space<hbm>>, %arg6: memref<10240xf32, #tpu.memory_space<vmem_shared>>, %arg7: memref<128xi32, #tpu.memory_space<vmem>>, %arg8: memref<128xf32, #tpu.memory_space<vmem>>, %arg9: memref<!tpu.dma_semaphore, #tpu.memory_space<semaphore_mem>>) attributes {dimension_semantics = [#tpu.dimension_semantics<core_parallel>, #tpu.dimension_semantics<subcore_parallel>], iteration_bounds = array<i64: 2, 16>, scalar_prefetch = 0 : i64, scratch_operands = 4 : i64, tpu.core_type = #tpu.core_type<sc_vector_subcore>, window_params = [{transform_indices = #map}, {transform_indices = #map}, {transform_indices = #map}, {transform_indices = #map}]} {
    %mul3A = arith.constant 640 : i32
    %mul3A_0 = arith.muli %arg1, %mul3A : i32
    "tpu.region"() ({
      %run_scoped3A = tpu.sem_alloc : memref<!tpu.dma_semaphore, #tpu.memory_space<semaphore_mem>>
      %dma_start3A = tpu.memref_slice %arg6[%mul3A_0] : memref<10240xf32, #tpu.memory_space<vmem_shared>> -> memref<640xf32, #tpu.memory_space<vmem_shared>>
      tpu.enqueue_dma source(%arg3 : memref<640xf32, #tpu.memory_space<hbm>>) target(%dma_start3A : memref<640xf32, #tpu.memory_space<vmem_shared>>) target_semaphore(%run_scoped3A : memref<!tpu.dma_semaphore, #tpu.memory_space<semaphore_mem>>)
      %dma_wait3A = tpu.memref_slice %arg6[%mul3A_0] : memref<10240xf32, #tpu.memory_space<vmem_shared>> -> memref<640xf32, #tpu.memory_space<vmem_shared>>
      tpu.wait_dma2 semaphore(%run_scoped3A : memref<!tpu.dma_semaphore, #tpu.memory_space<semaphore_mem>>) src(%arg3 : memref<640xf32, #tpu.memory_space<hbm>>) dst(%dma_wait3A : memref<640xf32, #tpu.memory_space<vmem_shared>>)
      tpu.yield
    }) : () -> ()
    "tpu.region"() ({
      %run_scoped3A = tpu.sem_alloc : memref<!tpu.dma_semaphore, #tpu.memory_space<semaphore_mem>>
      tpu.enqueue_dma source(%arg4 : memref<128xf32, #tpu.memory_space<hbm>>) target(%arg8 : memref<128xf32, #tpu.memory_space<vmem>>) target_semaphore(%run_scoped3A : memref<!tpu.dma_semaphore, #tpu.memory_space<semaphore_mem>>)
      tpu.wait_dma2 semaphore(%run_scoped3A : memref<!tpu.dma_semaphore, #tpu.memory_space<semaphore_mem>>) src(%arg4 : memref<128xf32, #tpu.memory_space<hbm>>) dst(%arg8 : memref<128xf32, #tpu.memory_space<vmem>>)
      tpu.yield
    }) : () -> ()
    %barrier3A = arith.constant 0 : index
    tpu.barrier barrier_id(%barrier3A)
    %mul3A_1 = arith.constant 16 : i32
    %mul3A_2 = arith.muli %arg0, %mul3A_1 : i32
    %add3A = arith.addi %mul3A_2, %arg1 : i32
    %mul3A_3 = arith.constant 5120 : i32
    %mul3A_4 = arith.muli %add3A, %mul3A_3 : i32
    %scan3A = arith.constant 0 : i32
    %scan3A_5 = arith.constant 0 : i32
    %scan3A_6 = arith.constant 40 : i32
    %scan3A_7 = arith.addi %scan3A_5, %scan3A_6 : i32
    %scan3A_8 = arith.constant 1 : i32
    scf.for %scan3A_18 = %scan3A_5 to %scan3A_7 step %scan3A_8  : i32 {
      %mul3A_19 = arith.constant 128 : i32
      %mul3A_20 = arith.muli %scan3A_18, %mul3A_19 : i32
      %add3A_21 = arith.addi %mul3A_4, %mul3A_20 : i32
      "tpu.region"() ({
        %run_scoped3A = tpu.sem_alloc : memref<!tpu.dma_semaphore, #tpu.memory_space<semaphore_mem>>
        %dma_start3A = tpu.memref_slice %arg2[%add3A_21] : memref<163840xi32, #tpu.memory_space<hbm>> -> memref<128xi32, #tpu.memory_space<hbm>>
        %dma_start3A_22 = tpu.memref_slice %arg2[%add3A_21] : memref<163840xi32, #tpu.memory_space<hbm>> -> memref<128xi32, #tpu.memory_space<hbm>>
        tpu.enqueue_dma source(%dma_start3A_22 : memref<128xi32, #tpu.memory_space<hbm>>) target(%arg7 : memref<128xi32, #tpu.memory_space<vmem>>) target_semaphore(%run_scoped3A : memref<!tpu.dma_semaphore, #tpu.memory_space<semaphore_mem>>)
        %dma_wait3A = tpu.memref_slice %arg2[%add3A_21] : memref<163840xi32, #tpu.memory_space<hbm>> -> memref<128xi32, #tpu.memory_space<hbm>>
        %dma_wait3A_23 = tpu.memref_slice %arg2[%add3A_21] : memref<163840xi32, #tpu.memory_space<hbm>> -> memref<128xi32, #tpu.memory_space<hbm>>
        tpu.wait_dma2 semaphore(%run_scoped3A : memref<!tpu.dma_semaphore, #tpu.memory_space<semaphore_mem>>) src(%dma_wait3A_23 : memref<128xi32, #tpu.memory_space<hbm>>) dst(%arg7 : memref<128xi32, #tpu.memory_space<vmem>>)
        tpu.yield
      }) : () -> ()
      "tpu.region"() ({
        %run_scoped3A = tpu.sem_alloc : memref<!tpu.dma_semaphore, #tpu.memory_space<semaphore_mem>>
        %dma_start3A = arith.constant 0 : i32
        %dma_start3A_22 = tpu.memref_slice %arg6[%dma_start3A] : memref<10240xf32, #tpu.memory_space<vmem_shared>> -> memref<10240xf32, #tpu.memory_space<vmem_shared>>
        tpu.enqueue_indirect_dma source(%arg8 : memref<128xf32, #tpu.memory_space<vmem>>) target(%dma_start3A_22 : memref<10240xf32, #tpu.memory_space<vmem_shared>>) offsets(%arg7 : memref<128xi32, #tpu.memory_space<vmem>>) semaphore(%run_scoped3A : memref<!tpu.dma_semaphore, #tpu.memory_space<semaphore_mem>>) {add = true}
        %dma_wait3A = arith.constant 0 : i32
        %dma_wait3A_23 = tpu.memref_slice %arg6[%dma_wait3A] : memref<10240xf32, #tpu.memory_space<vmem_shared>> -> memref<10240xf32, #tpu.memory_space<vmem_shared>>
        tpu.wait_indirect_dma semaphore(%run_scoped3A : memref<!tpu.dma_semaphore, #tpu.memory_space<semaphore_mem>>) src(%arg8 : memref<128xf32, #tpu.memory_space<vmem>>) dst(%dma_wait3A_23 : memref<10240xf32, #tpu.memory_space<vmem_shared>>)
        tpu.yield
      }) : () -> ()
    }
    %scan3A_9 = arith.constant 40 : i32
    %barrier3A_10 = arith.constant 0 : index
    tpu.barrier barrier_id(%barrier3A_10)
    %mul3A_11 = arith.constant 640 : i32
    %mul3A_12 = arith.muli %arg1, %mul3A_11 : i32
    %mul3A_13 = arith.constant 10240 : i32
    %mul3A_14 = arith.muli %arg0, %mul3A_13 : i32
    %mul3A_15 = arith.constant 640 : i32
    %mul3A_16 = arith.muli %arg1, %mul3A_15 : i32
    %add3A_17 = arith.addi %mul3A_14, %mul3A_16 : i32
    "tpu.region"() ({
      %run_scoped3A = tpu.sem_alloc : memref<!tpu.dma_semaphore, #tpu.memory_space<semaphore_mem>>
      %dma_start3A = tpu.memref_slice %arg5[%add3A_17] : memref<20480xf32, #tpu.memory_space<hbm>> -> memref<640xf32, #tpu.memory_space<hbm>>
      %dma_start3A_18 = tpu.memref_slice %arg6[%mul3A_12] : memref<10240xf32, #tpu.memory_space<vmem_shared>> -> memref<640xf32, #tpu.memory_space<vmem_shared>>
      tpu.enqueue_dma source(%dma_start3A_18 : memref<640xf32, #tpu.memory_space<vmem_shared>>) target(%dma_start3A : memref<640xf32, #tpu.memory_space<hbm>>) target_semaphore(%run_scoped3A : memref<!tpu.dma_semaphore, #tpu.memory_space<semaphore_mem>>)
      %dma_wait3A = tpu.memref_slice %arg5[%add3A_17] : memref<20480xf32, #tpu.memory_space<hbm>> -> memref<640xf32, #tpu.memory_space<hbm>>
      %dma_wait3A_19 = tpu.memref_slice %arg6[%mul3A_12] : memref<10240xf32, #tpu.memory_space<vmem_shared>> -> memref<640xf32, #tpu.memory_space<vmem_shared>>
      tpu.wait_dma2 semaphore(%run_scoped3A : memref<!tpu.dma_semaphore, #tpu.memory_space<semaphore_mem>>) src(%dma_wait3A_19 : memref<640xf32, #tpu.memory_space<vmem_shared>>) dst(%dma_wait3A : memref<640xf32, #tpu.memory_space<hbm>>)
      tpu.yield
    }) : () -> ()
    return
  }
}

#map = affine_map<(d0, d1) -> (0, 0)>
#map1 = affine_map<(d0, d1) -> (0)>
module attributes {stable_mosaic.version = 14 : i64} {
  func.func @_conv_body(%arg0: i32, %arg1: i32, %arg2: memref<20480x128xf32, #tpu.memory_space<hbm>>, %arg3: memref<163840xi32, #tpu.memory_space<hbm>>, %arg4: memref<163840xi32, #tpu.memory_space<hbm>>, %arg5: memref<128x128xf32, #tpu.memory_space<hbm>>, %arg6: memref<20480x128xf32, #tpu.memory_space<hbm>>, %arg7: memref<10240x128xf32, #tpu.memory_space<vmem_shared>>, %arg8: memref<128xi32, #tpu.memory_space<vmem>>, %arg9: memref<128xi32, #tpu.memory_space<vmem>>, %arg10: memref<128xi32, #tpu.memory_space<vmem>>, %arg11: memref<128x128xf32, #tpu.memory_space<vmem>>, %arg12: memref<!tpu.dma_semaphore, #tpu.memory_space<semaphore_mem>>) attributes {dimension_semantics = [#tpu.dimension_semantics<core_parallel>, #tpu.dimension_semantics<subcore_parallel>], iteration_bounds = array<i64: 2, 16>, scalar_prefetch = 0 : i64, scratch_operands = 6 : i64, tpu.core_type = #tpu.core_type<sc_vector_subcore>, window_params = [{transform_indices = #map}, {transform_indices = #map1}, {transform_indices = #map1}, {transform_indices = #map}, {transform_indices = #map}]} {
    %scan3A = arith.constant 0 : i32
    %scan3A_0 = arith.constant 0 : i32
    %scan3A_1 = arith.constant 5 : i32
    %scan3A_2 = arith.addi %scan3A_0, %scan3A_1 : i32
    %scan3A_3 = arith.constant 1 : i32
    scf.for %scan3A_19 = %scan3A_0 to %scan3A_2 step %scan3A_3  : i32 {
      %mul3A_20 = arith.constant 640 : i32
      %mul3A_21 = arith.muli %arg1, %mul3A_20 : i32
      %mul3A_22 = arith.constant 128 : i32
      %mul3A_23 = arith.muli %scan3A_19, %mul3A_22 : i32
      %add3A = arith.addi %mul3A_21, %mul3A_23 : i32
      "tpu.region"() ({
        %run_scoped3A = tpu.sem_alloc : memref<!tpu.dma_semaphore, #tpu.memory_space<semaphore_mem>>
        %dma_start3A = arith.constant 0 : i32
        %dma_start3A_24 = tpu.memref_slice %arg7[%add3A, %dma_start3A] : memref<10240x128xf32, #tpu.memory_space<vmem_shared>> -> memref<128x128xf32, #tpu.memory_space<vmem_shared>>
        tpu.enqueue_dma source(%arg5 : memref<128x128xf32, #tpu.memory_space<hbm>>) target(%dma_start3A_24 : memref<128x128xf32, #tpu.memory_space<vmem_shared>>) target_semaphore(%run_scoped3A : memref<!tpu.dma_semaphore, #tpu.memory_space<semaphore_mem>>)
        %dma_wait3A = arith.constant 0 : i32
        %dma_wait3A_25 = tpu.memref_slice %arg7[%add3A, %dma_wait3A] : memref<10240x128xf32, #tpu.memory_space<vmem_shared>> -> memref<128x128xf32, #tpu.memory_space<vmem_shared>>
        tpu.wait_dma2 semaphore(%run_scoped3A : memref<!tpu.dma_semaphore, #tpu.memory_space<semaphore_mem>>) src(%arg5 : memref<128x128xf32, #tpu.memory_space<hbm>>) dst(%dma_wait3A_25 : memref<128x128xf32, #tpu.memory_space<vmem_shared>>)
        tpu.yield
      }) : () -> ()
    }
    %scan3A_4 = arith.constant 5 : i32
    %barrier3A = arith.constant 0 : index
    tpu.barrier barrier_id(%barrier3A)
    %mul3A = arith.constant 10240 : i32
    %mul3A_5 = arith.muli %arg0, %mul3A : i32
    %scan3A_6 = arith.constant 0 : i32
    %scan3A_7 = arith.constant 0 : i32
    %scan3A_8 = arith.constant 80 : i32
    %scan3A_9 = arith.addi %scan3A_7, %scan3A_8 : i32
    %scan3A_10 = arith.constant 1 : i32
    scf.for %scan3A_19 = %scan3A_7 to %scan3A_9 step %scan3A_10  : i32 {
      %mul3A_20 = arith.constant 10240 : i32
      %mul3A_21 = arith.muli %arg1, %mul3A_20 : i32
      %mul3A_22 = arith.constant 128 : i32
      %mul3A_23 = arith.muli %scan3A_19, %mul3A_22 : i32
      %add3A = arith.addi %mul3A_21, %mul3A_23 : i32
      "tpu.region"() ({
        %run_scoped3A = tpu.sem_alloc : memref<!tpu.dma_semaphore, #tpu.memory_space<semaphore_mem>>
        %dma_start3A_74 = tpu.memref_slice %arg3[%add3A] : memref<163840xi32, #tpu.memory_space<hbm>> -> memref<128xi32, #tpu.memory_space<hbm>>
        %dma_start3A_75 = tpu.memref_slice %arg3[%add3A] : memref<163840xi32, #tpu.memory_space<hbm>> -> memref<128xi32, #tpu.memory_space<hbm>>
        tpu.enqueue_dma source(%dma_start3A_75 : memref<128xi32, #tpu.memory_space<hbm>>) target(%arg8 : memref<128xi32, #tpu.memory_space<vmem>>) target_semaphore(%run_scoped3A : memref<!tpu.dma_semaphore, #tpu.memory_space<semaphore_mem>>)
        %dma_wait3A_76 = tpu.memref_slice %arg3[%add3A] : memref<163840xi32, #tpu.memory_space<hbm>> -> memref<128xi32, #tpu.memory_space<hbm>>
        %dma_wait3A_77 = tpu.memref_slice %arg3[%add3A] : memref<163840xi32, #tpu.memory_space<hbm>> -> memref<128xi32, #tpu.memory_space<hbm>>
        tpu.wait_dma2 semaphore(%run_scoped3A : memref<!tpu.dma_semaphore, #tpu.memory_space<semaphore_mem>>) src(%dma_wait3A_77 : memref<128xi32, #tpu.memory_space<hbm>>) dst(%arg8 : memref<128xi32, #tpu.memory_space<vmem>>)
        tpu.yield
      }) : () -> ()
      %get3A = arith.constant 0 : index
      %get3A_24 = tpu.vector_load %arg8[%get3A] {strides = array<i32>} : memref<128xi32, #tpu.memory_space<vmem>>, vector<16xi32>,
      %add3A_25 = vector.broadcast %mul3A_5 : i32 to vector<16xi32>
      %add3A_26 = arith.addi %get3A_24, %add3A_25 : vector<16xi32>
      %swap3A = arith.constant 0 : index
      %swap3A_27 = tpu.vector_load %arg9[%swap3A] {strides = array<i32>} : memref<128xi32, #tpu.memory_space<vmem>>, vector<16xi32>,
      tpu.vector_store %arg9[%swap3A], %add3A_26 {strides = array<i32>} : memref<128xi32, #tpu.memory_space<vmem>>, vector<16xi32>,
      %get3A_28 = arith.constant 16 : index
      %get3A_29 = tpu.vector_load %arg8[%get3A_28] {strides = array<i32>} : memref<128xi32, #tpu.memory_space<vmem>>, vector<16xi32>,
      %add3A_30 = vector.broadcast %mul3A_5 : i32 to vector<16xi32>
      %add3A_31 = arith.addi %get3A_29, %add3A_30 : vector<16xi32>
      %swap3A_32 = arith.constant 16 : index
      %swap3A_33 = tpu.vector_load %arg9[%swap3A_32] {strides = array<i32>} : memref<128xi32, #tpu.memory_space<vmem>>, vector<16xi32>,
      tpu.vector_store %arg9[%swap3A_32], %add3A_31 {strides = array<i32>} : memref<128xi32, #tpu.memory_space<vmem>>, vector<16xi32>,
      %get3A_34 = arith.constant 32 : index
      %get3A_35 = tpu.vector_load %arg8[%get3A_34] {strides = array<i32>} : memref<128xi32, #tpu.memory_space<vmem>>, vector<16xi32>,
      %add3A_36 = vector.broadcast %mul3A_5 : i32 to vector<16xi32>
      %add3A_37 = arith.addi %get3A_35, %add3A_36 : vector<16xi32>
      %swap3A_38 = arith.constant 32 : index
      %swap3A_39 = tpu.vector_load %arg9[%swap3A_38] {strides = array<i32>} : memref<128xi32, #tpu.memory_space<vmem>>, vector<16xi32>,
      tpu.vector_store %arg9[%swap3A_38], %add3A_37 {strides = array<i32>} : memref<128xi32, #tpu.memory_space<vmem>>, vector<16xi32>,
      %get3A_40 = arith.constant 48 : index
      %get3A_41 = tpu.vector_load %arg8[%get3A_40] {strides = array<i32>} : memref<128xi32, #tpu.memory_space<vmem>>, vector<16xi32>,
      %add3A_42 = vector.broadcast %mul3A_5 : i32 to vector<16xi32>
      %add3A_43 = arith.addi %get3A_41, %add3A_42 : vector<16xi32>
      %swap3A_44 = arith.constant 48 : index
      %swap3A_45 = tpu.vector_load %arg9[%swap3A_44] {strides = array<i32>} : memref<128xi32, #tpu.memory_space<vmem>>, vector<16xi32>,
      tpu.vector_store %arg9[%swap3A_44], %add3A_43 {strides = array<i32>} : memref<128xi32, #tpu.memory_space<vmem>>, vector<16xi32>,
      %get3A_46 = arith.constant 64 : index
      %get3A_47 = tpu.vector_load %arg8[%get3A_46] {strides = array<i32>} : memref<128xi32, #tpu.memory_space<vmem>>, vector<16xi32>,
      %add3A_48 = vector.broadcast %mul3A_5 : i32 to vector<16xi32>
      %add3A_49 = arith.addi %get3A_47, %add3A_48 : vector<16xi32>
      %swap3A_50 = arith.constant 64 : index
      %swap3A_51 = tpu.vector_load %arg9[%swap3A_50] {strides = array<i32>} : memref<128xi32, #tpu.memory_space<vmem>>, vector<16xi32>,
      tpu.vector_store %arg9[%swap3A_50], %add3A_49 {strides = array<i32>} : memref<128xi32, #tpu.memory_space<vmem>>, vector<16xi32>,
      %get3A_52 = arith.constant 80 : index
      %get3A_53 = tpu.vector_load %arg8[%get3A_52] {strides = array<i32>} : memref<128xi32, #tpu.memory_space<vmem>>, vector<16xi32>,
      %add3A_54 = vector.broadcast %mul3A_5 : i32 to vector<16xi32>
      %add3A_55 = arith.addi %get3A_53, %add3A_54 : vector<16xi32>
      %swap3A_56 = arith.constant 80 : index
      %swap3A_57 = tpu.vector_load %arg9[%swap3A_56] {strides = array<i32>} : memref<128xi32, #tpu.memory_space<vmem>>, vector<16xi32>,
      tpu.vector_store %arg9[%swap3A_56], %add3A_55 {strides = array<i32>} : memref<128xi32, #tpu.memory_space<vmem>>, vector<16xi32>,
      %get3A_58 = arith.constant 96 : index
      %get3A_59 = tpu.vector_load %arg8[%get3A_58] {strides = array<i32>} : memref<128xi32, #tpu.memory_space<vmem>>, vector<16xi32>,
      %add3A_60 = vector.broadcast %mul3A_5 : i32 to vector<16xi32>
      %add3A_61 = arith.addi %get3A_59, %add3A_60 : vector<16xi32>
      %swap3A_62 = arith.constant 96 : index
      %swap3A_63 = tpu.vector_load %arg9[%swap3A_62] {strides = array<i32>} : memref<128xi32, #tpu.memory_space<vmem>>, vector<16xi32>,
      tpu.vector_store %arg9[%swap3A_62], %add3A_61 {strides = array<i32>} : memref<128xi32, #tpu.memory_space<vmem>>, vector<16xi32>,
      %get3A_64 = arith.constant 112 : index
      %get3A_65 = tpu.vector_load %arg8[%get3A_64] {strides = array<i32>} : memref<128xi32, #tpu.memory_space<vmem>>, vector<16xi32>,
      %add3A_66 = vector.broadcast %mul3A_5 : i32 to vector<16xi32>
      %add3A_67 = arith.addi %get3A_65, %add3A_66 : vector<16xi32>
      %swap3A_68 = arith.constant 112 : index
      %swap3A_69 = tpu.vector_load %arg9[%swap3A_68] {strides = array<i32>} : memref<128xi32, #tpu.memory_space<vmem>>, vector<16xi32>,
      tpu.vector_store %arg9[%swap3A_68], %add3A_67 {strides = array<i32>} : memref<128xi32, #tpu.memory_space<vmem>>, vector<16xi32>,
      %dma_start3A = arith.constant 0 : i32
      %dma_start3A_70 = arith.constant 0 : i32
      %dma_start3A_71 = tpu.memref_slice %arg2[%dma_start3A, %dma_start3A_70] : memref<20480x128xf32, #tpu.memory_space<hbm>> -> memref<20480x128xf32, #tpu.memory_space<hbm>>
      tpu.enqueue_indirect_dma source(%dma_start3A_71 : memref<20480x128xf32, #tpu.memory_space<hbm>>) target(%arg11 : memref<128x128xf32, #tpu.memory_space<vmem>>) offsets(%arg9 : memref<128xi32, #tpu.memory_space<vmem>>) semaphore(%arg12 : memref<!tpu.dma_semaphore, #tpu.memory_space<semaphore_mem>>)
      %dma_wait3A = arith.constant 0 : i32
      %dma_wait3A_72 = arith.constant 0 : i32
      %dma_wait3A_73 = tpu.memref_slice %arg2[%dma_wait3A, %dma_wait3A_72] : memref<20480x128xf32, #tpu.memory_space<hbm>> -> memref<20480x128xf32, #tpu.memory_space<hbm>>
      tpu.wait_indirect_dma semaphore(%arg12 : memref<!tpu.dma_semaphore, #tpu.memory_space<semaphore_mem>>) src(%dma_wait3A_73 : memref<20480x128xf32, #tpu.memory_space<hbm>>) dst(%arg11 : memref<128x128xf32, #tpu.memory_space<vmem>>)
      "tpu.region"() ({
        %run_scoped3A = tpu.sem_alloc : memref<!tpu.dma_semaphore, #tpu.memory_space<semaphore_mem>>
        %dma_start3A_74 = tpu.memref_slice %arg4[%add3A] : memref<163840xi32, #tpu.memory_space<hbm>> -> memref<128xi32, #tpu.memory_space<hbm>>
        %dma_start3A_75 = tpu.memref_slice %arg4[%add3A] : memref<163840xi32, #tpu.memory_space<hbm>> -> memref<128xi32, #tpu.memory_space<hbm>>
        tpu.enqueue_dma source(%dma_start3A_75 : memref<128xi32, #tpu.memory_space<hbm>>) target(%arg10 : memref<128xi32, #tpu.memory_space<vmem>>) target_semaphore(%run_scoped3A : memref<!tpu.dma_semaphore, #tpu.memory_space<semaphore_mem>>)
        %dma_wait3A_76 = tpu.memref_slice %arg4[%add3A] : memref<163840xi32, #tpu.memory_space<hbm>> -> memref<128xi32, #tpu.memory_space<hbm>>
        %dma_wait3A_77 = tpu.memref_slice %arg4[%add3A] : memref<163840xi32, #tpu.memory_space<hbm>> -> memref<128xi32, #tpu.memory_space<hbm>>
        tpu.wait_dma2 semaphore(%run_scoped3A : memref<!tpu.dma_semaphore, #tpu.memory_space<semaphore_mem>>) src(%dma_wait3A_77 : memref<128xi32, #tpu.memory_space<hbm>>) dst(%arg10 : memref<128xi32, #tpu.memory_space<vmem>>)
        tpu.yield
      }) : () -> ()
      "tpu.region"() ({
        %run_scoped3A = tpu.sem_alloc : memref<!tpu.dma_semaphore, #tpu.memory_space<semaphore_mem>>
        %dma_start3A_74 = arith.constant 0 : i32
        %dma_start3A_75 = arith.constant 0 : i32
        %dma_start3A_76 = tpu.memref_slice %arg7[%dma_start3A_74, %dma_start3A_75] : memref<10240x128xf32, #tpu.memory_space<vmem_shared>> -> memref<10240x128xf32, #tpu.memory_space<vmem_shared>>
        tpu.enqueue_indirect_dma source(%arg11 : memref<128x128xf32, #tpu.memory_space<vmem>>) target(%dma_start3A_76 : memref<10240x128xf32, #tpu.memory_space<vmem_shared>>) offsets(%arg10 : memref<128xi32, #tpu.memory_space<vmem>>) semaphore(%run_scoped3A : memref<!tpu.dma_semaphore, #tpu.memory_space<semaphore_mem>>) {add = true}
        %dma_wait3A_77 = arith.constant 0 : i32
        %dma_wait3A_78 = arith.constant 0 : i32
        %dma_wait3A_79 = tpu.memref_slice %arg7[%dma_wait3A_77, %dma_wait3A_78] : memref<10240x128xf32, #tpu.memory_space<vmem_shared>> -> memref<10240x128xf32, #tpu.memory_space<vmem_shared>>
        tpu.wait_indirect_dma semaphore(%run_scoped3A : memref<!tpu.dma_semaphore, #tpu.memory_space<semaphore_mem>>) src(%arg11 : memref<128x128xf32, #tpu.memory_space<vmem>>) dst(%dma_wait3A_79 : memref<10240x128xf32, #tpu.memory_space<vmem_shared>>)
        tpu.yield
      }) : () -> ()
    }
    %scan3A_11 = arith.constant 80 : i32
    %barrier3A_12 = arith.constant 0 : index
    tpu.barrier barrier_id(%barrier3A_12)
    %scan3A_13 = arith.constant 0 : i32
    %scan3A_14 = arith.constant 0 : i32
    %scan3A_15 = arith.constant 5 : i32
    %scan3A_16 = arith.addi %scan3A_14, %scan3A_15 : i32
    %scan3A_17 = arith.constant 1 : i32
    scf.for %scan3A_19 = %scan3A_14 to %scan3A_16 step %scan3A_17  : i32 {
      %mul3A_20 = arith.constant 640 : i32
      %mul3A_21 = arith.muli %arg1, %mul3A_20 : i32
      %mul3A_22 = arith.constant 128 : i32
      %mul3A_23 = arith.muli %scan3A_19, %mul3A_22 : i32
      %add3A = arith.addi %mul3A_21, %mul3A_23 : i32
      %mul3A_24 = arith.constant 10240 : i32
      %mul3A_25 = arith.muli %arg0, %mul3A_24 : i32
      %add3A_26 = arith.addi %mul3A_25, %add3A : i32
      "tpu.region"() ({
        %run_scoped3A = tpu.sem_alloc : memref<!tpu.dma_semaphore, #tpu.memory_space<semaphore_mem>>
        %dma_start3A = arith.constant 0 : i32
        %dma_start3A_27 = tpu.memref_slice %arg6[%add3A_26, %dma_start3A] : memref<20480x128xf32, #tpu.memory_space<hbm>> -> memref<128x128xf32, #tpu.memory_space<hbm>>
        %dma_start3A_28 = arith.constant 0 : i32
        %dma_start3A_29 = tpu.memref_slice %arg7[%add3A, %dma_start3A_28] : memref<10240x128xf32, #tpu.memory_space<vmem_shared>> -> memref<128x128xf32, #tpu.memory_space<vmem_shared>>
        tpu.enqueue_dma source(%dma_start3A_29 : memref<128x128xf32, #tpu.memory_space<vmem_shared>>) target(%dma_start3A_27 : memref<128x128xf32, #tpu.memory_space<hbm>>) target_semaphore(%run_scoped3A : memref<!tpu.dma_semaphore, #tpu.memory_space<semaphore_mem>>)
        %dma_wait3A = arith.constant 0 : i32
        %dma_wait3A_30 = tpu.memref_slice %arg6[%add3A_26, %dma_wait3A] : memref<20480x128xf32, #tpu.memory_space<hbm>> -> memref<128x128xf32, #tpu.memory_space<hbm>>
        %dma_wait3A_31 = arith.constant 0 : i32
        %dma_wait3A_32 = tpu.memref_slice %arg7[%add3A, %dma_wait3A_31] : memref<10240x128xf32, #tpu.memory_space<vmem_shared>> -> memref<128x128xf32, #tpu.memory_space<vmem_shared>>
        tpu.wait_dma2 semaphore(%run_scoped3A : memref<!tpu.dma_semaphore, #tpu.memory_space<semaphore_mem>>) src(%dma_wait3A_32 : memref<128x128xf32, #tpu.memory_space<vmem_shared>>) dst(%dma_wait3A_30 : memref<128x128xf32, #tpu.memory_space<hbm>>)
        tpu.yield
      }) : () -> ()
    }
    %scan3A_18 = arith.constant 5 : i32
    return
  }
}

#map = affine_map<(d0, d1) -> (0, 0)>
#map1 = affine_map<(d0, d1) -> (0)>
module attributes {stable_mosaic.version = 14 : i64} {
  func.func @_edge_body(%arg0: i32, %arg1: i32, %arg2: memref<10240x256xf32, #tpu.memory_space<hbm>>, %arg3: memref<10240x256xf32, #tpu.memory_space<hbm>>, %arg4: memref<163840xi32, #tpu.memory_space<hbm>>, %arg5: memref<163840xi32, #tpu.memory_space<hbm>>, %arg6: memref<256xf32, #tpu.memory_space<hbm>>, %arg7: memref<16xf32, #tpu.memory_space<hbm>>, %arg8: memref<163840xf32, #tpu.memory_space<hbm>>, %arg9: memref<128xi32, #tpu.memory_space<vmem>>, %arg10: memref<128xi32, #tpu.memory_space<vmem>>, %arg11: memref<128x256xf32, #tpu.memory_space<vmem>>, %arg12: memref<128x256xf32, #tpu.memory_space<vmem>>, %arg13: memref<256xf32, #tpu.memory_space<vmem>>, %arg14: memref<16xf32, #tpu.memory_space<vmem>>, %arg15: memref<128xf32, #tpu.memory_space<vmem>>, %arg16: memref<!tpu.dma_semaphore, #tpu.memory_space<semaphore_mem>>, %arg17: memref<!tpu.dma_semaphore, #tpu.memory_space<semaphore_mem>>) attributes {dimension_semantics = [#tpu.dimension_semantics<core_parallel>, #tpu.dimension_semantics<subcore_parallel>], iteration_bounds = array<i64: 2, 16>, scalar_prefetch = 0 : i64, scratch_operands = 9 : i64, tpu.core_type = #tpu.core_type<sc_vector_subcore>, window_params = [{transform_indices = #map}, {transform_indices = #map}, {transform_indices = #map1}, {transform_indices = #map1}, {transform_indices = #map1}, {transform_indices = #map1}, {transform_indices = #map1}]} {
    %mul3A = arith.constant 2 : i32
    %mul3A_0 = arith.muli %arg1, %mul3A : i32
    %add3A = arith.addi %mul3A_0, %arg0 : i32
    %mul3A_1 = arith.constant 5120 : i32
    %mul3A_2 = arith.muli %add3A, %mul3A_1 : i32
    "tpu.region"() ({
      %run_scoped3A = tpu.sem_alloc : memref<!tpu.dma_semaphore, #tpu.memory_space<semaphore_mem>>
      tpu.enqueue_dma source(%arg6 : memref<256xf32, #tpu.memory_space<hbm>>) target(%arg13 : memref<256xf32, #tpu.memory_space<vmem>>) target_semaphore(%run_scoped3A : memref<!tpu.dma_semaphore, #tpu.memory_space<semaphore_mem>>)
      tpu.wait_dma2 semaphore(%run_scoped3A : memref<!tpu.dma_semaphore, #tpu.memory_space<semaphore_mem>>) src(%arg6 : memref<256xf32, #tpu.memory_space<hbm>>) dst(%arg13 : memref<256xf32, #tpu.memory_space<vmem>>)
      tpu.yield
    }) : () -> ()
    "tpu.region"() ({
      %run_scoped3A = tpu.sem_alloc : memref<!tpu.dma_semaphore, #tpu.memory_space<semaphore_mem>>
      tpu.enqueue_dma source(%arg7 : memref<16xf32, #tpu.memory_space<hbm>>) target(%arg14 : memref<16xf32, #tpu.memory_space<vmem>>) target_semaphore(%run_scoped3A : memref<!tpu.dma_semaphore, #tpu.memory_space<semaphore_mem>>)
      tpu.wait_dma2 semaphore(%run_scoped3A : memref<!tpu.dma_semaphore, #tpu.memory_space<semaphore_mem>>) src(%arg7 : memref<16xf32, #tpu.memory_space<hbm>>) dst(%arg14 : memref<16xf32, #tpu.memory_space<vmem>>)
      tpu.yield
    }) : () -> ()
    %get3A = arith.constant 0 : index
    %get3A_3 = tpu.vector_load %arg14[%get3A] {strides = array<i32>} : memref<16xf32, #tpu.memory_space<vmem>>, vector<16xf32>,
    %iota3A = tpu.iota {dimensions = array<i32: 0>} : vector<16xi32>
    %scan3A = arith.constant 0 : i32
    %scan3A_4 = arith.constant 0 : i32
    %scan3A_5 = arith.constant 40 : i32
    %scan3A_6 = arith.addi %scan3A_4, %scan3A_5 : i32
    %scan3A_7 = arith.constant 1 : i32
    scf.for %scan3A_9 = %scan3A_4 to %scan3A_6 step %scan3A_7  : i32 {
      %mul3A_10 = arith.constant 128 : i32
      %mul3A_11 = arith.muli %scan3A_9, %mul3A_10 : i32
      %add3A_12 = arith.addi %mul3A_2, %mul3A_11 : i32
      "tpu.region"() ({
        %run_scoped3A = tpu.sem_alloc : memref<!tpu.dma_semaphore, #tpu.memory_space<semaphore_mem>>
        %dma_start3A_29 = tpu.memref_slice %arg4[%add3A_12] : memref<163840xi32, #tpu.memory_space<hbm>> -> memref<128xi32, #tpu.memory_space<hbm>>
        %dma_start3A_30 = tpu.memref_slice %arg4[%add3A_12] : memref<163840xi32, #tpu.memory_space<hbm>> -> memref<128xi32, #tpu.memory_space<hbm>>
        tpu.enqueue_dma source(%dma_start3A_30 : memref<128xi32, #tpu.memory_space<hbm>>) target(%arg9 : memref<128xi32, #tpu.memory_space<vmem>>) target_semaphore(%run_scoped3A : memref<!tpu.dma_semaphore, #tpu.memory_space<semaphore_mem>>)
        %dma_wait3A_31 = tpu.memref_slice %arg4[%add3A_12] : memref<163840xi32, #tpu.memory_space<hbm>> -> memref<128xi32, #tpu.memory_space<hbm>>
        %dma_wait3A_32 = tpu.memref_slice %arg4[%add3A_12] : memref<163840xi32, #tpu.memory_space<hbm>> -> memref<128xi32, #tpu.memory_space<hbm>>
        tpu.wait_dma2 semaphore(%run_scoped3A : memref<!tpu.dma_semaphore, #tpu.memory_space<semaphore_mem>>) src(%dma_wait3A_32 : memref<128xi32, #tpu.memory_space<hbm>>) dst(%arg9 : memref<128xi32, #tpu.memory_space<vmem>>)
        tpu.yield
      }) : () -> ()
      "tpu.region"() ({
        %run_scoped3A = tpu.sem_alloc : memref<!tpu.dma_semaphore, #tpu.memory_space<semaphore_mem>>
        %dma_start3A_29 = tpu.memref_slice %arg5[%add3A_12] : memref<163840xi32, #tpu.memory_space<hbm>> -> memref<128xi32, #tpu.memory_space<hbm>>
        %dma_start3A_30 = tpu.memref_slice %arg5[%add3A_12] : memref<163840xi32, #tpu.memory_space<hbm>> -> memref<128xi32, #tpu.memory_space<hbm>>
        tpu.enqueue_dma source(%dma_start3A_30 : memref<128xi32, #tpu.memory_space<hbm>>) target(%arg10 : memref<128xi32, #tpu.memory_space<vmem>>) target_semaphore(%run_scoped3A : memref<!tpu.dma_semaphore, #tpu.memory_space<semaphore_mem>>)
        %dma_wait3A_31 = tpu.memref_slice %arg5[%add3A_12] : memref<163840xi32, #tpu.memory_space<hbm>> -> memref<128xi32, #tpu.memory_space<hbm>>
        %dma_wait3A_32 = tpu.memref_slice %arg5[%add3A_12] : memref<163840xi32, #tpu.memory_space<hbm>> -> memref<128xi32, #tpu.memory_space<hbm>>
        tpu.wait_dma2 semaphore(%run_scoped3A : memref<!tpu.dma_semaphore, #tpu.memory_space<semaphore_mem>>) src(%dma_wait3A_32 : memref<128xi32, #tpu.memory_space<hbm>>) dst(%arg10 : memref<128xi32, #tpu.memory_space<vmem>>)
        tpu.yield
      }) : () -> ()
      %dma_start3A = arith.constant 0 : i32
      %dma_start3A_13 = arith.constant 0 : i32
      %dma_start3A_14 = tpu.memref_slice %arg2[%dma_start3A, %dma_start3A_13] : memref<10240x256xf32, #tpu.memory_space<hbm>> -> memref<10240x256xf32, #tpu.memory_space<hbm>>
      tpu.enqueue_indirect_dma source(%dma_start3A_14 : memref<10240x256xf32, #tpu.memory_space<hbm>>) target(%arg11 : memref<128x256xf32, #tpu.memory_space<vmem>>) offsets(%arg9 : memref<128xi32, #tpu.memory_space<vmem>>) semaphore(%arg16 : memref<!tpu.dma_semaphore, #tpu.memory_space<semaphore_mem>>)
      %dma_start3A_15 = arith.constant 0 : i32
      %dma_start3A_16 = arith.constant 0 : i32
      %dma_start3A_17 = tpu.memref_slice %arg3[%dma_start3A_15, %dma_start3A_16] : memref<10240x256xf32, #tpu.memory_space<hbm>> -> memref<10240x256xf32, #tpu.memory_space<hbm>>
      tpu.enqueue_indirect_dma source(%dma_start3A_17 : memref<10240x256xf32, #tpu.memory_space<hbm>>) target(%arg12 : memref<128x256xf32, #tpu.memory_space<vmem>>) offsets(%arg10 : memref<128xi32, #tpu.memory_space<vmem>>) semaphore(%arg17 : memref<!tpu.dma_semaphore, #tpu.memory_space<semaphore_mem>>)
      %dma_wait3A = arith.constant 0 : i32
      %dma_wait3A_18 = arith.constant 0 : i32
      %dma_wait3A_19 = tpu.memref_slice %arg2[%dma_wait3A, %dma_wait3A_18] : memref<10240x256xf32, #tpu.memory_space<hbm>> -> memref<10240x256xf32, #tpu.memory_space<hbm>>
      tpu.wait_indirect_dma semaphore(%arg16 : memref<!tpu.dma_semaphore, #tpu.memory_space<semaphore_mem>>) src(%dma_wait3A_19 : memref<10240x256xf32, #tpu.memory_space<hbm>>) dst(%arg11 : memref<128x256xf32, #tpu.memory_space<vmem>>)
      %dma_wait3A_20 = arith.constant 0 : i32
      %dma_wait3A_21 = arith.constant 0 : i32
      %dma_wait3A_22 = tpu.memref_slice %arg3[%dma_wait3A_20, %dma_wait3A_21] : memref<10240x256xf32, #tpu.memory_space<hbm>> -> memref<10240x256xf32, #tpu.memory_space<hbm>>
      tpu.wait_indirect_dma semaphore(%arg17 : memref<!tpu.dma_semaphore, #tpu.memory_space<semaphore_mem>>) src(%dma_wait3A_22 : memref<10240x256xf32, #tpu.memory_space<hbm>>) dst(%arg12 : memref<128x256xf32, #tpu.memory_space<vmem>>)
      %scan3A_23 = arith.constant 0 : i32
      %scan3A_24 = arith.constant 0 : i32
      %scan3A_25 = arith.constant 8 : i32
      %scan3A_26 = arith.addi %scan3A_24, %scan3A_25 : i32
      %scan3A_27 = arith.constant 1 : i32
      scf.for %scan3A_29 = %scan3A_24 to %scan3A_26 step %scan3A_27  : i32 {
        %mul3A_30 = arith.constant 16 : i32
        %mul3A_31 = arith.muli %scan3A_29, %mul3A_30 : i32
        %add3A_32 = vector.broadcast %mul3A_31 : i32 to vector<16xi32>
        %add3A_33 = arith.addi %add3A_32, %iota3A : vector<16xi32>
        %scan3A_34 = arith.constant 0 : i32
        %scan3A_35 = arith.constant 16 : i32
        %scan3A_36 = arith.addi %scan3A_34, %scan3A_35 : i32
        %scan3A_37 = arith.constant 1 : i32
        %scan3A_38 = scf.for %scan3A_43 = %scan3A_34 to %scan3A_36 step %scan3A_37 iter_args(%scan3A_44 = %get3A_3) -> (vector<16xf32>)  : i32 {
          %mul3A_45 = arith.constant 16 : i32
          %mul3A_46 = arith.muli %scan3A_43, %mul3A_45 : i32
          %get3A_47 = arith.index_cast %mul3A_46 : i32 to index
          %get3A_48 = tpu.vector_load %arg13[%get3A_47] {strides = array<i32>} : memref<256xf32, #tpu.memory_space<vmem>>, vector<16xf32>,
          %mul3A_49 = arith.constant 16 : i32
          %mul3A_50 = arith.muli %scan3A_43, %mul3A_49 : i32
          %add3A_51 = arith.constant 0 : i32
          %add3A_52 = arith.addi %mul3A_50, %add3A_51 : i32
          %broadcast_in_dim3A = vector.broadcast %add3A_52 : i32 to vector<16xi32>
          %gather3A = tpu.vector_load_idx %arg11[%add3A_33, %broadcast_in_dim3A] : memref<128x256xf32, #tpu.memory_space<vmem>>[vector<16xi32>, vector<16xi32>], vector<16xf32>,
          %gather3A_53 = tpu.vector_load_idx %arg12[%add3A_33, %broadcast_in_dim3A] : memref<128x256xf32, #tpu.memory_space<vmem>>[vector<16xi32>, vector<16xi32>], vector<16xf32>,
          %add3A_54 = arith.addf %gather3A, %gather3A_53 : vector<16xf32>
          %max3A = arith.constant 0.000000e+00 : f32
          %max3A_55 = vector.broadcast %max3A : f32 to vector<16xf32>
          %max3A_56 = arith.maximumf %add3A_54, %max3A_55 : vector<16xf32>
          %slice3A = vector.extract_strided_slice %get3A_48 {offsets = [0], sizes = [1], strides = [1]} : vector<16xf32> to vector<1xf32>
          %squeeze3A = vector.extract %slice3A[0] : f32 from vector<1xf32>
          %mul3A_57 = vector.broadcast %squeeze3A : f32 to vector<16xf32>
          %mul3A_58 = arith.mulf %max3A_56, %mul3A_57 : vector<16xf32>
          %add3A_59 = arith.addf %scan3A_44, %mul3A_58 : vector<16xf32>
          %add3A_60 = arith.constant 1 : i32
          %add3A_61 = arith.addi %mul3A_50, %add3A_60 : i32
          %broadcast_in_dim3A_62 = vector.broadcast %add3A_61 : i32 to vector<16xi32>
          %gather3A_63 = tpu.vector_load_idx %arg11[%add3A_33, %broadcast_in_dim3A_62] : memref<128x256xf32, #tpu.memory_space<vmem>>[vector<16xi32>, vector<16xi32>], vector<16xf32>,
          %gather3A_64 = tpu.vector_load_idx %arg12[%add3A_33, %broadcast_in_dim3A_62] : memref<128x256xf32, #tpu.memory_space<vmem>>[vector<16xi32>, vector<16xi32>], vector<16xf32>,
          %add3A_65 = arith.addf %gather3A_63, %gather3A_64 : vector<16xf32>
          %max3A_66 = arith.constant 0.000000e+00 : f32
          %max3A_67 = vector.broadcast %max3A_66 : f32 to vector<16xf32>
          %max3A_68 = arith.maximumf %add3A_65, %max3A_67 : vector<16xf32>
          %slice3A_69 = vector.extract_strided_slice %get3A_48 {offsets = [1], sizes = [1], strides = [1]} : vector<16xf32> to vector<1xf32>
          %squeeze3A_70 = vector.extract %slice3A_69[0] : f32 from vector<1xf32>
          %mul3A_71 = vector.broadcast %squeeze3A_70 : f32 to vector<16xf32>
          %mul3A_72 = arith.mulf %max3A_68, %mul3A_71 : vector<16xf32>
          %add3A_73 = arith.addf %add3A_59, %mul3A_72 : vector<16xf32>
          %add3A_74 = arith.constant 2 : i32
          %add3A_75 = arith.addi %mul3A_50, %add3A_74 : i32
          %broadcast_in_dim3A_76 = vector.broadcast %add3A_75 : i32 to vector<16xi32>
          %gather3A_77 = tpu.vector_load_idx %arg11[%add3A_33, %broadcast_in_dim3A_76] : memref<128x256xf32, #tpu.memory_space<vmem>>[vector<16xi32>, vector<16xi32>], vector<16xf32>,
          %gather3A_78 = tpu.vector_load_idx %arg12[%add3A_33, %broadcast_in_dim3A_76] : memref<128x256xf32, #tpu.memory_space<vmem>>[vector<16xi32>, vector<16xi32>], vector<16xf32>,
          %add3A_79 = arith.addf %gather3A_77, %gather3A_78 : vector<16xf32>
          %max3A_80 = arith.constant 0.000000e+00 : f32
          %max3A_81 = vector.broadcast %max3A_80 : f32 to vector<16xf32>
          %max3A_82 = arith.maximumf %add3A_79, %max3A_81 : vector<16xf32>
          %slice3A_83 = vector.extract_strided_slice %get3A_48 {offsets = [2], sizes = [1], strides = [1]} : vector<16xf32> to vector<1xf32>
          %squeeze3A_84 = vector.extract %slice3A_83[0] : f32 from vector<1xf32>
          %mul3A_85 = vector.broadcast %squeeze3A_84 : f32 to vector<16xf32>
          %mul3A_86 = arith.mulf %max3A_82, %mul3A_85 : vector<16xf32>
          %add3A_87 = arith.addf %add3A_73, %mul3A_86 : vector<16xf32>
          %add3A_88 = arith.constant 3 : i32
          %add3A_89 = arith.addi %mul3A_50, %add3A_88 : i32
          %broadcast_in_dim3A_90 = vector.broadcast %add3A_89 : i32 to vector<16xi32>
          %gather3A_91 = tpu.vector_load_idx %arg11[%add3A_33, %broadcast_in_dim3A_90] : memref<128x256xf32, #tpu.memory_space<vmem>>[vector<16xi32>, vector<16xi32>], vector<16xf32>,
          %gather3A_92 = tpu.vector_load_idx %arg12[%add3A_33, %broadcast_in_dim3A_90] : memref<128x256xf32, #tpu.memory_space<vmem>>[vector<16xi32>, vector<16xi32>], vector<16xf32>,
          %add3A_93 = arith.addf %gather3A_91, %gather3A_92 : vector<16xf32>
          %max3A_94 = arith.constant 0.000000e+00 : f32
          %max3A_95 = vector.broadcast %max3A_94 : f32 to vector<16xf32>
          %max3A_96 = arith.maximumf %add3A_93, %max3A_95 : vector<16xf32>
          %slice3A_97 = vector.extract_strided_slice %get3A_48 {offsets = [3], sizes = [1], strides = [1]} : vector<16xf32> to vector<1xf32>
          %squeeze3A_98 = vector.extract %slice3A_97[0] : f32 from vector<1xf32>
          %mul3A_99 = vector.broadcast %squeeze3A_98 : f32 to vector<16xf32>
          %mul3A_100 = arith.mulf %max3A_96, %mul3A_99 : vector<16xf32>
          %add3A_101 = arith.addf %add3A_87, %mul3A_100 : vector<16xf32>
          %add3A_102 = arith.constant 4 : i32
          %add3A_103 = arith.addi %mul3A_50, %add3A_102 : i32
          %broadcast_in_dim3A_104 = vector.broadcast %add3A_103 : i32 to vector<16xi32>
          %gather3A_105 = tpu.vector_load_idx %arg11[%add3A_33, %broadcast_in_dim3A_104] : memref<128x256xf32, #tpu.memory_space<vmem>>[vector<16xi32>, vector<16xi32>], vector<16xf32>,
          %gather3A_106 = tpu.vector_load_idx %arg12[%add3A_33, %broadcast_in_dim3A_104] : memref<128x256xf32, #tpu.memory_space<vmem>>[vector<16xi32>, vector<16xi32>], vector<16xf32>,
          %add3A_107 = arith.addf %gather3A_105, %gather3A_106 : vector<16xf32>
          %max3A_108 = arith.constant 0.000000e+00 : f32
          %max3A_109 = vector.broadcast %max3A_108 : f32 to vector<16xf32>
          %max3A_110 = arith.maximumf %add3A_107, %max3A_109 : vector<16xf32>
          %slice3A_111 = vector.extract_strided_slice %get3A_48 {offsets = [4], sizes = [1], strides = [1]} : vector<16xf32> to vector<1xf32>
          %squeeze3A_112 = vector.extract %slice3A_111[0] : f32 from vector<1xf32>
          %mul3A_113 = vector.broadcast %squeeze3A_112 : f32 to vector<16xf32>
          %mul3A_114 = arith.mulf %max3A_110, %mul3A_113 : vector<16xf32>
          %add3A_115 = arith.addf %add3A_101, %mul3A_114 : vector<16xf32>
          %add3A_116 = arith.constant 5 : i32
          %add3A_117 = arith.addi %mul3A_50, %add3A_116 : i32
          %broadcast_in_dim3A_118 = vector.broadcast %add3A_117 : i32 to vector<16xi32>
          %gather3A_119 = tpu.vector_load_idx %arg11[%add3A_33, %broadcast_in_dim3A_118] : memref<128x256xf32, #tpu.memory_space<vmem>>[vector<16xi32>, vector<16xi32>], vector<16xf32>,
          %gather3A_120 = tpu.vector_load_idx %arg12[%add3A_33, %broadcast_in_dim3A_118] : memref<128x256xf32, #tpu.memory_space<vmem>>[vector<16xi32>, vector<16xi32>], vector<16xf32>,
          %add3A_121 = arith.addf %gather3A_119, %gather3A_120 : vector<16xf32>
          %max3A_122 = arith.constant 0.000000e+00 : f32
          %max3A_123 = vector.broadcast %max3A_122 : f32 to vector<16xf32>
          %max3A_124 = arith.maximumf %add3A_121, %max3A_123 : vector<16xf32>
          %slice3A_125 = vector.extract_strided_slice %get3A_48 {offsets = [5], sizes = [1], strides = [1]} : vector<16xf32> to vector<1xf32>
          %squeeze3A_126 = vector.extract %slice3A_125[0] : f32 from vector<1xf32>
          %mul3A_127 = vector.broadcast %squeeze3A_126 : f32 to vector<16xf32>
          %mul3A_128 = arith.mulf %max3A_124, %mul3A_127 : vector<16xf32>
          %add3A_129 = arith.addf %add3A_115, %mul3A_128 : vector<16xf32>
          %add3A_130 = arith.constant 6 : i32
          %add3A_131 = arith.addi %mul3A_50, %add3A_130 : i32
          %broadcast_in_dim3A_132 = vector.broadcast %add3A_131 : i32 to vector<16xi32>
          %gather3A_133 = tpu.vector_load_idx %arg11[%add3A_33, %broadcast_in_dim3A_132] : memref<128x256xf32, #tpu.memory_space<vmem>>[vector<16xi32>, vector<16xi32>], vector<16xf32>,
          %gather3A_134 = tpu.vector_load_idx %arg12[%add3A_33, %broadcast_in_dim3A_132] : memref<128x256xf32, #tpu.memory_space<vmem>>[vector<16xi32>, vector<16xi32>], vector<16xf32>,
          %add3A_135 = arith.addf %gather3A_133, %gather3A_134 : vector<16xf32>
          %max3A_136 = arith.constant 0.000000e+00 : f32
          %max3A_137 = vector.broadcast %max3A_136 : f32 to vector<16xf32>
          %max3A_138 = arith.maximumf %add3A_135, %max3A_137 : vector<16xf32>
          %slice3A_139 = vector.extract_strided_slice %get3A_48 {offsets = [6], sizes = [1], strides = [1]} : vector<16xf32> to vector<1xf32>
          %squeeze3A_140 = vector.extract %slice3A_139[0] : f32 from vector<1xf32>
          %mul3A_141 = vector.broadcast %squeeze3A_140 : f32 to vector<16xf32>
          %mul3A_142 = arith.mulf %max3A_138, %mul3A_141 : vector<16xf32>
          %add3A_143 = arith.addf %add3A_129, %mul3A_142 : vector<16xf32>
          %add3A_144 = arith.constant 7 : i32
          %add3A_145 = arith.addi %mul3A_50, %add3A_144 : i32
          %broadcast_in_dim3A_146 = vector.broadcast %add3A_145 : i32 to vector<16xi32>
          %gather3A_147 = tpu.vector_load_idx %arg11[%add3A_33, %broadcast_in_dim3A_146] : memref<128x256xf32, #tpu.memory_space<vmem>>[vector<16xi32>, vector<16xi32>], vector<16xf32>,
          %gather3A_148 = tpu.vector_load_idx %arg12[%add3A_33, %broadcast_in_dim3A_146] : memref<128x256xf32, #tpu.memory_space<vmem>>[vector<16xi32>, vector<16xi32>], vector<16xf32>,
          %add3A_149 = arith.addf %gather3A_147, %gather3A_148 : vector<16xf32>
          %max3A_150 = arith.constant 0.000000e+00 : f32
          %max3A_151 = vector.broadcast %max3A_150 : f32 to vector<16xf32>
          %max3A_152 = arith.maximumf %add3A_149, %max3A_151 : vector<16xf32>
          %slice3A_153 = vector.extract_strided_slice %get3A_48 {offsets = [7], sizes = [1], strides = [1]} : vector<16xf32> to vector<1xf32>
          %squeeze3A_154 = vector.extract %slice3A_153[0] : f32 from vector<1xf32>
          %mul3A_155 = vector.broadcast %squeeze3A_154 : f32 to vector<16xf32>
          %mul3A_156 = arith.mulf %max3A_152, %mul3A_155 : vector<16xf32>
          %add3A_157 = arith.addf %add3A_143, %mul3A_156 : vector<16xf32>
          %add3A_158 = arith.constant 8 : i32
          %add3A_159 = arith.addi %mul3A_50, %add3A_158 : i32
          %broadcast_in_dim3A_160 = vector.broadcast %add3A_159 : i32 to vector<16xi32>
          %gather3A_161 = tpu.vector_load_idx %arg11[%add3A_33, %broadcast_in_dim3A_160] : memref<128x256xf32, #tpu.memory_space<vmem>>[vector<16xi32>, vector<16xi32>], vector<16xf32>,
          %gather3A_162 = tpu.vector_load_idx %arg12[%add3A_33, %broadcast_in_dim3A_160] : memref<128x256xf32, #tpu.memory_space<vmem>>[vector<16xi32>, vector<16xi32>], vector<16xf32>,
          %add3A_163 = arith.addf %gather3A_161, %gather3A_162 : vector<16xf32>
          %max3A_164 = arith.constant 0.000000e+00 : f32
          %max3A_165 = vector.broadcast %max3A_164 : f32 to vector<16xf32>
          %max3A_166 = arith.maximumf %add3A_163, %max3A_165 : vector<16xf32>
          %slice3A_167 = vector.extract_strided_slice %get3A_48 {offsets = [8], sizes = [1], strides = [1]} : vector<16xf32> to vector<1xf32>
          %squeeze3A_168 = vector.extract %slice3A_167[0] : f32 from vector<1xf32>
          %mul3A_169 = vector.broadcast %squeeze3A_168 : f32 to vector<16xf32>
          %mul3A_170 = arith.mulf %max3A_166, %mul3A_169 : vector<16xf32>
          %add3A_171 = arith.addf %add3A_157, %mul3A_170 : vector<16xf32>
          %add3A_172 = arith.constant 9 : i32
          %add3A_173 = arith.addi %mul3A_50, %add3A_172 : i32
          %broadcast_in_dim3A_174 = vector.broadcast %add3A_173 : i32 to vector<16xi32>
          %gather3A_175 = tpu.vector_load_idx %arg11[%add3A_33, %broadcast_in_dim3A_174] : memref<128x256xf32, #tpu.memory_space<vmem>>[vector<16xi32>, vector<16xi32>], vector<16xf32>,
          %gather3A_176 = tpu.vector_load_idx %arg12[%add3A_33, %broadcast_in_dim3A_174] : memref<128x256xf32, #tpu.memory_space<vmem>>[vector<16xi32>, vector<16xi32>], vector<16xf32>,
          %add3A_177 = arith.addf %gather3A_175, %gather3A_176 : vector<16xf32>
          %max3A_178 = arith.constant 0.000000e+00 : f32
          %max3A_179 = vector.broadcast %max3A_178 : f32 to vector<16xf32>
          %max3A_180 = arith.maximumf %add3A_177, %max3A_179 : vector<16xf32>
          %slice3A_181 = vector.extract_strided_slice %get3A_48 {offsets = [9], sizes = [1], strides = [1]} : vector<16xf32> to vector<1xf32>
          %squeeze3A_182 = vector.extract %slice3A_181[0] : f32 from vector<1xf32>
          %mul3A_183 = vector.broadcast %squeeze3A_182 : f32 to vector<16xf32>
          %mul3A_184 = arith.mulf %max3A_180, %mul3A_183 : vector<16xf32>
          %add3A_185 = arith.addf %add3A_171, %mul3A_184 : vector<16xf32>
          %add3A_186 = arith.constant 10 : i32
          %add3A_187 = arith.addi %mul3A_50, %add3A_186 : i32
          %broadcast_in_dim3A_188 = vector.broadcast %add3A_187 : i32 to vector<16xi32>
          %gather3A_189 = tpu.vector_load_idx %arg11[%add3A_33, %broadcast_in_dim3A_188] : memref<128x256xf32, #tpu.memory_space<vmem>>[vector<16xi32>, vector<16xi32>], vector<16xf32>,
          %gather3A_190 = tpu.vector_load_idx %arg12[%add3A_33, %broadcast_in_dim3A_188] : memref<128x256xf32, #tpu.memory_space<vmem>>[vector<16xi32>, vector<16xi32>], vector<16xf32>,
          %add3A_191 = arith.addf %gather3A_189, %gather3A_190 : vector<16xf32>
          %max3A_192 = arith.constant 0.000000e+00 : f32
          %max3A_193 = vector.broadcast %max3A_192 : f32 to vector<16xf32>
          %max3A_194 = arith.maximumf %add3A_191, %max3A_193 : vector<16xf32>
          %slice3A_195 = vector.extract_strided_slice %get3A_48 {offsets = [10], sizes = [1], strides = [1]} : vector<16xf32> to vector<1xf32>
          %squeeze3A_196 = vector.extract %slice3A_195[0] : f32 from vector<1xf32>
          %mul3A_197 = vector.broadcast %squeeze3A_196 : f32 to vector<16xf32>
          %mul3A_198 = arith.mulf %max3A_194, %mul3A_197 : vector<16xf32>
          %add3A_199 = arith.addf %add3A_185, %mul3A_198 : vector<16xf32>
          %add3A_200 = arith.constant 11 : i32
          %add3A_201 = arith.addi %mul3A_50, %add3A_200 : i32
          %broadcast_in_dim3A_202 = vector.broadcast %add3A_201 : i32 to vector<16xi32>
          %gather3A_203 = tpu.vector_load_idx %arg11[%add3A_33, %broadcast_in_dim3A_202] : memref<128x256xf32, #tpu.memory_space<vmem>>[vector<16xi32>, vector<16xi32>], vector<16xf32>,
          %gather3A_204 = tpu.vector_load_idx %arg12[%add3A_33, %broadcast_in_dim3A_202] : memref<128x256xf32, #tpu.memory_space<vmem>>[vector<16xi32>, vector<16xi32>], vector<16xf32>,
          %add3A_205 = arith.addf %gather3A_203, %gather3A_204 : vector<16xf32>
          %max3A_206 = arith.constant 0.000000e+00 : f32
          %max3A_207 = vector.broadcast %max3A_206 : f32 to vector<16xf32>
          %max3A_208 = arith.maximumf %add3A_205, %max3A_207 : vector<16xf32>
          %slice3A_209 = vector.extract_strided_slice %get3A_48 {offsets = [11], sizes = [1], strides = [1]} : vector<16xf32> to vector<1xf32>
          %squeeze3A_210 = vector.extract %slice3A_209[0] : f32 from vector<1xf32>
          %mul3A_211 = vector.broadcast %squeeze3A_210 : f32 to vector<16xf32>
          %mul3A_212 = arith.mulf %max3A_208, %mul3A_211 : vector<16xf32>
          %add3A_213 = arith.addf %add3A_199, %mul3A_212 : vector<16xf32>
          %add3A_214 = arith.constant 12 : i32
          %add3A_215 = arith.addi %mul3A_50, %add3A_214 : i32
          %broadcast_in_dim3A_216 = vector.broadcast %add3A_215 : i32 to vector<16xi32>
          %gather3A_217 = tpu.vector_load_idx %arg11[%add3A_33, %broadcast_in_dim3A_216] : memref<128x256xf32, #tpu.memory_space<vmem>>[vector<16xi32>, vector<16xi32>], vector<16xf32>,
          %gather3A_218 = tpu.vector_load_idx %arg12[%add3A_33, %broadcast_in_dim3A_216] : memref<128x256xf32, #tpu.memory_space<vmem>>[vector<16xi32>, vector<16xi32>], vector<16xf32>,
          %add3A_219 = arith.addf %gather3A_217, %gather3A_218 : vector<16xf32>
          %max3A_220 = arith.constant 0.000000e+00 : f32
          %max3A_221 = vector.broadcast %max3A_220 : f32 to vector<16xf32>
          %max3A_222 = arith.maximumf %add3A_219, %max3A_221 : vector<16xf32>
          %slice3A_223 = vector.extract_strided_slice %get3A_48 {offsets = [12], sizes = [1], strides = [1]} : vector<16xf32> to vector<1xf32>
          %squeeze3A_224 = vector.extract %slice3A_223[0] : f32 from vector<1xf32>
          %mul3A_225 = vector.broadcast %squeeze3A_224 : f32 to vector<16xf32>
          %mul3A_226 = arith.mulf %max3A_222, %mul3A_225 : vector<16xf32>
          %add3A_227 = arith.addf %add3A_213, %mul3A_226 : vector<16xf32>
          %add3A_228 = arith.constant 13 : i32
          %add3A_229 = arith.addi %mul3A_50, %add3A_228 : i32
          %broadcast_in_dim3A_230 = vector.broadcast %add3A_229 : i32 to vector<16xi32>
          %gather3A_231 = tpu.vector_load_idx %arg11[%add3A_33, %broadcast_in_dim3A_230] : memref<128x256xf32, #tpu.memory_space<vmem>>[vector<16xi32>, vector<16xi32>], vector<16xf32>,
          %gather3A_232 = tpu.vector_load_idx %arg12[%add3A_33, %broadcast_in_dim3A_230] : memref<128x256xf32, #tpu.memory_space<vmem>>[vector<16xi32>, vector<16xi32>], vector<16xf32>,
          %add3A_233 = arith.addf %gather3A_231, %gather3A_232 : vector<16xf32>
          %max3A_234 = arith.constant 0.000000e+00 : f32
          %max3A_235 = vector.broadcast %max3A_234 : f32 to vector<16xf32>
          %max3A_236 = arith.maximumf %add3A_233, %max3A_235 : vector<16xf32>
          %slice3A_237 = vector.extract_strided_slice %get3A_48 {offsets = [13], sizes = [1], strides = [1]} : vector<16xf32> to vector<1xf32>
          %squeeze3A_238 = vector.extract %slice3A_237[0] : f32 from vector<1xf32>
          %mul3A_239 = vector.broadcast %squeeze3A_238 : f32 to vector<16xf32>
          %mul3A_240 = arith.mulf %max3A_236, %mul3A_239 : vector<16xf32>
          %add3A_241 = arith.addf %add3A_227, %mul3A_240 : vector<16xf32>
          %add3A_242 = arith.constant 14 : i32
          %add3A_243 = arith.addi %mul3A_50, %add3A_242 : i32
          %broadcast_in_dim3A_244 = vector.broadcast %add3A_243 : i32 to vector<16xi32>
          %gather3A_245 = tpu.vector_load_idx %arg11[%add3A_33, %broadcast_in_dim3A_244] : memref<128x256xf32, #tpu.memory_space<vmem>>[vector<16xi32>, vector<16xi32>], vector<16xf32>,
          %gather3A_246 = tpu.vector_load_idx %arg12[%add3A_33, %broadcast_in_dim3A_244] : memref<128x256xf32, #tpu.memory_space<vmem>>[vector<16xi32>, vector<16xi32>], vector<16xf32>,
          %add3A_247 = arith.addf %gather3A_245, %gather3A_246 : vector<16xf32>
          %max3A_248 = arith.constant 0.000000e+00 : f32
          %max3A_249 = vector.broadcast %max3A_248 : f32 to vector<16xf32>
          %max3A_250 = arith.maximumf %add3A_247, %max3A_249 : vector<16xf32>
          %slice3A_251 = vector.extract_strided_slice %get3A_48 {offsets = [14], sizes = [1], strides = [1]} : vector<16xf32> to vector<1xf32>
          %squeeze3A_252 = vector.extract %slice3A_251[0] : f32 from vector<1xf32>
          %mul3A_253 = vector.broadcast %squeeze3A_252 : f32 to vector<16xf32>
          %mul3A_254 = arith.mulf %max3A_250, %mul3A_253 : vector<16xf32>
          %add3A_255 = arith.addf %add3A_241, %mul3A_254 : vector<16xf32>
          %add3A_256 = arith.constant 15 : i32
          %add3A_257 = arith.addi %mul3A_50, %add3A_256 : i32
          %broadcast_in_dim3A_258 = vector.broadcast %add3A_257 : i32 to vector<16xi32>
          %gather3A_259 = tpu.vector_load_idx %arg11[%add3A_33, %broadcast_in_dim3A_258] : memref<128x256xf32, #tpu.memory_space<vmem>>[vector<16xi32>, vector<16xi32>], vector<16xf32>,
          %gather3A_260 = tpu.vector_load_idx %arg12[%add3A_33, %broadcast_in_dim3A_258] : memref<128x256xf32, #tpu.memory_space<vmem>>[vector<16xi32>, vector<16xi32>], vector<16xf32>,
          %add3A_261 = arith.addf %gather3A_259, %gather3A_260 : vector<16xf32>
          %max3A_262 = arith.constant 0.000000e+00 : f32
          %max3A_263 = vector.broadcast %max3A_262 : f32 to vector<16xf32>
          %max3A_264 = arith.maximumf %add3A_261, %max3A_263 : vector<16xf32>
          %slice3A_265 = vector.extract_strided_slice %get3A_48 {offsets = [15], sizes = [1], strides = [1]} : vector<16xf32> to vector<1xf32>
          %squeeze3A_266 = vector.extract %slice3A_265[0] : f32 from vector<1xf32>
          %mul3A_267 = vector.broadcast %squeeze3A_266 : f32 to vector<16xf32>
          %mul3A_268 = arith.mulf %max3A_264, %mul3A_267 : vector<16xf32>
          %add3A_269 = arith.addf %add3A_255, %mul3A_268 : vector<16xf32>
          scf.yield %add3A_269 : vector<16xf32>
        }
        %scan3A_39 = arith.constant 16 : i32
        %mul3A_40 = arith.constant 16 : i32
        %mul3A_41 = arith.muli %scan3A_29, %mul3A_40 : i32
        %swap3A = arith.index_cast %mul3A_41 : i32 to index
        %swap3A_42 = tpu.vector_load %arg15[%swap3A] {strides = array<i32>} : memref<128xf32, #tpu.memory_space<vmem>>, vector<16xf32>,
        tpu.vector_store %arg15[%swap3A], %scan3A_38 {strides = array<i32>} : memref<128xf32, #tpu.memory_space<vmem>>, vector<16xf32>,
      }
      %scan3A_28 = arith.constant 8 : i32
      "tpu.region"() ({
        %run_scoped3A = tpu.sem_alloc : memref<!tpu.dma_semaphore, #tpu.memory_space<semaphore_mem>>
        %dma_start3A_29 = tpu.memref_slice %arg8[%add3A_12] : memref<163840xf32, #tpu.memory_space<hbm>> -> memref<128xf32, #tpu.memory_space<hbm>>
        %dma_start3A_30 = tpu.memref_slice %arg8[%add3A_12] : memref<163840xf32, #tpu.memory_space<hbm>> -> memref<128xf32, #tpu.memory_space<hbm>>
        tpu.enqueue_dma source(%arg15 : memref<128xf32, #tpu.memory_space<vmem>>) target(%dma_start3A_30 : memref<128xf32, #tpu.memory_space<hbm>>) target_semaphore(%run_scoped3A : memref<!tpu.dma_semaphore, #tpu.memory_space<semaphore_mem>>)
        %dma_wait3A_31 = tpu.memref_slice %arg8[%add3A_12] : memref<163840xf32, #tpu.memory_space<hbm>> -> memref<128xf32, #tpu.memory_space<hbm>>
        %dma_wait3A_32 = tpu.memref_slice %arg8[%add3A_12] : memref<163840xf32, #tpu.memory_space<hbm>> -> memref<128xf32, #tpu.memory_space<hbm>>
        tpu.wait_dma2 semaphore(%run_scoped3A : memref<!tpu.dma_semaphore, #tpu.memory_space<semaphore_mem>>) src(%arg15 : memref<128xf32, #tpu.memory_space<vmem>>) dst(%dma_wait3A_32 : memref<128xf32, #tpu.memory_space<hbm>>)
        tpu.yield
      }) : () -> ()
    }
    %scan3A_8 = arith.constant 40 : i32
    return
  }
}

#map = affine_map<(d0, d1) -> (0, 0)>
#map1 = affine_map<(d0, d1) -> (0)>
module attributes {stable_mosaic.version = 14 : i64} {
  func.func @_conv_body(%arg0: i32, %arg1: i32, %arg2: memref<20480x128xf32, #tpu.memory_space<hbm>>, %arg3: memref<163840xi32, #tpu.memory_space<hbm>>, %arg4: memref<163840xi32, #tpu.memory_space<hbm>>, %arg5: memref<128x128xf32, #tpu.memory_space<hbm>>, %arg6: memref<20480x128xf32, #tpu.memory_space<hbm>>, %arg7: memref<10240x128xf32, #tpu.memory_space<vmem_shared>>, %arg8: memref<128xi32, #tpu.memory_space<vmem>>, %arg9: memref<128xi32, #tpu.memory_space<vmem>>, %arg10: memref<128xi32, #tpu.memory_space<vmem>>, %arg11: memref<128x128xf32, #tpu.memory_space<vmem>>, %arg12: memref<!tpu.dma_semaphore, #tpu.memory_space<semaphore_mem>>) attributes {dimension_semantics = [#tpu.dimension_semantics<core_parallel>, #tpu.dimension_semantics<subcore_parallel>], iteration_bounds = array<i64: 2, 16>, scalar_prefetch = 0 : i64, scratch_operands = 6 : i64, tpu.core_type = #tpu.core_type<sc_vector_subcore>, window_params = [{transform_indices = #map}, {transform_indices = #map1}, {transform_indices = #map1}, {transform_indices = #map}, {transform_indices = #map}]} {
    %scan3A = arith.constant 0 : i32
    %scan3A_0 = arith.constant 0 : i32
    %scan3A_1 = arith.constant 5 : i32
    %scan3A_2 = arith.addi %scan3A_0, %scan3A_1 : i32
    %scan3A_3 = arith.constant 1 : i32
    scf.for %scan3A_19 = %scan3A_0 to %scan3A_2 step %scan3A_3  : i32 {
      %mul3A_20 = arith.constant 640 : i32
      %mul3A_21 = arith.muli %arg1, %mul3A_20 : i32
      %mul3A_22 = arith.constant 128 : i32
      %mul3A_23 = arith.muli %scan3A_19, %mul3A_22 : i32
      %add3A = arith.addi %mul3A_21, %mul3A_23 : i32
      "tpu.region"() ({
        %run_scoped3A = tpu.sem_alloc : memref<!tpu.dma_semaphore, #tpu.memory_space<semaphore_mem>>
        %dma_start3A = arith.constant 0 : i32
        %dma_start3A_24 = tpu.memref_slice %arg7[%add3A, %dma_start3A] : memref<10240x128xf32, #tpu.memory_space<vmem_shared>> -> memref<128x128xf32, #tpu.memory_space<vmem_shared>>
        tpu.enqueue_dma source(%arg5 : memref<128x128xf32, #tpu.memory_space<hbm>>) target(%dma_start3A_24 : memref<128x128xf32, #tpu.memory_space<vmem_shared>>) target_semaphore(%run_scoped3A : memref<!tpu.dma_semaphore, #tpu.memory_space<semaphore_mem>>)
        %dma_wait3A = arith.constant 0 : i32
        %dma_wait3A_25 = tpu.memref_slice %arg7[%add3A, %dma_wait3A] : memref<10240x128xf32, #tpu.memory_space<vmem_shared>> -> memref<128x128xf32, #tpu.memory_space<vmem_shared>>
        tpu.wait_dma2 semaphore(%run_scoped3A : memref<!tpu.dma_semaphore, #tpu.memory_space<semaphore_mem>>) src(%arg5 : memref<128x128xf32, #tpu.memory_space<hbm>>) dst(%dma_wait3A_25 : memref<128x128xf32, #tpu.memory_space<vmem_shared>>)
        tpu.yield
      }) : () -> ()
    }
    %scan3A_4 = arith.constant 5 : i32
    %barrier3A = arith.constant 0 : index
    tpu.barrier barrier_id(%barrier3A)
    %mul3A = arith.constant 10240 : i32
    %mul3A_5 = arith.muli %arg0, %mul3A : i32
    %scan3A_6 = arith.constant 0 : i32
    %scan3A_7 = arith.constant 0 : i32
    %scan3A_8 = arith.constant 80 : i32
    %scan3A_9 = arith.addi %scan3A_7, %scan3A_8 : i32
    %scan3A_10 = arith.constant 1 : i32
    scf.for %scan3A_19 = %scan3A_7 to %scan3A_9 step %scan3A_10  : i32 {
      %mul3A_20 = arith.constant 10240 : i32
      %mul3A_21 = arith.muli %arg1, %mul3A_20 : i32
      %mul3A_22 = arith.constant 128 : i32
      %mul3A_23 = arith.muli %scan3A_19, %mul3A_22 : i32
      %add3A = arith.addi %mul3A_21, %mul3A_23 : i32
      "tpu.region"() ({
        %run_scoped3A = tpu.sem_alloc : memref<!tpu.dma_semaphore, #tpu.memory_space<semaphore_mem>>
        %dma_start3A_74 = tpu.memref_slice %arg3[%add3A] : memref<163840xi32, #tpu.memory_space<hbm>> -> memref<128xi32, #tpu.memory_space<hbm>>
        %dma_start3A_75 = tpu.memref_slice %arg3[%add3A] : memref<163840xi32, #tpu.memory_space<hbm>> -> memref<128xi32, #tpu.memory_space<hbm>>
        tpu.enqueue_dma source(%dma_start3A_75 : memref<128xi32, #tpu.memory_space<hbm>>) target(%arg8 : memref<128xi32, #tpu.memory_space<vmem>>) target_semaphore(%run_scoped3A : memref<!tpu.dma_semaphore, #tpu.memory_space<semaphore_mem>>)
        %dma_wait3A_76 = tpu.memref_slice %arg3[%add3A] : memref<163840xi32, #tpu.memory_space<hbm>> -> memref<128xi32, #tpu.memory_space<hbm>>
        %dma_wait3A_77 = tpu.memref_slice %arg3[%add3A] : memref<163840xi32, #tpu.memory_space<hbm>> -> memref<128xi32, #tpu.memory_space<hbm>>
        tpu.wait_dma2 semaphore(%run_scoped3A : memref<!tpu.dma_semaphore, #tpu.memory_space<semaphore_mem>>) src(%dma_wait3A_77 : memref<128xi32, #tpu.memory_space<hbm>>) dst(%arg8 : memref<128xi32, #tpu.memory_space<vmem>>)
        tpu.yield
      }) : () -> ()
      %get3A = arith.constant 0 : index
      %get3A_24 = tpu.vector_load %arg8[%get3A] {strides = array<i32>} : memref<128xi32, #tpu.memory_space<vmem>>, vector<16xi32>,
      %add3A_25 = vector.broadcast %mul3A_5 : i32 to vector<16xi32>
      %add3A_26 = arith.addi %get3A_24, %add3A_25 : vector<16xi32>
      %swap3A = arith.constant 0 : index
      %swap3A_27 = tpu.vector_load %arg9[%swap3A] {strides = array<i32>} : memref<128xi32, #tpu.memory_space<vmem>>, vector<16xi32>,
      tpu.vector_store %arg9[%swap3A], %add3A_26 {strides = array<i32>} : memref<128xi32, #tpu.memory_space<vmem>>, vector<16xi32>,
      %get3A_28 = arith.constant 16 : index
      %get3A_29 = tpu.vector_load %arg8[%get3A_28] {strides = array<i32>} : memref<128xi32, #tpu.memory_space<vmem>>, vector<16xi32>,
      %add3A_30 = vector.broadcast %mul3A_5 : i32 to vector<16xi32>
      %add3A_31 = arith.addi %get3A_29, %add3A_30 : vector<16xi32>
      %swap3A_32 = arith.constant 16 : index
      %swap3A_33 = tpu.vector_load %arg9[%swap3A_32] {strides = array<i32>} : memref<128xi32, #tpu.memory_space<vmem>>, vector<16xi32>,
      tpu.vector_store %arg9[%swap3A_32], %add3A_31 {strides = array<i32>} : memref<128xi32, #tpu.memory_space<vmem>>, vector<16xi32>,
      %get3A_34 = arith.constant 32 : index
      %get3A_35 = tpu.vector_load %arg8[%get3A_34] {strides = array<i32>} : memref<128xi32, #tpu.memory_space<vmem>>, vector<16xi32>,
      %add3A_36 = vector.broadcast %mul3A_5 : i32 to vector<16xi32>
      %add3A_37 = arith.addi %get3A_35, %add3A_36 : vector<16xi32>
      %swap3A_38 = arith.constant 32 : index
      %swap3A_39 = tpu.vector_load %arg9[%swap3A_38] {strides = array<i32>} : memref<128xi32, #tpu.memory_space<vmem>>, vector<16xi32>,
      tpu.vector_store %arg9[%swap3A_38], %add3A_37 {strides = array<i32>} : memref<128xi32, #tpu.memory_space<vmem>>, vector<16xi32>,
      %get3A_40 = arith.constant 48 : index
      %get3A_41 = tpu.vector_load %arg8[%get3A_40] {strides = array<i32>} : memref<128xi32, #tpu.memory_space<vmem>>, vector<16xi32>,
      %add3A_42 = vector.broadcast %mul3A_5 : i32 to vector<16xi32>
      %add3A_43 = arith.addi %get3A_41, %add3A_42 : vector<16xi32>
      %swap3A_44 = arith.constant 48 : index
      %swap3A_45 = tpu.vector_load %arg9[%swap3A_44] {strides = array<i32>} : memref<128xi32, #tpu.memory_space<vmem>>, vector<16xi32>,
      tpu.vector_store %arg9[%swap3A_44], %add3A_43 {strides = array<i32>} : memref<128xi32, #tpu.memory_space<vmem>>, vector<16xi32>,
      %get3A_46 = arith.constant 64 : index
      %get3A_47 = tpu.vector_load %arg8[%get3A_46] {strides = array<i32>} : memref<128xi32, #tpu.memory_space<vmem>>, vector<16xi32>,
      %add3A_48 = vector.broadcast %mul3A_5 : i32 to vector<16xi32>
      %add3A_49 = arith.addi %get3A_47, %add3A_48 : vector<16xi32>
      %swap3A_50 = arith.constant 64 : index
      %swap3A_51 = tpu.vector_load %arg9[%swap3A_50] {strides = array<i32>} : memref<128xi32, #tpu.memory_space<vmem>>, vector<16xi32>,
      tpu.vector_store %arg9[%swap3A_50], %add3A_49 {strides = array<i32>} : memref<128xi32, #tpu.memory_space<vmem>>, vector<16xi32>,
      %get3A_52 = arith.constant 80 : index
      %get3A_53 = tpu.vector_load %arg8[%get3A_52] {strides = array<i32>} : memref<128xi32, #tpu.memory_space<vmem>>, vector<16xi32>,
      %add3A_54 = vector.broadcast %mul3A_5 : i32 to vector<16xi32>
      %add3A_55 = arith.addi %get3A_53, %add3A_54 : vector<16xi32>
      %swap3A_56 = arith.constant 80 : index
      %swap3A_57 = tpu.vector_load %arg9[%swap3A_56] {strides = array<i32>} : memref<128xi32, #tpu.memory_space<vmem>>, vector<16xi32>,
      tpu.vector_store %arg9[%swap3A_56], %add3A_55 {strides = array<i32>} : memref<128xi32, #tpu.memory_space<vmem>>, vector<16xi32>,
      %get3A_58 = arith.constant 96 : index
      %get3A_59 = tpu.vector_load %arg8[%get3A_58] {strides = array<i32>} : memref<128xi32, #tpu.memory_space<vmem>>, vector<16xi32>,
      %add3A_60 = vector.broadcast %mul3A_5 : i32 to vector<16xi32>
      %add3A_61 = arith.addi %get3A_59, %add3A_60 : vector<16xi32>
      %swap3A_62 = arith.constant 96 : index
      %swap3A_63 = tpu.vector_load %arg9[%swap3A_62] {strides = array<i32>} : memref<128xi32, #tpu.memory_space<vmem>>, vector<16xi32>,
      tpu.vector_store %arg9[%swap3A_62], %add3A_61 {strides = array<i32>} : memref<128xi32, #tpu.memory_space<vmem>>, vector<16xi32>,
      %get3A_64 = arith.constant 112 : index
      %get3A_65 = tpu.vector_load %arg8[%get3A_64] {strides = array<i32>} : memref<128xi32, #tpu.memory_space<vmem>>, vector<16xi32>,
      %add3A_66 = vector.broadcast %mul3A_5 : i32 to vector<16xi32>
      %add3A_67 = arith.addi %get3A_65, %add3A_66 : vector<16xi32>
      %swap3A_68 = arith.constant 112 : index
      %swap3A_69 = tpu.vector_load %arg9[%swap3A_68] {strides = array<i32>} : memref<128xi32, #tpu.memory_space<vmem>>, vector<16xi32>,
      tpu.vector_store %arg9[%swap3A_68], %add3A_67 {strides = array<i32>} : memref<128xi32, #tpu.memory_space<vmem>>, vector<16xi32>,
      %dma_start3A = arith.constant 0 : i32
      %dma_start3A_70 = arith.constant 0 : i32
      %dma_start3A_71 = tpu.memref_slice %arg2[%dma_start3A, %dma_start3A_70] : memref<20480x128xf32, #tpu.memory_space<hbm>> -> memref<20480x128xf32, #tpu.memory_space<hbm>>
      tpu.enqueue_indirect_dma source(%dma_start3A_71 : memref<20480x128xf32, #tpu.memory_space<hbm>>) target(%arg11 : memref<128x128xf32, #tpu.memory_space<vmem>>) offsets(%arg9 : memref<128xi32, #tpu.memory_space<vmem>>) semaphore(%arg12 : memref<!tpu.dma_semaphore, #tpu.memory_space<semaphore_mem>>)
      %dma_wait3A = arith.constant 0 : i32
      %dma_wait3A_72 = arith.constant 0 : i32
      %dma_wait3A_73 = tpu.memref_slice %arg2[%dma_wait3A, %dma_wait3A_72] : memref<20480x128xf32, #tpu.memory_space<hbm>> -> memref<20480x128xf32, #tpu.memory_space<hbm>>
      tpu.wait_indirect_dma semaphore(%arg12 : memref<!tpu.dma_semaphore, #tpu.memory_space<semaphore_mem>>) src(%dma_wait3A_73 : memref<20480x128xf32, #tpu.memory_space<hbm>>) dst(%arg11 : memref<128x128xf32, #tpu.memory_space<vmem>>)
      "tpu.region"() ({
        %run_scoped3A = tpu.sem_alloc : memref<!tpu.dma_semaphore, #tpu.memory_space<semaphore_mem>>
        %dma_start3A_74 = tpu.memref_slice %arg4[%add3A] : memref<163840xi32, #tpu.memory_space<hbm>> -> memref<128xi32, #tpu.memory_space<hbm>>
        %dma_start3A_75 = tpu.memref_slice %arg4[%add3A] : memref<163840xi32, #tpu.memory_space<hbm>> -> memref<128xi32, #tpu.memory_space<hbm>>
        tpu.enqueue_dma source(%dma_start3A_75 : memref<128xi32, #tpu.memory_space<hbm>>) target(%arg10 : memref<128xi32, #tpu.memory_space<vmem>>) target_semaphore(%run_scoped3A : memref<!tpu.dma_semaphore, #tpu.memory_space<semaphore_mem>>)
        %dma_wait3A_76 = tpu.memref_slice %arg4[%add3A] : memref<163840xi32, #tpu.memory_space<hbm>> -> memref<128xi32, #tpu.memory_space<hbm>>
        %dma_wait3A_77 = tpu.memref_slice %arg4[%add3A] : memref<163840xi32, #tpu.memory_space<hbm>> -> memref<128xi32, #tpu.memory_space<hbm>>
        tpu.wait_dma2 semaphore(%run_scoped3A : memref<!tpu.dma_semaphore, #tpu.memory_space<semaphore_mem>>) src(%dma_wait3A_77 : memref<128xi32, #tpu.memory_space<hbm>>) dst(%arg10 : memref<128xi32, #tpu.memory_space<vmem>>)
        tpu.yield
      }) : () -> ()
      "tpu.region"() ({
        %run_scoped3A = tpu.sem_alloc : memref<!tpu.dma_semaphore, #tpu.memory_space<semaphore_mem>>
        %dma_start3A_74 = arith.constant 0 : i32
        %dma_start3A_75 = arith.constant 0 : i32
        %dma_start3A_76 = tpu.memref_slice %arg7[%dma_start3A_74, %dma_start3A_75] : memref<10240x128xf32, #tpu.memory_space<vmem_shared>> -> memref<10240x128xf32, #tpu.memory_space<vmem_shared>>
        tpu.enqueue_indirect_dma source(%arg11 : memref<128x128xf32, #tpu.memory_space<vmem>>) target(%dma_start3A_76 : memref<10240x128xf32, #tpu.memory_space<vmem_shared>>) offsets(%arg10 : memref<128xi32, #tpu.memory_space<vmem>>) semaphore(%run_scoped3A : memref<!tpu.dma_semaphore, #tpu.memory_space<semaphore_mem>>) {add = true}
        %dma_wait3A_77 = arith.constant 0 : i32
        %dma_wait3A_78 = arith.constant 0 : i32
        %dma_wait3A_79 = tpu.memref_slice %arg7[%dma_wait3A_77, %dma_wait3A_78] : memref<10240x128xf32, #tpu.memory_space<vmem_shared>> -> memref<10240x128xf32, #tpu.memory_space<vmem_shared>>
        tpu.wait_indirect_dma semaphore(%run_scoped3A : memref<!tpu.dma_semaphore, #tpu.memory_space<semaphore_mem>>) src(%arg11 : memref<128x128xf32, #tpu.memory_space<vmem>>) dst(%dma_wait3A_79 : memref<10240x128xf32, #tpu.memory_space<vmem_shared>>)
        tpu.yield
      }) : () -> ()
    }
    %scan3A_11 = arith.constant 80 : i32
    %barrier3A_12 = arith.constant 0 : index
    tpu.barrier barrier_id(%barrier3A_12)
    %scan3A_13 = arith.constant 0 : i32
    %scan3A_14 = arith.constant 0 : i32
    %scan3A_15 = arith.constant 5 : i32
    %scan3A_16 = arith.addi %scan3A_14, %scan3A_15 : i32
    %scan3A_17 = arith.constant 1 : i32
    scf.for %scan3A_19 = %scan3A_14 to %scan3A_16 step %scan3A_17  : i32 {
      %mul3A_20 = arith.constant 640 : i32
      %mul3A_21 = arith.muli %arg1, %mul3A_20 : i32
      %mul3A_22 = arith.constant 128 : i32
      %mul3A_23 = arith.muli %scan3A_19, %mul3A_22 : i32
      %add3A = arith.addi %mul3A_21, %mul3A_23 : i32
      %mul3A_24 = arith.constant 10240 : i32
      %mul3A_25 = arith.muli %arg0, %mul3A_24 : i32
      %add3A_26 = arith.addi %mul3A_25, %add3A : i32
      "tpu.region"() ({
        %run_scoped3A = tpu.sem_alloc : memref<!tpu.dma_semaphore, #tpu.memory_space<semaphore_mem>>
        %dma_start3A = arith.constant 0 : i32
        %dma_start3A_27 = tpu.memref_slice %arg6[%add3A_26, %dma_start3A] : memref<20480x128xf32, #tpu.memory_space<hbm>> -> memref<128x128xf32, #tpu.memory_space<hbm>>
        %dma_start3A_28 = arith.constant 0 : i32
        %dma_start3A_29 = tpu.memref_slice %arg7[%add3A, %dma_start3A_28] : memref<10240x128xf32, #tpu.memory_space<vmem_shared>> -> memref<128x128xf32, #tpu.memory_space<vmem_shared>>
        tpu.enqueue_dma source(%dma_start3A_29 : memref<128x128xf32, #tpu.memory_space<vmem_shared>>) target(%dma_start3A_27 : memref<128x128xf32, #tpu.memory_space<hbm>>) target_semaphore(%run_scoped3A : memref<!tpu.dma_semaphore, #tpu.memory_space<semaphore_mem>>)
        %dma_wait3A = arith.constant 0 : i32
        %dma_wait3A_30 = tpu.memref_slice %arg6[%add3A_26, %dma_wait3A] : memref<20480x128xf32, #tpu.memory_space<hbm>> -> memref<128x128xf32, #tpu.memory_space<hbm>>
        %dma_wait3A_31 = arith.constant 0 : i32
        %dma_wait3A_32 = tpu.memref_slice %arg7[%add3A, %dma_wait3A_31] : memref<10240x128xf32, #tpu.memory_space<vmem_shared>> -> memref<128x128xf32, #tpu.memory_space<vmem_shared>>
        tpu.wait_dma2 semaphore(%run_scoped3A : memref<!tpu.dma_semaphore, #tpu.memory_space<semaphore_mem>>) src(%dma_wait3A_32 : memref<128x128xf32, #tpu.memory_space<vmem_shared>>) dst(%dma_wait3A_30 : memref<128x128xf32, #tpu.memory_space<hbm>>)
        tpu.yield
      }) : () -> ()
    }
    %scan3A_18 = arith.constant 5 : i32
    return
  }
}

module attributes {stable_mosaic.version = 14 : i64} {
  func.func @_tc1_body(%arg0: i32, %arg1: i32, %arg2: memref<256x256xf32, #tpu.memory_space<vmem>>, %arg3: memref<256x128xf32, #tpu.memory_space<vmem>>, %arg4: memref<256x2xf32, #tpu.memory_space<vmem>>, %arg5: memref<256x128xf32, #tpu.memory_space<vmem>>, %arg6: memref<256x1xf32, #tpu.memory_space<vmem>>) attributes {dimension_semantics = [#tpu.dimension_semantics<arbitrary>, #tpu.dimension_semantics<arbitrary>], iteration_bounds = array<i64: 40, 2>, scalar_prefetch = 0 : i64, scratch_operands = 0 : i64, tpu.core_type = #tpu.core_type<tc>, window_params = [{transform_indices = @transform_0, window_bounds = array<i64: 256, 256>}, {transform_indices = @transform_1, window_bounds = array<i64: 256, 128>}, {transform_indices = @transform_2, window_bounds = array<i64: 256, 2>}, {transform_indices = @transform_3, window_bounds = array<i64: 256, 128>}, {transform_indices = @transform_4, window_bounds = array<i64: 256, 1>}]} {
    %get3A = arith.constant 0 : index
    %get3A_0 = arith.constant 0 : index
    %get3A_1 = vector.load %arg4[%get3A, %get3A_0] : memref<256x2xf32, #tpu.memory_space<vmem>>, vector<256x1xf32>
    %get3A_2 = arith.constant 0 : index
    %get3A_3 = arith.constant 1 : index
    %get3A_4 = vector.load %arg4[%get3A_2, %get3A_3] : memref<256x2xf32, #tpu.memory_space<vmem>>, vector<256x1xf32>
    %add3A = arith.addf %get3A_1, %get3A_4 : vector<256x1xf32>
    %add3A_5 = arith.constant 1.000000e+00 : f32
    %add3A_6 = vector.broadcast %add3A_5 : f32 to vector<256x1xf32>
    %add3A_7 = arith.addf %add3A, %add3A_6 : vector<256x1xf32>
    %rsqrt3A = math.rsqrt %add3A_7 : vector<256x1xf32>
    %get3A_8 = arith.constant 0 : index
    %get3A_9 = arith.constant 0 : index
    %get3A_10 = vector.load %arg2[%get3A_8, %get3A_9] : memref<256x256xf32, #tpu.memory_space<vmem>>, vector<256x256xf32>
    %get3A_11 = arith.constant 0 : index
    %get3A_12 = arith.constant 0 : index
    %get3A_13 = vector.load %arg3[%get3A_11, %get3A_12] : memref<256x128xf32, #tpu.memory_space<vmem>>, vector<256x128xf32>
    %dot_general3A = arith.constant dense<0.000000e+00> : vector<256x128xf32>
    %dot_general3A_14 = tpu.matmul %get3A_10, %get3A_13, %dot_general3A {dimension_numbers = #tpu.dot_dimension_numbers<[1], [0], [0], [1], [0, 0, 1, 1], [], []>, precision = #tpu.contract_precision<fp32>, transpose_lhs_hint = false} : vector<256x256xf32>, vector<256x128xf32>, vector<256x128xf32> -> vector<256x128xf32>
    %mul3A = vector.broadcast %rsqrt3A : vector<256x1xf32> to vector<256x128xf32>
    %mul3A_15 = arith.mulf %dot_general3A_14, %mul3A : vector<256x128xf32>
    %swap3A = arith.constant 0 : index
    %swap3A_16 = arith.constant 0 : index
    %swap3A_17 = vector.load %arg5[%swap3A, %swap3A_16] : memref<256x128xf32, #tpu.memory_space<vmem>>, vector<256x128xf32>
    tpu.vector_store %arg5[%swap3A, %swap3A_16], %mul3A_15 {strides = array<i32>} : memref<256x128xf32, #tpu.memory_space<vmem>>, vector<256x128xf32>,
    %swap3A_18 = arith.constant 0 : index
    %swap3A_19 = arith.constant 0 : index
    %swap3A_20 = vector.load %arg6[%swap3A_18, %swap3A_19] : memref<256x1xf32, #tpu.memory_space<vmem>>, vector<256x1xf32>
    tpu.vector_store %arg6[%swap3A_18, %swap3A_19], %rsqrt3A {strides = array<i32>} : memref<256x1xf32, #tpu.memory_space<vmem>>, vector<256x1xf32>,
    return
  }
  func.func @transform_0(%arg0: i32, %arg1: i32) -> (i32, i32) {
    %c0_i32 = arith.constant 0 : i32
    %c0_i32_0 = arith.constant 0 : i32
    return %arg0, %c0_i32 : i32, i32
  }
  func.func @transform_1(%arg0: i32, %arg1: i32) -> (i32, i32) {
    %c0_i32 = arith.constant 0 : i32
    %c0_i32_0 = arith.constant 0 : i32
    return %c0_i32, %arg1 : i32, i32
  }
  func.func @transform_2(%arg0: i32, %arg1: i32) -> (i32, i32) {
    %c0_i32 = arith.constant 0 : i32
    %c0_i32_0 = arith.constant 0 : i32
    return %arg0, %c0_i32 : i32, i32
  }
  func.func @transform_3(%arg0: i32, %arg1: i32) -> (i32, i32) {
    %mul3A = arith.constant 40 : i32
    %mul3A_0 = arith.muli %arg1, %mul3A : i32
    %add3A = arith.addi %mul3A_0, %arg0 : i32
    %c0_i32 = arith.constant 0 : i32
    %c0_i32_1 = arith.constant 0 : i32
    return %add3A, %c0_i32 : i32, i32
  }
  func.func @transform_4(%arg0: i32, %arg1: i32) -> (i32, i32) {
    %c0_i32 = arith.constant 0 : i32
    %c0_i32_0 = arith.constant 0 : i32
    return %arg0, %c0_i32 : i32, i32
  }
}

module attributes {stable_mosaic.version = 14 : i64} {
  func.func @_tc2_body(%arg0: i32, %arg1: i32, %arg2: memref<256x128xf32, #tpu.memory_space<vmem>>, %arg3: memref<256x128xf32, #tpu.memory_space<vmem>>, %arg4: memref<256x128xf32, #tpu.memory_space<vmem>>, %arg5: memref<256x128xf32, #tpu.memory_space<vmem>>, %arg6: memref<256x1xf32, #tpu.memory_space<vmem>>, %arg7: memref<8x256xf32, #tpu.memory_space<vmem>>, %arg8: memref<256x128xf32, #tpu.memory_space<vmem>>, %arg9: memref<256x128xf32, #tpu.memory_space<vmem>>) attributes {dimension_semantics = [#tpu.dimension_semantics<arbitrary>, #tpu.dimension_semantics<arbitrary>], iteration_bounds = array<i64: 40, 2>, scalar_prefetch = 0 : i64, scratch_operands = 0 : i64, tpu.core_type = #tpu.core_type<tc>, window_params = [{transform_indices = @transform_0, window_bounds = array<i64: 256, 128>}, {transform_indices = @transform_1, window_bounds = array<i64: 256, 128>}, {transform_indices = @transform_2, window_bounds = array<i64: 256, 128>}, {transform_indices = @transform_3, window_bounds = array<i64: 256, 128>}, {transform_indices = @transform_4, window_bounds = array<i64: 256, 1>}, {pipeline_mode = #tpu.pipeline_mode<synchronous>, transform_indices = @transform_5, window_bounds = array<i64: 8, 256>}, {transform_indices = @transform_6, window_bounds = array<i64: 256, 128>}, {transform_indices = @transform_7, window_bounds = array<i64: 256, 128>}]} {
    %get3A = arith.constant 0 : index
    %get3A_0 = arith.constant 0 : index
    %get3A_1 = vector.load %arg2[%get3A, %get3A_0] : memref<256x128xf32, #tpu.memory_space<vmem>>, vector<256x128xf32>
    %get3A_2 = arith.constant 0 : index
    %get3A_3 = arith.constant 0 : index
    %get3A_4 = vector.load %arg4[%get3A_2, %get3A_3] : memref<256x128xf32, #tpu.memory_space<vmem>>, vector<256x128xf32>
    %add3A = arith.addf %get3A_1, %get3A_4 : vector<256x128xf32>
    %get3A_5 = arith.constant 0 : index
    %get3A_6 = arith.constant 0 : index
    %get3A_7 = vector.load %arg3[%get3A_5, %get3A_6] : memref<256x128xf32, #tpu.memory_space<vmem>>, vector<256x128xf32>
    %get3A_8 = arith.constant 0 : index
    %get3A_9 = arith.constant 0 : index
    %get3A_10 = vector.load %arg5[%get3A_8, %get3A_9] : memref<256x128xf32, #tpu.memory_space<vmem>>, vector<256x128xf32>
    %add3A_11 = arith.addf %get3A_7, %get3A_10 : vector<256x128xf32>
    %concatenate3A = tpu.concatenate %add3A, %add3A_11 in 1 : vector<256x128xf32>, vector<256x128xf32> -> vector<256x256xf32>
    %get3A_12 = arith.constant 0 : index
    %get3A_13 = arith.constant 0 : index
    %get3A_14 = vector.load %arg6[%get3A_12, %get3A_13] : memref<256x1xf32, #tpu.memory_space<vmem>>, vector<256x1xf32>
    %mul3A = vector.broadcast %get3A_14 : vector<256x1xf32> to vector<256x256xf32>
    %mul3A_15 = arith.mulf %concatenate3A, %mul3A : vector<256x256xf32>
    %get3A_16 = arith.constant 0 : index
    %get3A_17 = arith.constant 0 : index
    %get3A_18 = vector.load %arg7[%get3A_16, %get3A_17] : memref<8x256xf32, #tpu.memory_space<vmem>>, vector<1x256xf32>
    %add3A_19 = vector.broadcast %get3A_18 : vector<1x256xf32> to vector<256x256xf32>
    %add3A_20 = arith.addf %mul3A_15, %add3A_19 : vector<256x256xf32>
    %max3A = arith.constant 0.000000e+00 : f32
    %max3A_21 = vector.broadcast %max3A : f32 to vector<256x256xf32>
    %max3A_22 = arith.maximumf %add3A_20, %max3A_21 : vector<256x256xf32>
    %get3A_23 = arith.constant 0 : index
    %get3A_24 = arith.constant 0 : index
    %get3A_25 = vector.load %arg8[%get3A_23, %get3A_24] : memref<256x128xf32, #tpu.memory_space<vmem>>, vector<256x128xf32>
    %dot_general3A = arith.constant dense<0.000000e+00> : vector<256x128xf32>
    %dot_general3A_26 = tpu.matmul %max3A_22, %get3A_25, %dot_general3A {dimension_numbers = #tpu.dot_dimension_numbers<[1], [0], [0], [1], [0, 0, 1, 1], [], []>, precision = #tpu.contract_precision<fp32>, transpose_lhs_hint = false} : vector<256x256xf32>, vector<256x128xf32>, vector<256x128xf32> -> vector<256x128xf32>
    %get3A_27 = arith.constant 0 : index
    %get3A_28 = arith.constant 0 : index
    %get3A_29 = vector.load %arg6[%get3A_27, %get3A_28] : memref<256x1xf32, #tpu.memory_space<vmem>>, vector<256x1xf32>
    %mul3A_30 = vector.broadcast %get3A_29 : vector<256x1xf32> to vector<256x128xf32>
    %mul3A_31 = arith.mulf %dot_general3A_26, %mul3A_30 : vector<256x128xf32>
    %swap3A = arith.constant 0 : index
    %swap3A_32 = arith.constant 0 : index
    %swap3A_33 = vector.load %arg9[%swap3A, %swap3A_32] : memref<256x128xf32, #tpu.memory_space<vmem>>, vector<256x128xf32>
    tpu.vector_store %arg9[%swap3A, %swap3A_32], %mul3A_31 {strides = array<i32>} : memref<256x128xf32, #tpu.memory_space<vmem>>, vector<256x128xf32>,
    return
  }
  func.func @transform_0(%arg0: i32, %arg1: i32) -> (i32, i32) {
    %c0_i32 = arith.constant 0 : i32
    %c0_i32_0 = arith.constant 0 : i32
    return %arg0, %c0_i32 : i32, i32
  }
  func.func @transform_1(%arg0: i32, %arg1: i32) -> (i32, i32) {
    %c0_i32 = arith.constant 0 : i32
    %c0_i32_0 = arith.constant 0 : i32
    return %arg0, %c0_i32 : i32, i32
  }
  func.func @transform_2(%arg0: i32, %arg1: i32) -> (i32, i32) {
    %c0_i32 = arith.constant 0 : i32
    %c0_i32_0 = arith.constant 0 : i32
    return %arg0, %c0_i32 : i32, i32
  }
  func.func @transform_3(%arg0: i32, %arg1: i32) -> (i32, i32) {
    %c0_i32 = arith.constant 0 : i32
    %c0_i32_0 = arith.constant 0 : i32
    return %arg0, %c0_i32 : i32, i32
  }
  func.func @transform_4(%arg0: i32, %arg1: i32) -> (i32, i32) {
    %c0_i32 = arith.constant 0 : i32
    %c0_i32_0 = arith.constant 0 : i32
    return %arg0, %c0_i32 : i32, i32
  }
  func.func @transform_5(%arg0: i32, %arg1: i32) -> (i32, i32) {
    %c0_i32 = arith.constant 0 : i32
    %c0_i32_0 = arith.constant 0 : i32
    %c0_i32_1 = arith.constant 0 : i32
    return %c0_i32, %c0_i32_0 : i32, i32
  }
  func.func @transform_6(%arg0: i32, %arg1: i32) -> (i32, i32) {
    %c0_i32 = arith.constant 0 : i32
    %c0_i32_0 = arith.constant 0 : i32
    return %c0_i32, %arg1 : i32, i32
  }
  func.func @transform_7(%arg0: i32, %arg1: i32) -> (i32, i32) {
    %mul3A = arith.constant 40 : i32
    %mul3A_0 = arith.muli %arg1, %mul3A : i32
    %add3A = arith.addi %mul3A_0, %arg0 : i32
    %c0_i32 = arith.constant 0 : i32
    %c0_i32_1 = arith.constant 0 : i32
    return %add3A, %c0_i32 : i32, i32
  }
}

module attributes {stable_mosaic.version = 14 : i64} {
  func.func @_tc3_body(%arg0: i32, %arg1: memref<256x128xf32, #tpu.memory_space<vmem>>, %arg2: memref<256x128xf32, #tpu.memory_space<vmem>>, %arg3: memref<256x128xf32, #tpu.memory_space<vmem>>, %arg4: memref<256x128xf32, #tpu.memory_space<vmem>>, %arg5: memref<256x1xf32, #tpu.memory_space<vmem>>, %arg6: memref<8x256xf32, #tpu.memory_space<vmem>>, %arg7: memref<512x256xf32, #tpu.memory_space<vmem>>, %arg8: memref<8x256xf32, #tpu.memory_space<vmem>>, %arg9: memref<256x256xf32, #tpu.memory_space<vmem>>, %arg10: memref<256x256xf32, #tpu.memory_space<vmem>>) attributes {dimension_semantics = [#tpu.dimension_semantics<arbitrary>], iteration_bounds = array<i64: 40>, scalar_prefetch = 0 : i64, scratch_operands = 0 : i64, tpu.core_type = #tpu.core_type<tc>, window_params = [{transform_indices = @transform_0, window_bounds = array<i64: 256, 128>}, {transform_indices = @transform_1, window_bounds = array<i64: 256, 128>}, {transform_indices = @transform_2, window_bounds = array<i64: 256, 128>}, {transform_indices = @transform_3, window_bounds = array<i64: 256, 128>}, {transform_indices = @transform_4, window_bounds = array<i64: 256, 1>}, {pipeline_mode = #tpu.pipeline_mode<synchronous>, transform_indices = @transform_5, window_bounds = array<i64: 8, 256>}, {pipeline_mode = #tpu.pipeline_mode<synchronous>, transform_indices = @transform_6, window_bounds = array<i64: 512, 256>}, {pipeline_mode = #tpu.pipeline_mode<synchronous>, transform_indices = @transform_7, window_bounds = array<i64: 8, 256>}, {transform_indices = @transform_8, window_bounds = array<i64: 256, 256>}, {transform_indices = @transform_9, window_bounds = array<i64: 256, 256>}]} {
    %get3A = arith.constant 0 : index
    %get3A_0 = arith.constant 0 : index
    %get3A_1 = vector.load %arg1[%get3A, %get3A_0] : memref<256x128xf32, #tpu.memory_space<vmem>>, vector<256x128xf32>
    %get3A_2 = arith.constant 0 : index
    %get3A_3 = arith.constant 0 : index
    %get3A_4 = vector.load %arg3[%get3A_2, %get3A_3] : memref<256x128xf32, #tpu.memory_space<vmem>>, vector<256x128xf32>
    %add3A = arith.addf %get3A_1, %get3A_4 : vector<256x128xf32>
    %get3A_5 = arith.constant 0 : index
    %get3A_6 = arith.constant 0 : index
    %get3A_7 = vector.load %arg2[%get3A_5, %get3A_6] : memref<256x128xf32, #tpu.memory_space<vmem>>, vector<256x128xf32>
    %get3A_8 = arith.constant 0 : index
    %get3A_9 = arith.constant 0 : index
    %get3A_10 = vector.load %arg4[%get3A_8, %get3A_9] : memref<256x128xf32, #tpu.memory_space<vmem>>, vector<256x128xf32>
    %add3A_11 = arith.addf %get3A_7, %get3A_10 : vector<256x128xf32>
    %concatenate3A = tpu.concatenate %add3A, %add3A_11 in 1 : vector<256x128xf32>, vector<256x128xf32> -> vector<256x256xf32>
    %get3A_12 = arith.constant 0 : index
    %get3A_13 = arith.constant 0 : index
    %get3A_14 = vector.load %arg5[%get3A_12, %get3A_13] : memref<256x1xf32, #tpu.memory_space<vmem>>, vector<256x1xf32>
    %mul3A = vector.broadcast %get3A_14 : vector<256x1xf32> to vector<256x256xf32>
    %mul3A_15 = arith.mulf %concatenate3A, %mul3A : vector<256x256xf32>
    %get3A_16 = arith.constant 0 : index
    %get3A_17 = arith.constant 0 : index
    %get3A_18 = vector.load %arg6[%get3A_16, %get3A_17] : memref<8x256xf32, #tpu.memory_space<vmem>>, vector<1x256xf32>
    %add3A_19 = vector.broadcast %get3A_18 : vector<1x256xf32> to vector<256x256xf32>
    %add3A_20 = arith.addf %mul3A_15, %add3A_19 : vector<256x256xf32>
    %get3A_21 = arith.constant 0 : index
    %get3A_22 = arith.constant 0 : index
    %get3A_23 = vector.load %arg7[%get3A_21, %get3A_22] : memref<512x256xf32, #tpu.memory_space<vmem>>, vector<256x256xf32>
    %dot_general3A = arith.constant dense<0.000000e+00> : vector<256x256xf32>
    %dot_general3A_24 = tpu.matmul %add3A_20, %get3A_23, %dot_general3A {dimension_numbers = #tpu.dot_dimension_numbers<[1], [0], [0], [1], [0, 0, 1, 1], [], []>, precision = #tpu.contract_precision<fp32>, transpose_lhs_hint = false} : vector<256x256xf32>, vector<256x256xf32>, vector<256x256xf32> -> vector<256x256xf32>
    %swap3A = arith.constant 0 : index
    %swap3A_25 = arith.constant 0 : index
    %swap3A_26 = vector.load %arg9[%swap3A, %swap3A_25] : memref<256x256xf32, #tpu.memory_space<vmem>>, vector<256x256xf32>
    tpu.vector_store %arg9[%swap3A, %swap3A_25], %dot_general3A_24 {strides = array<i32>} : memref<256x256xf32, #tpu.memory_space<vmem>>, vector<256x256xf32>,
    %get3A_27 = arith.constant 256 : index
    %get3A_28 = arith.constant 0 : index
    %get3A_29 = vector.load %arg7[%get3A_27, %get3A_28] : memref<512x256xf32, #tpu.memory_space<vmem>>, vector<256x256xf32>
    %dot_general3A_30 = arith.constant dense<0.000000e+00> : vector<256x256xf32>
    %dot_general3A_31 = tpu.matmul %add3A_20, %get3A_29, %dot_general3A_30 {dimension_numbers = #tpu.dot_dimension_numbers<[1], [0], [0], [1], [0, 0, 1, 1], [], []>, precision = #tpu.contract_precision<fp32>, transpose_lhs_hint = false} : vector<256x256xf32>, vector<256x256xf32>, vector<256x256xf32> -> vector<256x256xf32>
    %get3A_32 = arith.constant 0 : index
    %get3A_33 = arith.constant 0 : index
    %get3A_34 = vector.load %arg8[%get3A_32, %get3A_33] : memref<8x256xf32, #tpu.memory_space<vmem>>, vector<1x256xf32>
    %add3A_35 = vector.broadcast %get3A_34 : vector<1x256xf32> to vector<256x256xf32>
    %add3A_36 = arith.addf %dot_general3A_31, %add3A_35 : vector<256x256xf32>
    %swap3A_37 = arith.constant 0 : index
    %swap3A_38 = arith.constant 0 : index
    %swap3A_39 = vector.load %arg10[%swap3A_37, %swap3A_38] : memref<256x256xf32, #tpu.memory_space<vmem>>, vector<256x256xf32>
    tpu.vector_store %arg10[%swap3A_37, %swap3A_38], %add3A_36 {strides = array<i32>} : memref<256x256xf32, #tpu.memory_space<vmem>>, vector<256x256xf32>,
    return
  }
  func.func @transform_0(%arg0: i32) -> (i32, i32) {
    %c0_i32 = arith.constant 0 : i32
    %c0_i32_0 = arith.constant 0 : i32
    return %arg0, %c0_i32 : i32, i32
  }
  func.func @transform_1(%arg0: i32) -> (i32, i32) {
    %c0_i32 = arith.constant 0 : i32
    %c0_i32_0 = arith.constant 0 : i32
    return %arg0, %c0_i32 : i32, i32
  }
  func.func @transform_2(%arg0: i32) -> (i32, i32) {
    %c0_i32 = arith.constant 0 : i32
    %c0_i32_0 = arith.constant 0 : i32
    return %arg0, %c0_i32 : i32, i32
  }
  func.func @transform_3(%arg0: i32) -> (i32, i32) {
    %c0_i32 = arith.constant 0 : i32
    %c0_i32_0 = arith.constant 0 : i32
    return %arg0, %c0_i32 : i32, i32
  }
  func.func @transform_4(%arg0: i32) -> (i32, i32) {
    %c0_i32 = arith.constant 0 : i32
    %c0_i32_0 = arith.constant 0 : i32
    return %arg0, %c0_i32 : i32, i32
  }
  func.func @transform_5(%arg0: i32) -> (i32, i32) {
    %c0_i32 = arith.constant 0 : i32
    %c0_i32_0 = arith.constant 0 : i32
    %c0_i32_1 = arith.constant 0 : i32
    return %c0_i32, %c0_i32_0 : i32, i32
  }
  func.func @transform_6(%arg0: i32) -> (i32, i32) {
    %c0_i32 = arith.constant 0 : i32
    %c0_i32_0 = arith.constant 0 : i32
    %c0_i32_1 = arith.constant 0 : i32
    return %c0_i32, %c0_i32_0 : i32, i32
  }
  func.func @transform_7(%arg0: i32) -> (i32, i32) {
    %c0_i32 = arith.constant 0 : i32
    %c0_i32_0 = arith.constant 0 : i32
    %c0_i32_1 = arith.constant 0 : i32
    return %c0_i32, %c0_i32_0 : i32, i32
  }
  func.func @transform_8(%arg0: i32) -> (i32, i32) {
    %c0_i32 = arith.constant 0 : i32
    %c0_i32_0 = arith.constant 0 : i32
    return %arg0, %c0_i32 : i32, i32
  }
  func.func @transform_9(%arg0: i32) -> (i32, i32) {
    %c0_i32 = arith.constant 0 : i32
    %c0_i32_0 = arith.constant 0 : i32
    return %arg0, %c0_i32 : i32, i32
  }
}

</mosaic_0001>

<sc_bundles>
// kernel: kernel.12.cloned.1.call-start
scs
__scs_entry_jumppad:
0x0: {  	(pc) =	sbr.rel $0x88, $3  }
0x1: {  	(tag) =	ssettag $0x0;
	lr =	simm.s32 $0x1  }
0x2: {  	[smem:$0x3F97] =	sst lr;
	_ =	strace $0xD0000000  }
0x3: {  	_ = 	snop  }
0x4: {  	_ = 	snop  }
0x5: {  	_ = 	snop  }
0x6: {  	_ = 	snop  }
0x7: {  	_ = 	snop  }
__scs_overlays_trampoline_lowered:
0x8: {  	[smem:$0x3FA6] =	sst s0  }
0x9: {  	[smem:$0x3FA7] =	sst s1  }
0xa: {  	[smem:$0x3FA8] =	sst s2  }
0xb: {  	[smem:$0x3FA9] =	sst s3  }
0xc: {  	[smem:$0x3FAA] =	sst s4  }
0xd: {  	[smem:$0x3FAB] =	sst s5  }
0xe: {  	[smem:$0x3FAC] =	sst s6  }
0xf: {  	[smem:$0x3FAD] =	sst s7  }
0x10: {  	[smem:$0x3FAE] =	sst s8  }
0x11: {  	[smem:$0x3FAF] =	sst s9;
	s0 =	simm.s32 @!p0 $0x0  }
0x12: {  	s1 =	sld [smem:$0x3F95];
	s0 =	simm.s32 @p0 $0x1  }
0x13: {  	[smem:$0x3FB0] =	sst s0;
	s0 =	simm.s32 @!p1 $0x0  }
0x14: {  	s2 =	sld [smem:$0x3F94];
	s0 =	simm.s32 @p1 $0x1  }
0x15: {  	[smem:$0x3FB1] =	sst s0;
	s0 =	simm.s32 @!p2 $0x0  }
0x16: {  	s3 =	sld [smem:$0x3FDB];
	s0 =	simm.s32 @p2 $0x1  }
0x17: {  	s4 =	simm.s32 $0x1BF5;
	[smem:$0x3FB3] =	sst s0  }
0x18: {  	s0 =	sld [smem:$0x3F96];
	_ =	swait.ge [sflag:s4], $0x0  }
0x19: {  	s7 =	sld [smem:$0x3F97]  }
0x1a: {  	s8 =	sadd.s32 $0xFFFFE003, lr  }
0x1b: {  	s9 =	sadd.s32 $0xFFFFFEF7, lr;
	s5 =	simm.s32 $0xFFFFFFFF;
	p2 =	slt.u32 s8, $0xFFFFF086  }
0x1c: {  	p1 =	slt.u32 s9, $0xF7A;
	s5 =	simm.s32 @!p2 $0x0  }
0x1d: {  	s5 =	simm.s32 @p1 $0x1;
	p0 =	seq.s32 s7, s2  }
0x1e: {  	s7 =	smul.u32 @!p0 $0xF7A, s2;
	p2 =	seq.s32 @!p0 s5, $0x0  }
0x1f: {  	s9 =	smul.u32 $0xF7A, s1;
	s8 =	simm.s32 @!p0 $0x1BF5;
	p2 =	por !p2, p0  }
0x20: {  	[sflag:s8] =	ssyncset.s32 @!p0 $0xFFFFF086;
	s6 =	sadd.s32 @!p0 s3, s7;
	s7 =	simm.s32 @!p0 $0x108  }
0x21: {  	s3 =	sadd.s32 s3, s9;
	s6 =	sadd.s32 @!p0 $0x88, s6;
	s7 =	simm.s32 @p2 $0x1082  }
0x22: {  	[simem:s7], [sflag:s8] =	dma.local @!p0 [hbm:s6], $0xF7A  }
0x23: {  	s9 =	sor.u32 $0xD0000000, s2;
	s6 =	simm.s32 $0x108;
	_ =	swait.ge @!p0 [sflag:s8], $0x0  }
0x24: {  	s3 =	sadd.s32 $0x88, s3;
	s6 =	simm.s32 @!p1 $0x1082;
	[sflag:s4] =	ssyncset.s32 $0xFFFFF086  }
0x25: {  	[simem:s6], [sflag:s4] =	dma.local [hbm:s3], $0xF7A  }
0x26: {  	[smem:$0x3F97] =	sst s1;
	(tag) =	ssettag s2;
	_ =	strace s9  }
0x27: {  	s1 =	sld [smem:$0x3FA7]  }
0x28: {  	s2 =	sld [smem:$0x3FA8]  }
0x29: {  	s4 =	sld [smem:$0x3FAA]  }
0x2a: {  	p0 =	seq.s32 s5, $0x0;
	s5 =	sld [smem:$0x3FAB]  }
0x2b: {  	s6 =	sld [smem:$0x3FAC]  }
0x2c: {  	s7 =	sld [smem:$0x3FAD]  }
0x2d: {  	s3 =	simm.s32 $0x108;
	s8 =	sld [smem:$0x3FAE]  }
0x2e: {  	s3 =	simm.s32 @!p0 $0x1082;
	s9 =	sld [smem:$0x3FAF]  }
0x2f: {  	lr =	sadd.s32 s0, s3;
	s0 =	sld [smem:$0x3FA6]  }
0x30: {  	s3 =	sld [smem:$0x3FA9]  }
0x31: {  	[smem:$0x3FB2] =	sst s10  }
0x32: {  	s10 =	sld [smem:$0x3FB0];
	_ =	sdelay $0x3  }
0x33: {  	p0 =	seq.s32 s10, $0x1;
	s10 =	sld [smem:$0x3FB2];
	_ =	sdelay $0x3  }
0x34: {  	[smem:$0x3FB2] =	sst s10  }
0x35: {  	s10 =	sld [smem:$0x3FB1];
	_ =	sdelay $0x3  }
0x36: {  	p1 =	seq.s32 s10, $0x1;
	s10 =	sld [smem:$0x3FB2];
	_ =	sdelay $0x3  }
0x37: {  	[smem:$0x3FB2] =	sst s10  }
0x38: {  	s10 =	sld [smem:$0x3FB3]  }
0x39: {  	_ = 	snop;
	(pc) =	sbr.ind lr, $3  }
0x3a: {  	_ = 	snop  }
0x3b: {  	_ = 	snop  }
0x3c: {  	p2 =	seq.s32 s10, $0x1;
	s10 =	sld [smem:$0x3FB2]  }
0x3d: {  	_ =	shalt  }
0x3e: {  	_ =	shalt  }
0x3f: {  	_ =	shalt  }
0x40: {  	_ =	shalt  }
0x41: {  	_ =	shalt  }
0x42: {  	_ =	shalt  }
0x43: {  	_ =	shalt  }
0x44: {  	_ =	shalt  }
0x45: {  	_ =	shalt  }
0x46: {  	_ =	shalt  }
0x47: {  	_ =	shalt  }
0x48: {  	_ =	shalt  }
0x49: {  	_ =	shalt  }
0x4a: {  	_ =	shalt  }
0x4b: {  	_ =	shalt  }
0x4c: {  	_ =	shalt  }
0x4d: {  	_ =	shalt  }
0x4e: {  	_ =	shalt  }
0x4f: {  	_ =	shalt  }
0x50: {  	_ =	shalt  }
0x51: {  	_ =	shalt  }
0x52: {  	_ =	shalt  }
0x53: {  	_ =	shalt  }
0x54: {  	_ =	shalt  }
0x55: {  	_ =	shalt  }
0x56: {  	_ =	shalt  }
0x57: {  	_ =	shalt  }
0x58: {  	_ =	shalt  }
0x59: {  	_ =	shalt  }
0x5a: {  	_ =	shalt  }
0x5b: {  	_ =	shalt  }
0x5c: {  	_ =	shalt  }
0x5d: {  	_ =	shalt  }
0x5e: {  	_ =	shalt  }
0x5f: {  	_ =	shalt  }
0x60: {  	_ =	shalt  }
0x61: {  	_ =	shalt  }
0x62: {  	_ =	shalt  }
0x63: {  	_ =	shalt  }
0x64: {  	_ =	shalt  }
0x65: {  	_ =	shalt  }
0x66: {  	_ =	shalt  }
0x67: {  	_ =	shalt  }
0x68: {  	_ =	shalt  }
0x69: {  	_ =	shalt  }
0x6a: {  	_ =	shalt  }
0x6b: {  	_ =	shalt  }
0x6c: {  	_ =	shalt  }
0x6d: {  	_ =	shalt  }
0x6e: {  	_ =	shalt  }
0x6f: {  	_ =	shalt  }
0x70: {  	_ =	shalt  }
0x71: {  	_ =	shalt  }
0x72: {  	_ =	shalt  }
0x73: {  	_ =	shalt  }
0x74: {  	_ =	shalt  }
0x75: {  	_ =	shalt  }
0x76: {  	_ =	shalt  }
0x77: {  	_ =	shalt  }
0x78: {  	_ =	shalt  }
0x79: {  	_ =	shalt  }
0x7a: {  	_ =	shalt  }
0x7b: {  	_ =	shalt  }
0x7c: {  	_ =	shalt  }
0x7d: {  	_ =	shalt  }
0x7e: {  	_ =	shalt  }
0x7f: {  	_ =	shalt  }
0x80: {  	_ =	shalt  }
0x81: {  	_ =	shalt  }
0x82: {  	_ =	shalt  }
0x83: {  	_ =	shalt  }
0x84: {  	_ =	shalt  }
0x85: {  	_ =	shalt  }
0x86: {  	_ =	shalt  }
0x87: {  	_ =	shalt  }
.Lfunc_end0:
.L_simem_size_0:
called_computation.1_lowered:
.L_overlay_start_0:
0x88: {  	s2 =	sld [smem:$0x3FD9]  }
0x89: {  	s3 =	sld [smem:$0x3FFE];
	_ =	sdelay $0x1  }
0x8a: {  	s1 =	srdreg.scid  }
0x8b: {  	s0 =	sand.u32 $0x1, s1  }
0x8c: {  	s17 =	sshll.u32 s0, $0xA;
	s2 =	sadd.s32 s3, s2  }
0x8d: {  	s2 =	sadd.s32 s2, s17  }
0x8e: {  	[smem:$0x3FBE] =	sst s2  }
0x8f: {  	_ = 	snop  }
0x90: {  	s2 =	sld [smem:$0x3FD0];
	(tm) =	ssettm $0x1  }
0x91: {  	s18 =	sld [smem:$0x3FFB];
	_ =	sdelay $0x3  }
0x92: {  	_ =	strace s18  }
0x93: {  	s3 =	sld [smem:$0x3FFC];
	_ =	sdelay $0x3  }
0x94: {  	_ =	strace s3  }
0x95: {  	s3 =	sld [smem:$0x3FFD];
	_ =	sdelay $0x3  }
0x96: {  	_ =	strace s3  }
0x97: {  	_ =	strace $0x8FFFFFFF  }
0x98: {  	s19 =	sld [smem:$0x3FDB];
	_ =	sdelay $0x1  }
0x99: {  	s4 =	simm.s32 $_scs_section_size  }
0x9a: {  	s5 =	simm.s32 $_size__tile_overlayer_lowered;
	s6 =	simm.s32 $_tile_overlayer_lowered  }
0x9b: {  	s22 =	simm.s32 $0x1BFF;
	s21 =	sshll.u32 s6, $0x1;
	s3 =	sadd.s32 s4, s19  }
0x9c: {  	s7 =	simm.s32 $0x0;
	s20 =	sshll.u32 s5, $0x1;
	s5 =	sadd.s32 s21, s3  }
0x9d: {  	[timem:s7], [sflag:s22] =	dma.local [hbm:s5], s20  }
0x9e: {  	_ =	swait.ge [sflag:s22], s20  }
0x9f: {  	s4 =	ssub.s32 $0x0, s20;
	[sflag:s22] =	ssyncset.done $0x0  }
0xa0: {  	[sflag:s22] =	ssyncadd.s32 s4;
	_ =	sdelay $0x1  }
0xa1: {  	s23 =	simm.s32 $0x1B8B  }
0xa2: {  	_ =	swait.ge [sflag:s23], $0x1  }
0xa3: {  	[sflag:s23] =	ssyncset.done $0x0  }
0xa4: {  	s25 =	simm.s32 $0x1B8E;
	s24 =	sld [smem:$0x3FFE];
	[sflag:s23] =	ssyncadd.s32 $0xFFFFFFFF  }
0xa5: {  	s26 =	simm.s32 $execute0_lowered;
	[smem:$0x3FD2] =	sst s25  }
0xa6: {  	s5 =	sshll.u32 s26, $0x1;
	_ =	strace $0x80000049;
	[dreg:$0x1] =	wrdreg $0xFFFFFFFF  }
0xa7: {  	s28 =	simm.s32 $_size_execute0_lowered;
	s3 =	sadd.s32 s3, s5;
	[dreg:$0x0] =	wrdreg $0x0  }
0xa8: {  	s5 =	sshll.u32 s28, $0x1;
	[dreg:$0x2] =	wrdreg s3  }
0xa9: {  	[dreg:$0x3] =	wrdreg s5  }
0xaa: {  	[dreg:$0x4] =	wrdreg $0xC0  }
0xab: {  	_ =	task [dreg:s7], $0x5FFFF  }
0xac: {  	[dreg:$0x1] =	wrdreg $0xFFFFFFFF  }
0xad: {  	[dreg:$0x0] =	wrdreg $0x60  }
0xae: {  	[dreg:$0x2] =	wrdreg s24  }
0xaf: {  	[dreg:$0x3] =	wrdreg s2  }
0xb0: {  	[dreg:$0x4] =	wrdreg $0x0  }
0xb1: {  	[dreg:$0x5] =	wrdreg $0x9  }
0xb2: {  	_ =	task.clear_ibuf [dreg:s7], $0x6FFFF;
	_ =	strace $0x90000049  }
0xb3: {  	s29 =	simm.s32 $0x9;
	_ =	strace $0x8000004B  }
0xb4: {  	_ =	swait.ge [sflag:s29], $0x1  }
0xb5: {  	[sflag:s29] =	ssyncadd.s32 $0xFFFFFFFF  }
0xb6: {  	_ =	strace $0x9000004B  }
0xb7: {  	_ =	sfence  }
0xb8: {  	s30 =	sld [smem:$0x0];
	_ =	sdelay $0x2  }
0xb9: {  	s31 =	sshll.u32 s1, $0xD;
	s1 =	sshrl.u32 s1, $0x2  }
0xba: {  	s3 =	sand.u32 $0x4000, s31;
	s1 =	sadd.s32 s1, s30  }
0xbb: {  	s0 =	sor.u32 s3, s0;
	s1 =	sshll.u32 s1, $0x11  }
0xbc: {  	s0 =	sor.u32 s1, s0  }
0xbd: {  	s0 =	sadd.s32 $0x8F2B, s0  }
0xbe: {  	[sflag:s0] =	ssyncadd.remote.s32 $0x1  }
0xbf: {  	_ =	sfence.sel $0xFFFF  }
0xc0: {  	[dreg:$0x0] =	wrdreg $0xFFFFFFFF;
	(pc) =	sbr.abs _section_cstart, $3  }
0xc1: {  	[dreg:$0x1] =	wrdreg $0xFFFFFFFF  }
0xc2: {  	_ =	task.clear_ibuf [dreg:s7], $0x2FFFF;
	_ =	strace $0x9FFFFFFF  }
0xc3: {  	(tm) =	ssettm $0x7FFFFFFF  }
tec
execute0_lowered:
.L_overlay_start_1:
0x0: {  	(tag) =	ssettag $0x1  }
0x1: {  	s0 =	rddreg [dreg:$0x0]  }
0x2: {  	s2 =	rddreg [dreg:$0x1]  }
0x3: {  	s3 =	rddreg [dreg:$0x2];
	s10 =	stileid.u32  }
0x4: {  	s4 =	simm.s32 $0x0;
	s5 =	srdreg.scid;
	s28 =	simm.s32 $0x14080  }
0x5: {  	s29 =	simm.s32 $0x14180;
	s30 =	simm.s32 $0x1;
	s1 =	smul.u32 $0x500, s10  }
0x6: {  	s31 =	simm.s32 $0x14100;
	[smem:$0x7FF] =	sst s4;
	s6 =	smul.u32 $0x50000, s10  }
0x7: {  	s5 =	sand.u32 $0x1, s5;
	s12 =	smul.u32 $0x280, s10;
	s15 =	sshll.u32 s10, $0x6  }
0x8: {  	_ =	strace $0x8000004A;
	s7 =	ssub.s32 $0x2, s5;
	s8 =	smul.u32 $0x2800, s5  }
0x9: {  	s5 =	sadd.s32 $0xDC00, s0;
	s9 =	sshrl.u32 s7, $0x1;
	s1 =	sadd.s32 s1, s0  }
0xa: {  	s0 =	sadd.s32 $0x85C00, s0;
	s6 =	sshrl.u32 s6, $0x2;
	s23 =	sadd.s32 $0x80, s12  }
0xb: {  	s24 =	sadd.s32 $0x100, s12;
	s25 =	sadd.s32 $0x180, s12;
	s9 =	ssub.s32 s7, s9  }
0xc: {  	s16 =	sadd.s32 s8, s12;
	s6 =	sadd.s32 s6, s3;
	s7 =	sor.u32 $0x1C02, s15  }
0xd: {  	s11 =	sshll.u32 s23, $0x7;
	s13 =	sshll.u32 s24, $0x7;
	s14 =	sshll.u32 s25, $0x7  }
0xe: {  	s12 =	sadd.s32 $0x200, s12;
	s10 =	sshll.u32 s16, $0x4;
	s9 =	smax.u32 s9, $0x1  }
0xf: {  	s17 =	sadd.s32 $0x4000, s6;
	s18 =	sadd.s32 $0x8000, s6;
	s19 =	sadd.s32 $0xC000, s6  }
0x10: {  	s20 =	sadd.s32 $0x10000, s6;
	s21 =	sadd.s32 s11, s3;
	s11 =	sadd.s32 s8, s24  }
0x11: {  	s22 =	sadd.s32 s13, s3;
	s13 =	sadd.s32 s8, s25;
	s26 =	sadd.s32 s8, s12  }
0x12: {  	s15 =	sshll.u32 s12, $0x7;
	s16 =	simm.s32 $0x2;
	s25 =	simm.s32 $0x14000  }
0x13: {  	s10 =	sadd.s32 s0, s10;
	[dreg:$0x5] =	wrdreg s9;
	s11 =	sshll.u32 s11, $0x4  }
0x14: {  	s13 =	sshll.u32 s13, $0x4;
	s24 =	sadd.s32 s15, s3;
	s15 =	sadd.s32 $0x3C00, s1  }
0x15: {  	s17 =	sshrl.u32 s17, $0x3;
	s18 =	sshrl.u32 s18, $0x3;
	s19 =	sshrl.u32 s19, $0x3  }
0x16: {  	s20 =	sshrl.u32 s20, $0x3;
	s21 =	sshrl.u32 s21, $0x3;
	s22 =	sshrl.u32 s22, $0x3  }
0x17: {  	[dreg:$0x4] =	wrdreg s10;
	s10 =	sadd.s32 s8, s23;
	s11 =	sadd.s32 s0, s11  }
0x18: {  	s23 =	sadd.s32 s14, s3;
	s14 =	sshll.u32 s26, $0x4;
	s12 =	sadd.s32 s0, s13  }
0x19: {  	s24 =	sshrl.u32 s24, $0x3;
	s26 =	simm.s32 $0x80;
	s10 =	sshll.u32 s10, $0x4  }
0x1a: {  	s13 =	sadd.s32 s0, s14;
	s14 =	sadd.s32 $0x8C00, s1;
	s10 =	sadd.s32 s0, s10  }
0x1b: {  	v0 =	vmov s8;
	s23 =	sshrl.u32 s23, $0x3;
	s0 =	simm.s32 $0x0;
	[dreg:$0x6] =	wrdreg s10  }
.LBB2_1:
0x1c: {  	s1 =	sshrl.u32 s6, $0x3  }
0x1d: {  	[spmem:s1], [sflag:s7] =	dma.local [hbm:s2], $0x800  }
0x1e: {  	_ =	swait.ge [sflag:s16], $0x800  }
0x1f: {  	[sflag:s16] =	ssyncset.done $0x0  }
0x20: {  	[sflag:s16] =	ssyncadd.s32 $0xFFFFF800  }
0x21: {  	[spmem:s17], [sflag:s7] =	dma.local [hbm:s2], $0x800  }
0x22: {  	_ =	swait.ge [sflag:s16], $0x800  }
0x23: {  	[sflag:s16] =	ssyncset.done $0x0  }
0x24: {  	[sflag:s16] =	ssyncadd.s32 $0xFFFFF800  }
0x25: {  	[spmem:s18], [sflag:s7] =	dma.local [hbm:s2], $0x800  }
0x26: {  	_ =	swait.ge [sflag:s16], $0x800  }
0x27: {  	[sflag:s16] =	ssyncset.done $0x0  }
0x28: {  	[sflag:s16] =	ssyncadd.s32 $0xFFFFF800  }
0x29: {  	[spmem:s19], [sflag:s7] =	dma.local [hbm:s2], $0x800  }
0x2a: {  	_ =	swait.ge [sflag:s16], $0x800  }
0x2b: {  	[sflag:s16] =	ssyncset.done $0x0  }
0x2c: {  	[sflag:s16] =	ssyncadd.s32 $0xFFFFF800  }
0x2d: {  	[spmem:s20], [sflag:s7] =	dma.local [hbm:s2], $0x800  }
0x2e: {  	_ =	swait.ge [sflag:s16], $0x800  }
0x2f: {  	[sflag:s16] =	ssyncset.done $0x0  }
0x30: {  	[sflag:s16] =	ssyncadd.s32 $0xFFFFF800  }
0x31: {  	s8 =	sadd.s32 $0x0, s15;
	[bflag:$0x0] =	sbarrier.arrive $0xFFFF  }
0x32: {  	[tilespmem:s25], [sflag:$0x2] =	stream.linear.gather [hbm4b:s8+s4], $0x80, $0x38;
	[tilespmem:$0x18180] =	vst v63  }
0x33: {  	_ =	swait.ge [sflag:s16], $0x80  }
0x34: {  	[sflag:s16] =	ssyncset.done $0x0  }
0x35: {  	[sflag:s16] =	ssyncadd.s32 $0xFFFFFF80  }
0x36: {  	v1 =	vld [tilespmem:$0x14070]  }
0x37: {  	v2 =	vld [tilespmem:$0x14030]  }
0x38: {  	v3 =	vld [tilespmem:$0x14050]  }
0x39: {  	v5 =	vld [tilespmem:$0x14020]  }
0x3a: {  	v4 =	vld [tilespmem:$0x14060]  }
0x3b: {  	v6 =	vld [tilespmem:$0x14010];
	v1 =	vadd.s32 v0, v1  }
0x3c: {  	v7 =	vld [tilespmem:$0x14040];
	v2 =	vadd.s32 v0, v2;
	[tilespmem:$0x140F0] =	vst v1  }
0x3d: {  	v1 =	vld [tilespmem:$0x14000];
	[tilespmem:$0x140B0] =	vst v2;
	v2 =	vadd.s32 v0, v3  }
0x3e: {  	v3 =	vadd.s32 v0, v5;
	[tilespmem:$0x140D0] =	vst v2  }
0x3f: {  	v2 =	vadd.s32 v0, v4;
	[tilespmem:$0x140A0] =	vst v3  }
0x40: {  	[tilespmem:$0x140E0] =	vst v2;
	v2 =	vadd.s32 v0, v6  }
0x41: {  	[tilespmem:$0x14090] =	vst v2;
	v2 =	vadd.s32 v0, v7  }
0x42: {  	[tilespmem:$0x140C0] =	vst v2;
	v1 =	vadd.s32 v0, v1  }
0x43: {  	[tilespmem:$0x14080] =	vst v1  }
0x44: {  	[tilespmem:s29], [sflag:$0x1] =	stream.indirect.gather [hbm4b:s5+s26], $0x80, s28, s26, $0xb8;
	[tilespmem:$0x18180] =	vst v63  }
0x45: {  	_ =	swait.ge [sflag:s30], $0x4000  }
0x46: {  	[sflag:s30] =	ssyncset.done $0x0  }
0x47: {  	s9 =	sadd.s32 $0x0, s14;
	s8 =	simm.s32 $0x10;
	[sflag:s30] =	ssyncadd.s32 $0xFFFFC000  }
.LBB2_2:
0x48: {  	[tilespmem:s31], [sflag:$0x2] =	stream.linear.gather [hbm4b:s9+s4], $0x80, $0x38;
	[tilespmem:$0x18180] =	vst v63  }
0x49: {  	s9 =	smov.u32 s8  }
0x4a: {  	p0 =	sne.s32 s8, $0x4F0;
	s8 =	sadd.s32 $0x10, s8;
	_ =	swait.ge [sflag:s16], $0x80  }
0x4b: {  	[sflag:s16] =	ssyncset.done $0x0  }
0x4c: {  	[sflag:s16] =	ssyncadd.s32 $0xFFFFFF80  }
0x4d: {  	[spmem:s3] =	stream.indirect.scatter.add.f32 [tilespmem:s29], [sflag:$0x2], $0x80, s31, s26, $0xb8;
	[tilespmem:$0x18180] =	vst v63  }
0x4e: {  	_ =	swait.ge [sflag:s16], $0x4000  }
0x4f: {  	[sflag:s16] =	ssyncset.done $0x0  }
0x50: {  	s10 =	sadd.s32 s9, s15;
	[sflag:s16] =	ssyncadd.s32 $0xFFFFC000  }
0x51: {  	[tilespmem:s25], [sflag:$0x2] =	stream.linear.gather [hbm4b:s10+s4], $0x80, $0x38;
	[tilespmem:$0x18180] =	vst v63  }
0x52: {  	_ =	swait.ge [sflag:s16], $0x80  }
0x53: {  	[sflag:s16] =	ssyncset.done $0x0  }
0x54: {  	[sflag:s16] =	ssyncadd.s32 $0xFFFFFF80  }
0x55: {  	v1 =	vld [tilespmem:$0x14070]  }
0x56: {  	v2 =	vld [tilespmem:$0x14030]  }
0x57: {  	v3 =	vld [tilespmem:$0x14050]  }
0x58: {  	v4 =	vld [tilespmem:$0x14060]  }
0x59: {  	v5 =	vld [tilespmem:$0x14020]  }
0x5a: {  	v6 =	vld [tilespmem:$0x14010];
	v1 =	vadd.s32 v0, v1  }
0x5b: {  	v2 =	vadd.s32 v0, v2;
	v7 =	vld [tilespmem:$0x14040];
	[tilespmem:$0x140F0] =	vst v1  }
0x5c: {  	v1 =	vld [tilespmem:$0x14000];
	[tilespmem:$0x140B0] =	vst v2;
	v2 =	vadd.s32 v0, v3  }
0x5d: {  	[tilespmem:$0x140D0] =	vst v2;
	v2 =	vadd.s32 v0, v4  }
0x5e: {  	v3 =	vadd.s32 v0, v5;
	[tilespmem:$0x140E0] =	vst v2  }
0x5f: {  	v2 =	vadd.s32 v0, v6;
	[tilespmem:$0x140A0] =	vst v3  }
0x60: {  	[tilespmem:$0x14090] =	vst v2;
	v2 =	vadd.s32 v0, v7  }
0x61: {  	v1 =	vadd.s32 v0, v1;
	[tilespmem:$0x140C0] =	vst v2  }
.Ltmp0:
0x62: {  	[tilespmem:$0x14080] =	vst v1;
	(pc) =	sbr.rel @p0 .LBB2_2-.Ltmp0, $4  }
0x63: {  	[tilespmem:s29], [sflag:$0x1] =	stream.indirect.gather [hbm4b:s5+s26], $0x80, s28, s26, $0xb8;
	[tilespmem:$0x18180] =	vst v63  }
0x64: {  	_ =	swait.ge [sflag:s30], $0x4000  }
0x65: {  	[sflag:s30] =	ssyncset.done $0x0  }
0x66: {  	s9 =	sadd.s32 s9, s14;
	[sflag:s30] =	ssyncadd.s32 $0xFFFFC000  }
0x67: {  	[tilespmem:s31], [sflag:$0x2] =	stream.linear.gather [hbm4b:s9+s4], $0x80, $0x38;
	[tilespmem:$0x18180] =	vst v63  }
0x68: {  	_ =	swait.ge [sflag:s16], $0x80  }
0x69: {  	[sflag:s16] =	ssyncset.done $0x0  }
0x6a: {  	[sflag:s16] =	ssyncadd.s32 $0xFFFFFF80  }
0x6b: {  	[spmem:s3] =	stream.indirect.scatter.add.f32 [tilespmem:s29], [sflag:$0x2], $0x80, s31, s26, $0xb8;
	[tilespmem:$0x18180] =	vst v63  }
0x6c: {  	_ =	swait.ge [sflag:s16], $0x4000  }
0x6d: {  	[sflag:s16] =	ssyncset.done $0x0  }
0x6e: {  	[sflag:s16] =	ssyncadd.s32 $0xFFFFC000  }
0x6f: {  	[bflag:$0x0] =	sbarrier.arrive $0xFFFF  }
0x70: {  	s8 =	rddreg [dreg:$0x4]  }
0x71: {  	[hbm:s8], [sflag:s7] =	dma.local [spmem:s1], $0x800  }
0x72: {  	_ =	swait.ge [sflag:s16], $0x800  }
0x73: {  	[sflag:s16] =	ssyncset.done $0x0  }
0x74: {  	s9 =	rddreg [dreg:$0x6];
	[sflag:s16] =	ssyncadd.s32 $0xFFFFF800  }
0x75: {  	[hbm:s9], [sflag:s7] =	dma.local [spmem:s21], $0x800  }
0x76: {  	_ =	swait.ge [sflag:s16], $0x800  }
0x77: {  	[sflag:s16] =	ssyncset.done $0x0  }
0x78: {  	[sflag:s16] =	ssyncadd.s32 $0xFFFFF800  }
0x79: {  	[hbm:s11], [sflag:s7] =	dma.local [spmem:s22], $0x800  }
0x7a: {  	_ =	swait.ge [sflag:s16], $0x800  }
0x7b: {  	[sflag:s16] =	ssyncset.done $0x0  }
0x7c: {  	[sflag:s16] =	ssyncadd.s32 $0xFFFFF800  }
0x7d: {  	[hbm:s12], [sflag:s7] =	dma.local [spmem:s23], $0x800  }
0x7e: {  	_ =	swait.ge [sflag:s16], $0x800  }
0x7f: {  	[sflag:s16] =	ssyncset.done $0x0  }
0x80: {  	[sflag:s16] =	ssyncadd.s32 $0xFFFFF800  }
0x81: {  	[hbm:s13], [sflag:s7] =	dma.local [spmem:s24], $0x800  }
0x82: {  	_ =	swait.ge [sflag:s16], $0x800  }
0x83: {  	s0 =	sadd.s32 $0x1, s0;
	s10 =	rddreg [dreg:$0x5]  }
0x84: {  	p0 =	sne.s32 s0, s10  }
.Ltmp1:
0x85: {  	_ = 	snop;
	(pc) =	sbr.rel @p0 .LBB2_1-.Ltmp1, $3  }
0x86: {  	_ =	sdelay $0x1  }
0x87: {  	[sflag:s16] =	ssyncset.done $0x0  }
0x88: {  	[sflag:s16] =	ssyncadd.s32 $0xFFFFF800  }
0x89: {  	_ =	sfence.sel $0x180000  }
0x8a: {  	[bflag:$0x0] =	sbarrier.arrive $0xFFFF  }
0x8b: {  	_ =	strace $0x9000004A  }
0x8c: {  	s0 =	stileid.u32;
	[bflag:$0x2] =	sbarrier.arrive $0xFFFF  }
0x8d: {  	p0 =	sne.s32 s0, $0x0;
	s0 =	rddreg [dreg:$0x3]  }
0x8e: {  	s0 =	sadd.s32 @!p0 $0x100000, s0  }
0x8f: {  	[sflag:s0] =	ssyncadd.tile.s32 @!p0 $0x1;
	_ =	shalt  }
.Lfunc_end2:
_tile_overlayer_lowered:
.L_overlay_start_2:
0x90: {  	(tag) =	ssettag $0x2  }
0x91: {  	s0 =	rddreg [dreg:$0x0];
	s2 =	stileid.u32  }
0x92: {  	s1 =	rddreg [dreg:$0x1];
	p0 =	sne.s32 s2, $0x0  }
0x93: {  	s3 =	rddreg [dreg:$0x2];
	[bflag:$0x3] =	sbarrier.arrive $0xFFFF;
	s2 =	simm.s32 @!p0 $0x1C02  }
0x94: {  	[timem:s3], [sflag:s2] =	dma.local @!p0 [hbm:s0], s1  }
0x95: {  	s0 =	simm.s32 @!p0 $0x2  }
0x96: {  	_ =	swait.ge @!p0 [sflag:s0], s1  }
0x97: {  	s1 =	ssub.s32 @!p0 $0x0, s1;
	[sflag:s0] =	ssyncset.done @!p0 $0x0  }
0x98: {  	[sflag:s0] =	ssyncadd.s32 @!p0 s1  }
0x99: {  	[bflag:$0x3] =	sbarrier.arrive $0xFFFF  }
0x9a: {  	_ =	shalt  }

// kernel: kernel.15.cloned.1.call-start
scs
__scs_entry_jumppad:
0x0: {  	(pc) =	sbr.rel $0x88, $3  }
0x1: {  	(tag) =	ssettag $0x0;
	lr =	simm.s32 $0x1  }
0x2: {  	[smem:$0x3F97] =	sst lr;
	_ =	strace $0xD0000000  }
0x3: {  	_ = 	snop  }
0x4: {  	_ = 	snop  }
0x5: {  	_ = 	snop  }
0x6: {  	_ = 	snop  }
0x7: {  	_ = 	snop  }
__scs_overlays_trampoline_lowered:
0x8: {  	[smem:$0x3FA6] =	sst s0  }
0x9: {  	[smem:$0x3FA7] =	sst s1  }
0xa: {  	[smem:$0x3FA8] =	sst s2  }
0xb: {  	[smem:$0x3FA9] =	sst s3  }
0xc: {  	[smem:$0x3FAA] =	sst s4  }
0xd: {  	[smem:$0x3FAB] =	sst s5  }
0xe: {  	[smem:$0x3FAC] =	sst s6  }
0xf: {  	[smem:$0x3FAD] =	sst s7  }
0x10: {  	[smem:$0x3FAE] =	sst s8  }
0x11: {  	[smem:$0x3FAF] =	sst s9;
	s0 =	simm.s32 @!p0 $0x0  }
0x12: {  	s1 =	sld [smem:$0x3F95];
	s0 =	simm.s32 @p0 $0x1  }
0x13: {  	[smem:$0x3FB0] =	sst s0;
	s0 =	simm.s32 @!p1 $0x0  }
0x14: {  	s2 =	sld [smem:$0x3F94];
	s0 =	simm.s32 @p1 $0x1  }
0x15: {  	[smem:$0x3FB1] =	sst s0;
	s0 =	simm.s32 @!p2 $0x0  }
0x16: {  	s3 =	sld [smem:$0x3FDB];
	s0 =	simm.s32 @p2 $0x1  }
0x17: {  	s4 =	simm.s32 $0x1BF5;
	[smem:$0x3FB3] =	sst s0  }
0x18: {  	s0 =	sld [smem:$0x3F96];
	_ =	swait.ge [sflag:s4], $0x0  }
0x19: {  	s7 =	sld [smem:$0x3F97]  }
0x1a: {  	s8 =	sadd.s32 $0xFFFFE003, lr  }
0x1b: {  	s9 =	sadd.s32 $0xFFFFFEF7, lr;
	s5 =	simm.s32 $0xFFFFFFFF;
	p2 =	slt.u32 s8, $0xFFFFF086  }
0x1c: {  	p1 =	slt.u32 s9, $0xF7A;
	s5 =	simm.s32 @!p2 $0x0  }
0x1d: {  	s5 =	simm.s32 @p1 $0x1;
	p0 =	seq.s32 s7, s2  }
0x1e: {  	s7 =	smul.u32 @!p0 $0xF7A, s2;
	p2 =	seq.s32 @!p0 s5, $0x0  }
0x1f: {  	s9 =	smul.u32 $0xF7A, s1;
	s8 =	simm.s32 @!p0 $0x1BF5;
	p2 =	por !p2, p0  }
0x20: {  	[sflag:s8] =	ssyncset.s32 @!p0 $0xFFFFF086;
	s6 =	sadd.s32 @!p0 s3, s7;
	s7 =	simm.s32 @!p0 $0x108  }
0x21: {  	s3 =	sadd.s32 s3, s9;
	s6 =	sadd.s32 @!p0 $0x88, s6;
	s7 =	simm.s32 @p2 $0x1082  }
0x22: {  	[simem:s7], [sflag:s8] =	dma.local @!p0 [hbm:s6], $0xF7A  }
0x23: {  	s9 =	sor.u32 $0xD0000000, s2;
	s6 =	simm.s32 $0x108;
	_ =	swait.ge @!p0 [sflag:s8], $0x0  }
0x24: {  	s3 =	sadd.s32 $0x88, s3;
	s6 =	simm.s32 @!p1 $0x1082;
	[sflag:s4] =	ssyncset.s32 $0xFFFFF086  }
0x25: {  	[simem:s6], [sflag:s4] =	dma.local [hbm:s3], $0xF7A  }
0x26: {  	[smem:$0x3F97] =	sst s1;
	(tag) =	ssettag s2;
	_ =	strace s9  }
0x27: {  	s1 =	sld [smem:$0x3FA7]  }
0x28: {  	s2 =	sld [smem:$0x3FA8]  }
0x29: {  	s4 =	sld [smem:$0x3FAA]  }
0x2a: {  	p0 =	seq.s32 s5, $0x0;
	s5 =	sld [smem:$0x3FAB]  }
0x2b: {  	s6 =	sld [smem:$0x3FAC]  }
0x2c: {  	s7 =	sld [smem:$0x3FAD]  }
0x2d: {  	s3 =	simm.s32 $0x108;
	s8 =	sld [smem:$0x3FAE]  }
0x2e: {  	s3 =	simm.s32 @!p0 $0x1082;
	s9 =	sld [smem:$0x3FAF]  }
0x2f: {  	lr =	sadd.s32 s0, s3;
	s0 =	sld [smem:$0x3FA6]  }
0x30: {  	s3 =	sld [smem:$0x3FA9]  }
0x31: {  	[smem:$0x3FB2] =	sst s10  }
0x32: {  	s10 =	sld [smem:$0x3FB0];
	_ =	sdelay $0x3  }
0x33: {  	p0 =	seq.s32 s10, $0x1;
	s10 =	sld [smem:$0x3FB2];
	_ =	sdelay $0x3  }
0x34: {  	[smem:$0x3FB2] =	sst s10  }
0x35: {  	s10 =	sld [smem:$0x3FB1];
	_ =	sdelay $0x3  }
0x36: {  	p1 =	seq.s32 s10, $0x1;
	s10 =	sld [smem:$0x3FB2];
	_ =	sdelay $0x3  }
0x37: {  	[smem:$0x3FB2] =	sst s10  }
0x38: {  	s10 =	sld [smem:$0x3FB3]  }
0x39: {  	_ = 	snop;
	(pc) =	sbr.ind lr, $3  }
0x3a: {  	_ = 	snop  }
0x3b: {  	_ = 	snop  }
0x3c: {  	p2 =	seq.s32 s10, $0x1;
	s10 =	sld [smem:$0x3FB2]  }
0x3d: {  	_ =	shalt  }
0x3e: {  	_ =	shalt  }
0x3f: {  	_ =	shalt  }
0x40: {  	_ =	shalt  }
0x41: {  	_ =	shalt  }
0x42: {  	_ =	shalt  }
0x43: {  	_ =	shalt  }
0x44: {  	_ =	shalt  }
0x45: {  	_ =	shalt  }
0x46: {  	_ =	shalt  }
0x47: {  	_ =	shalt  }
0x48: {  	_ =	shalt  }
0x49: {  	_ =	shalt  }
0x4a: {  	_ =	shalt  }
0x4b: {  	_ =	shalt  }
0x4c: {  	_ =	shalt  }
0x4d: {  	_ =	shalt  }
0x4e: {  	_ =	shalt  }
0x4f: {  	_ =	shalt  }
0x50: {  	_ =	shalt  }
0x51: {  	_ =	shalt  }
0x52: {  	_ =	shalt  }
0x53: {  	_ =	shalt  }
0x54: {  	_ =	shalt  }
0x55: {  	_ =	shalt  }
0x56: {  	_ =	shalt  }
0x57: {  	_ =	shalt  }
0x58: {  	_ =	shalt  }
0x59: {  	_ =	shalt  }
0x5a: {  	_ =	shalt  }
0x5b: {  	_ =	shalt  }
0x5c: {  	_ =	shalt  }
0x5d: {  	_ =	shalt  }
0x5e: {  	_ =	shalt  }
0x5f: {  	_ =	shalt  }
0x60: {  	_ =	shalt  }
0x61: {  	_ =	shalt  }
0x62: {  	_ =	shalt  }
0x63: {  	_ =	shalt  }
0x64: {  	_ =	shalt  }
0x65: {  	_ =	shalt  }
0x66: {  	_ =	shalt  }
0x67: {  	_ =	shalt  }
0x68: {  	_ =	shalt  }
0x69: {  	_ =	shalt  }
0x6a: {  	_ =	shalt  }
0x6b: {  	_ =	shalt  }
0x6c: {  	_ =	shalt  }
0x6d: {  	_ =	shalt  }
0x6e: {  	_ =	shalt  }
0x6f: {  	_ =	shalt  }
0x70: {  	_ =	shalt  }
0x71: {  	_ =	shalt  }
0x72: {  	_ =	shalt  }
0x73: {  	_ =	shalt  }
0x74: {  	_ =	shalt  }
0x75: {  	_ =	shalt  }
0x76: {  	_ =	shalt  }
0x77: {  	_ =	shalt  }
0x78: {  	_ =	shalt  }
0x79: {  	_ =	shalt  }
0x7a: {  	_ =	shalt  }
0x7b: {  	_ =	shalt  }
0x7c: {  	_ =	shalt  }
0x7d: {  	_ =	shalt  }
0x7e: {  	_ =	shalt  }
0x7f: {  	_ =	shalt  }
0x80: {  	_ =	shalt  }
0x81: {  	_ =	shalt  }
0x82: {  	_ =	shalt  }
0x83: {  	_ =	shalt  }
0x84: {  	_ =	shalt  }
0x85: {  	_ =	shalt  }
0x86: {  	_ =	shalt  }
0x87: {  	_ =	shalt  }
.Lfunc_end0:
.L_simem_size_0:
called_computation.2_lowered:
.L_overlay_start_0:
0x88: {  	s2 =	sld [smem:$0x3FD9]  }
0x89: {  	s3 =	sld [smem:$0x3FFE];
	_ =	sdelay $0x1  }
0x8a: {  	s1 =	srdreg.scid  }
0x8b: {  	s0 =	sand.u32 $0x1, s1  }
0x8c: {  	s17 =	sshll.u32 s0, $0xA;
	s2 =	sadd.s32 s3, s2  }
0x8d: {  	s2 =	sadd.s32 s2, s17  }
0x8e: {  	[smem:$0x3FBE] =	sst s2  }
0x8f: {  	_ = 	snop  }
0x90: {  	s2 =	sld [smem:$0x3FD0];
	(tm) =	ssettm $0x1  }
0x91: {  	s18 =	sld [smem:$0x3FFB];
	_ =	sdelay $0x3  }
0x92: {  	_ =	strace s18  }
0x93: {  	s3 =	sld [smem:$0x3FFC];
	_ =	sdelay $0x3  }
0x94: {  	_ =	strace s3  }
0x95: {  	s3 =	sld [smem:$0x3FFD];
	_ =	sdelay $0x3  }
0x96: {  	_ =	strace s3  }
0x97: {  	_ =	strace $0x8FFFFFFF  }
0x98: {  	s19 =	sld [smem:$0x3FDB];
	_ =	sdelay $0x1  }
0x99: {  	s4 =	simm.s32 $_scs_section_size  }
0x9a: {  	s5 =	simm.s32 $_size__tile_overlayer_lowered;
	s6 =	simm.s32 $_tile_overlayer_lowered  }
0x9b: {  	s22 =	simm.s32 $0x1BFF;
	s21 =	sshll.u32 s6, $0x1;
	s3 =	sadd.s32 s4, s19  }
0x9c: {  	s7 =	simm.s32 $0x0;
	s20 =	sshll.u32 s5, $0x1;
	s5 =	sadd.s32 s21, s3  }
0x9d: {  	[timem:s7], [sflag:s22] =	dma.local [hbm:s5], s20  }
0x9e: {  	_ =	swait.ge [sflag:s22], s20  }
0x9f: {  	s4 =	ssub.s32 $0x0, s20;
	[sflag:s22] =	ssyncset.done $0x0  }
0xa0: {  	[sflag:s22] =	ssyncadd.s32 s4;
	_ =	sdelay $0x1  }
0xa1: {  	s23 =	simm.s32 $0x1B8B  }
0xa2: {  	_ =	swait.ge [sflag:s23], $0x1  }
0xa3: {  	[sflag:s23] =	ssyncset.done $0x0  }
0xa4: {  	s25 =	simm.s32 $0x1B8E;
	s24 =	sld [smem:$0x3FFE];
	[sflag:s23] =	ssyncadd.s32 $0xFFFFFFFF  }
0xa5: {  	s26 =	simm.s32 $execute0_lowered;
	[smem:$0x3FD2] =	sst s25  }
0xa6: {  	s5 =	sshll.u32 s26, $0x1;
	_ =	strace $0x8000004C;
	[dreg:$0x1] =	wrdreg $0xFFFFFFFF  }
0xa7: {  	s28 =	simm.s32 $_size_execute0_lowered;
	s3 =	sadd.s32 s3, s5;
	[dreg:$0x0] =	wrdreg $0x0  }
0xa8: {  	s5 =	sshll.u32 s28, $0x1;
	[dreg:$0x2] =	wrdreg s3  }
0xa9: {  	[dreg:$0x3] =	wrdreg s5  }
0xaa: {  	[dreg:$0x4] =	wrdreg $0xC0  }
0xab: {  	_ =	task [dreg:s7], $0x5FFFF  }
0xac: {  	[dreg:$0x1] =	wrdreg $0xFFFFFFFF  }
0xad: {  	[dreg:$0x0] =	wrdreg $0x60  }
0xae: {  	[dreg:$0x2] =	wrdreg s24  }
0xaf: {  	[dreg:$0x3] =	wrdreg s2  }
0xb0: {  	[dreg:$0x4] =	wrdreg $0x0  }
0xb1: {  	[dreg:$0x5] =	wrdreg $0x9  }
0xb2: {  	_ =	task.clear_ibuf [dreg:s7], $0x6FFFF;
	_ =	strace $0x9000004C  }
0xb3: {  	s29 =	simm.s32 $0x9;
	_ =	strace $0x8000004E  }
0xb4: {  	_ =	swait.ge [sflag:s29], $0x1  }
0xb5: {  	[sflag:s29] =	ssyncadd.s32 $0xFFFFFFFF  }
0xb6: {  	_ =	strace $0x9000004E  }
0xb7: {  	_ =	sfence  }
0xb8: {  	s30 =	sld [smem:$0x0];
	_ =	sdelay $0x2  }
0xb9: {  	s31 =	sshll.u32 s1, $0xD;
	s1 =	sshrl.u32 s1, $0x2  }
0xba: {  	s3 =	sand.u32 $0x4000, s31;
	s1 =	sadd.s32 s1, s30  }
0xbb: {  	s0 =	sor.u32 s3, s0;
	s1 =	sshll.u32 s1, $0x11  }
0xbc: {  	s0 =	sor.u32 s1, s0  }
0xbd: {  	s0 =	sadd.s32 $0x8F2B, s0  }
0xbe: {  	[sflag:s0] =	ssyncadd.remote.s32 $0x1  }
0xbf: {  	_ =	sfence.sel $0xFFFF  }
0xc0: {  	[dreg:$0x0] =	wrdreg $0xFFFFFFFF;
	(pc) =	sbr.abs _section_cstart, $3  }
0xc1: {  	[dreg:$0x1] =	wrdreg $0xFFFFFFFF  }
0xc2: {  	_ =	task.clear_ibuf [dreg:s7], $0x2FFFF;
	_ =	strace $0x9FFFFFFF  }
0xc3: {  	(tm) =	ssettm $0x7FFFFFFF  }
tec
execute0_lowered:
.L_overlay_start_1:
0x0: {  	(tag) =	ssettag $0x1  }
0x1: {  	s0 =	rddreg [dreg:$0x0]  }
0x2: {  	s2 =	rddreg [dreg:$0x1]  }
0x3: {  	s3 =	rddreg [dreg:$0x2];
	s10 =	stileid.u32  }
0x4: {  	s4 =	simm.s32 $0x0;
	s5 =	srdreg.scid;
	s28 =	simm.s32 $0x14080  }
0x5: {  	s29 =	simm.s32 $0x14180;
	s30 =	simm.s32 $0x1;
	s1 =	smul.u32 $0x500, s10  }
0x6: {  	s31 =	simm.s32 $0x14100;
	[smem:$0x7FF] =	sst s4;
	s6 =	smul.u32 $0x50000, s10  }
0x7: {  	s5 =	sand.u32 $0x1, s5;
	s12 =	smul.u32 $0x280, s10;
	s15 =	sshll.u32 s10, $0x6  }
0x8: {  	_ =	strace $0x8000004D;
	s7 =	ssub.s32 $0x2, s5;
	s8 =	smul.u32 $0x2800, s5  }
0x9: {  	s5 =	sadd.s32 $0xDC00, s0;
	s9 =	sshrl.u32 s7, $0x1;
	s1 =	sadd.s32 s1, s0  }
0xa: {  	s0 =	sadd.s32 $0x85C00, s0;
	s6 =	sshrl.u32 s6, $0x2;
	s23 =	sadd.s32 $0x80, s12  }
0xb: {  	s24 =	sadd.s32 $0x100, s12;
	s25 =	sadd.s32 $0x180, s12;
	s9 =	ssub.s32 s7, s9  }
0xc: {  	s16 =	sadd.s32 s8, s12;
	s6 =	sadd.s32 s6, s3;
	s7 =	sor.u32 $0x1C02, s15  }
0xd: {  	s11 =	sshll.u32 s23, $0x7;
	s13 =	sshll.u32 s24, $0x7;
	s14 =	sshll.u32 s25, $0x7  }
0xe: {  	s12 =	sadd.s32 $0x200, s12;
	s10 =	sshll.u32 s16, $0x4;
	s9 =	smax.u32 s9, $0x1  }
0xf: {  	s17 =	sadd.s32 $0x4000, s6;
	s18 =	sadd.s32 $0x8000, s6;
	s19 =	sadd.s32 $0xC000, s6  }
0x10: {  	s20 =	sadd.s32 $0x10000, s6;
	s21 =	sadd.s32 s11, s3;
	s11 =	sadd.s32 s8, s24  }
0x11: {  	s22 =	sadd.s32 s13, s3;
	s13 =	sadd.s32 s8, s25;
	s26 =	sadd.s32 s8, s12  }
0x12: {  	s15 =	sshll.u32 s12, $0x7;
	s16 =	simm.s32 $0x2;
	s25 =	simm.s32 $0x14000  }
0x13: {  	s10 =	sadd.s32 s0, s10;
	[dreg:$0x5] =	wrdreg s9;
	s11 =	sshll.u32 s11, $0x4  }
0x14: {  	s13 =	sshll.u32 s13, $0x4;
	s24 =	sadd.s32 s15, s3;
	s15 =	sadd.s32 $0x3C00, s1  }
0x15: {  	s17 =	sshrl.u32 s17, $0x3;
	s18 =	sshrl.u32 s18, $0x3;
	s19 =	sshrl.u32 s19, $0x3  }
0x16: {  	s20 =	sshrl.u32 s20, $0x3;
	s21 =	sshrl.u32 s21, $0x3;
	s22 =	sshrl.u32 s22, $0x3  }
0x17: {  	[dreg:$0x4] =	wrdreg s10;
	s10 =	sadd.s32 s8, s23;
	s11 =	sadd.s32 s0, s11  }
0x18: {  	s23 =	sadd.s32 s14, s3;
	s14 =	sshll.u32 s26, $0x4;
	s12 =	sadd.s32 s0, s13  }
0x19: {  	s24 =	sshrl.u32 s24, $0x3;
	s26 =	simm.s32 $0x80;
	s10 =	sshll.u32 s10, $0x4  }
0x1a: {  	s13 =	sadd.s32 s0, s14;
	s14 =	sadd.s32 $0x8C00, s1;
	s10 =	sadd.s32 s0, s10  }
0x1b: {  	v0 =	vmov s8;
	s23 =	sshrl.u32 s23, $0x3;
	s0 =	simm.s32 $0x0;
	[dreg:$0x6] =	wrdreg s10  }
.LBB2_1:
0x1c: {  	s1 =	sshrl.u32 s6, $0x3  }
0x1d: {  	[spmem:s1], [sflag:s7] =	dma.local [hbm:s2], $0x800  }
0x1e: {  	_ =	swait.ge [sflag:s16], $0x800  }
0x1f: {  	[sflag:s16] =	ssyncset.done $0x0  }
0x20: {  	[sflag:s16] =	ssyncadd.s32 $0xFFFFF800  }
0x21: {  	[spmem:s17], [sflag:s7] =	dma.local [hbm:s2], $0x800  }
0x22: {  	_ =	swait.ge [sflag:s16], $0x800  }
0x23: {  	[sflag:s16] =	ssyncset.done $0x0  }
0x24: {  	[sflag:s16] =	ssyncadd.s32 $0xFFFFF800  }
0x25: {  	[spmem:s18], [sflag:s7] =	dma.local [hbm:s2], $0x800  }
0x26: {  	_ =	swait.ge [sflag:s16], $0x800  }
0x27: {  	[sflag:s16] =	ssyncset.done $0x0  }
0x28: {  	[sflag:s16] =	ssyncadd.s32 $0xFFFFF800  }
0x29: {  	[spmem:s19], [sflag:s7] =	dma.local [hbm:s2], $0x800  }
0x2a: {  	_ =	swait.ge [sflag:s16], $0x800  }
0x2b: {  	[sflag:s16] =	ssyncset.done $0x0  }
0x2c: {  	[sflag:s16] =	ssyncadd.s32 $0xFFFFF800  }
0x2d: {  	[spmem:s20], [sflag:s7] =	dma.local [hbm:s2], $0x800  }
0x2e: {  	_ =	swait.ge [sflag:s16], $0x800  }
0x2f: {  	[sflag:s16] =	ssyncset.done $0x0  }
0x30: {  	[sflag:s16] =	ssyncadd.s32 $0xFFFFF800  }
0x31: {  	s8 =	sadd.s32 $0x0, s15;
	[bflag:$0x0] =	sbarrier.arrive $0xFFFF  }
0x32: {  	[tilespmem:s25], [sflag:$0x2] =	stream.linear.gather [hbm4b:s8+s4], $0x80, $0x38;
	[tilespmem:$0x18180] =	vst v63  }
0x33: {  	_ =	swait.ge [sflag:s16], $0x80  }
0x34: {  	[sflag:s16] =	ssyncset.done $0x0  }
0x35: {  	[sflag:s16] =	ssyncadd.s32 $0xFFFFFF80  }
0x36: {  	v1 =	vld [tilespmem:$0x14070]  }
0x37: {  	v2 =	vld [tilespmem:$0x14030]  }
0x38: {  	v3 =	vld [tilespmem:$0x14050]  }
0x39: {  	v5 =	vld [tilespmem:$0x14020]  }
0x3a: {  	v4 =	vld [tilespmem:$0x14060]  }
0x3b: {  	v6 =	vld [tilespmem:$0x14010];
	v1 =	vadd.s32 v0, v1  }
0x3c: {  	v7 =	vld [tilespmem:$0x14040];
	v2 =	vadd.s32 v0, v2;
	[tilespmem:$0x140F0] =	vst v1  }
0x3d: {  	v1 =	vld [tilespmem:$0x14000];
	[tilespmem:$0x140B0] =	vst v2;
	v2 =	vadd.s32 v0, v3  }
0x3e: {  	v3 =	vadd.s32 v0, v5;
	[tilespmem:$0x140D0] =	vst v2  }
0x3f: {  	v2 =	vadd.s32 v0, v4;
	[tilespmem:$0x140A0] =	vst v3  }
0x40: {  	[tilespmem:$0x140E0] =	vst v2;
	v2 =	vadd.s32 v0, v6  }
0x41: {  	[tilespmem:$0x14090] =	vst v2;
	v2 =	vadd.s32 v0, v7  }
0x42: {  	[tilespmem:$0x140C0] =	vst v2;
	v1 =	vadd.s32 v0, v1  }
0x43: {  	[tilespmem:$0x14080] =	vst v1  }
0x44: {  	[tilespmem:s29], [sflag:$0x1] =	stream.indirect.gather [hbm4b:s5+s26], $0x80, s28, s26, $0xb8;
	[tilespmem:$0x18180] =	vst v63  }
0x45: {  	_ =	swait.ge [sflag:s30], $0x4000  }
0x46: {  	[sflag:s30] =	ssyncset.done $0x0  }
0x47: {  	s9 =	sadd.s32 $0x0, s14;
	s8 =	simm.s32 $0x10;
	[sflag:s30] =	ssyncadd.s32 $0xFFFFC000  }
.LBB2_2:
0x48: {  	[tilespmem:s31], [sflag:$0x2] =	stream.linear.gather [hbm4b:s9+s4], $0x80, $0x38;
	[tilespmem:$0x18180] =	vst v63  }
0x49: {  	s9 =	smov.u32 s8  }
0x4a: {  	p0 =	sne.s32 s8, $0x4F0;
	s8 =	sadd.s32 $0x10, s8;
	_ =	swait.ge [sflag:s16], $0x80  }
0x4b: {  	[sflag:s16] =	ssyncset.done $0x0  }
0x4c: {  	[sflag:s16] =	ssyncadd.s32 $0xFFFFFF80  }
0x4d: {  	[spmem:s3] =	stream.indirect.scatter.add.f32 [tilespmem:s29], [sflag:$0x2], $0x80, s31, s26, $0xb8;
	[tilespmem:$0x18180] =	vst v63  }
0x4e: {  	_ =	swait.ge [sflag:s16], $0x4000  }
0x4f: {  	[sflag:s16] =	ssyncset.done $0x0  }
0x50: {  	s10 =	sadd.s32 s9, s15;
	[sflag:s16] =	ssyncadd.s32 $0xFFFFC000  }
0x51: {  	[tilespmem:s25], [sflag:$0x2] =	stream.linear.gather [hbm4b:s10+s4], $0x80, $0x38;
	[tilespmem:$0x18180] =	vst v63  }
0x52: {  	_ =	swait.ge [sflag:s16], $0x80  }
0x53: {  	[sflag:s16] =	ssyncset.done $0x0  }
0x54: {  	[sflag:s16] =	ssyncadd.s32 $0xFFFFFF80  }
0x55: {  	v1 =	vld [tilespmem:$0x14070]  }
0x56: {  	v2 =	vld [tilespmem:$0x14030]  }
0x57: {  	v3 =	vld [tilespmem:$0x14050]  }
0x58: {  	v4 =	vld [tilespmem:$0x14060]  }
0x59: {  	v5 =	vld [tilespmem:$0x14020]  }
0x5a: {  	v6 =	vld [tilespmem:$0x14010];
	v1 =	vadd.s32 v0, v1  }
0x5b: {  	v2 =	vadd.s32 v0, v2;
	v7 =	vld [tilespmem:$0x14040];
	[tilespmem:$0x140F0] =	vst v1  }
0x5c: {  	v1 =	vld [tilespmem:$0x14000];
	[tilespmem:$0x140B0] =	vst v2;
	v2 =	vadd.s32 v0, v3  }
0x5d: {  	[tilespmem:$0x140D0] =	vst v2;
	v2 =	vadd.s32 v0, v4  }
0x5e: {  	v3 =	vadd.s32 v0, v5;
	[tilespmem:$0x140E0] =	vst v2  }
0x5f: {  	v2 =	vadd.s32 v0, v6;
	[tilespmem:$0x140A0] =	vst v3  }
0x60: {  	[tilespmem:$0x14090] =	vst v2;
	v2 =	vadd.s32 v0, v7  }
0x61: {  	v1 =	vadd.s32 v0, v1;
	[tilespmem:$0x140C0] =	vst v2  }
.Ltmp0:
0x62: {  	[tilespmem:$0x14080] =	vst v1;
	(pc) =	sbr.rel @p0 .LBB2_2-.Ltmp0, $4  }
0x63: {  	[tilespmem:s29], [sflag:$0x1] =	stream.indirect.gather [hbm4b:s5+s26], $0x80, s28, s26, $0xb8;
	[tilespmem:$0x18180] =	vst v63  }
0x64: {  	_ =	swait.ge [sflag:s30], $0x4000  }
0x65: {  	[sflag:s30] =	ssyncset.done $0x0  }
0x66: {  	s9 =	sadd.s32 s9, s14;
	[sflag:s30] =	ssyncadd.s32 $0xFFFFC000  }
0x67: {  	[tilespmem:s31], [sflag:$0x2] =	stream.linear.gather [hbm4b:s9+s4], $0x80, $0x38;
	[tilespmem:$0x18180] =	vst v63  }
0x68: {  	_ =	swait.ge [sflag:s16], $0x80  }
0x69: {  	[sflag:s16] =	ssyncset.done $0x0  }
0x6a: {  	[sflag:s16] =	ssyncadd.s32 $0xFFFFFF80  }
0x6b: {  	[spmem:s3] =	stream.indirect.scatter.add.f32 [tilespmem:s29], [sflag:$0x2], $0x80, s31, s26, $0xb8;
	[tilespmem:$0x18180] =	vst v63  }
0x6c: {  	_ =	swait.ge [sflag:s16], $0x4000  }
0x6d: {  	[sflag:s16] =	ssyncset.done $0x0  }
0x6e: {  	[sflag:s16] =	ssyncadd.s32 $0xFFFFC000  }
0x6f: {  	[bflag:$0x0] =	sbarrier.arrive $0xFFFF  }
0x70: {  	s8 =	rddreg [dreg:$0x4]  }
0x71: {  	[hbm:s8], [sflag:s7] =	dma.local [spmem:s1], $0x800  }
0x72: {  	_ =	swait.ge [sflag:s16], $0x800  }
0x73: {  	[sflag:s16] =	ssyncset.done $0x0  }
0x74: {  	s9 =	rddreg [dreg:$0x6];
	[sflag:s16] =	ssyncadd.s32 $0xFFFFF800  }
0x75: {  	[hbm:s9], [sflag:s7] =	dma.local [spmem:s21], $0x800  }
0x76: {  	_ =	swait.ge [sflag:s16], $0x800  }
0x77: {  	[sflag:s16] =	ssyncset.done $0x0  }
0x78: {  	[sflag:s16] =	ssyncadd.s32 $0xFFFFF800  }
0x79: {  	[hbm:s11], [sflag:s7] =	dma.local [spmem:s22], $0x800  }
0x7a: {  	_ =	swait.ge [sflag:s16], $0x800  }
0x7b: {  	[sflag:s16] =	ssyncset.done $0x0  }
0x7c: {  	[sflag:s16] =	ssyncadd.s32 $0xFFFFF800  }
0x7d: {  	[hbm:s12], [sflag:s7] =	dma.local [spmem:s23], $0x800  }
0x7e: {  	_ =	swait.ge [sflag:s16], $0x800  }
0x7f: {  	[sflag:s16] =	ssyncset.done $0x0  }
0x80: {  	[sflag:s16] =	ssyncadd.s32 $0xFFFFF800  }
0x81: {  	[hbm:s13], [sflag:s7] =	dma.local [spmem:s24], $0x800  }
0x82: {  	_ =	swait.ge [sflag:s16], $0x800  }
0x83: {  	s0 =	sadd.s32 $0x1, s0;
	s10 =	rddreg [dreg:$0x5]  }
0x84: {  	p0 =	sne.s32 s0, s10  }
.Ltmp1:
0x85: {  	_ = 	snop;
	(pc) =	sbr.rel @p0 .LBB2_1-.Ltmp1, $3  }
0x86: {  	_ =	sdelay $0x1  }
0x87: {  	[sflag:s16] =	ssyncset.done $0x0  }
0x88: {  	[sflag:s16] =	ssyncadd.s32 $0xFFFFF800  }
0x89: {  	_ =	sfence.sel $0x180000  }
0x8a: {  	[bflag:$0x0] =	sbarrier.arrive $0xFFFF  }
0x8b: {  	_ =	strace $0x9000004D  }
0x8c: {  	s0 =	stileid.u32;
	[bflag:$0x2] =	sbarrier.arrive $0xFFFF  }
0x8d: {  	p0 =	sne.s32 s0, $0x0;
	s0 =	rddreg [dreg:$0x3]  }
0x8e: {  	s0 =	sadd.s32 @!p0 $0x100000, s0  }
0x8f: {  	[sflag:s0] =	ssyncadd.tile.s32 @!p0 $0x1;
	_ =	shalt  }
.Lfunc_end2:
_tile_overlayer_lowered:
.L_overlay_start_2:
0x90: {  	(tag) =	ssettag $0x2  }
0x91: {  	s0 =	rddreg [dreg:$0x0];
	s2 =	stileid.u32  }
0x92: {  	s1 =	rddreg [dreg:$0x1];
	p0 =	sne.s32 s2, $0x0  }
0x93: {  	s3 =	rddreg [dreg:$0x2];
	[bflag:$0x3] =	sbarrier.arrive $0xFFFF;
	s2 =	simm.s32 @!p0 $0x1C02  }
0x94: {  	[timem:s3], [sflag:s2] =	dma.local @!p0 [hbm:s0], s1  }
0x95: {  	s0 =	simm.s32 @!p0 $0x2  }
0x96: {  	_ =	swait.ge @!p0 [sflag:s0], s1  }
0x97: {  	s1 =	ssub.s32 @!p0 $0x0, s1;
	[sflag:s0] =	ssyncset.done @!p0 $0x0  }
0x98: {  	[sflag:s0] =	ssyncadd.s32 @!p0 s1  }
0x99: {  	[bflag:$0x3] =	sbarrier.arrive $0xFFFF  }
0x9a: {  	_ =	shalt  }

// kernel: kernel.18.cloned.1.call-start
scs
__scs_entry_jumppad:
0x0: {  	(pc) =	sbr.rel $0x88, $3  }
0x1: {  	(tag) =	ssettag $0x0;
	lr =	simm.s32 $0x1  }
0x2: {  	[smem:$0x3F97] =	sst lr;
	_ =	strace $0xD0000000  }
0x3: {  	_ = 	snop  }
0x4: {  	_ = 	snop  }
0x5: {  	_ = 	snop  }
0x6: {  	_ = 	snop  }
0x7: {  	_ = 	snop  }
__scs_overlays_trampoline_lowered:
0x8: {  	[smem:$0x3FA6] =	sst s0  }
0x9: {  	[smem:$0x3FA7] =	sst s1  }
0xa: {  	[smem:$0x3FA8] =	sst s2  }
0xb: {  	[smem:$0x3FA9] =	sst s3  }
0xc: {  	[smem:$0x3FAA] =	sst s4  }
0xd: {  	[smem:$0x3FAB] =	sst s5  }
0xe: {  	[smem:$0x3FAC] =	sst s6  }
0xf: {  	[smem:$0x3FAD] =	sst s7  }
0x10: {  	[smem:$0x3FAE] =	sst s8  }
0x11: {  	[smem:$0x3FAF] =	sst s9;
	s0 =	simm.s32 @!p0 $0x0  }
0x12: {  	s1 =	sld [smem:$0x3F95];
	s0 =	simm.s32 @p0 $0x1  }
0x13: {  	[smem:$0x3FB0] =	sst s0;
	s0 =	simm.s32 @!p1 $0x0  }
0x14: {  	s2 =	sld [smem:$0x3F94];
	s0 =	simm.s32 @p1 $0x1  }
0x15: {  	[smem:$0x3FB1] =	sst s0;
	s0 =	simm.s32 @!p2 $0x0  }
0x16: {  	s3 =	sld [smem:$0x3FDB];
	s0 =	simm.s32 @p2 $0x1  }
0x17: {  	s4 =	simm.s32 $0x1BF5;
	[smem:$0x3FB3] =	sst s0  }
0x18: {  	s0 =	sld [smem:$0x3F96];
	_ =	swait.ge [sflag:s4], $0x0  }
0x19: {  	s7 =	sld [smem:$0x3F97]  }
0x1a: {  	s8 =	sadd.s32 $0xFFFFE003, lr  }
0x1b: {  	s9 =	sadd.s32 $0xFFFFFEF7, lr;
	s5 =	simm.s32 $0xFFFFFFFF;
	p2 =	slt.u32 s8, $0xFFFFF086  }
0x1c: {  	p1 =	slt.u32 s9, $0xF7A;
	s5 =	simm.s32 @!p2 $0x0  }
0x1d: {  	s5 =	simm.s32 @p1 $0x1;
	p0 =	seq.s32 s7, s2  }
0x1e: {  	s7 =	smul.u32 @!p0 $0xF7A, s2;
	p2 =	seq.s32 @!p0 s5, $0x0  }
0x1f: {  	s9 =	smul.u32 $0xF7A, s1;
	s8 =	simm.s32 @!p0 $0x1BF5;
	p2 =	por !p2, p0  }
0x20: {  	[sflag:s8] =	ssyncset.s32 @!p0 $0xFFFFF086;
	s6 =	sadd.s32 @!p0 s3, s7;
	s7 =	simm.s32 @!p0 $0x108  }
0x21: {  	s3 =	sadd.s32 s3, s9;
	s6 =	sadd.s32 @!p0 $0x88, s6;
	s7 =	simm.s32 @p2 $0x1082  }
0x22: {  	[simem:s7], [sflag:s8] =	dma.local @!p0 [hbm:s6], $0xF7A  }
0x23: {  	s9 =	sor.u32 $0xD0000000, s2;
	s6 =	simm.s32 $0x108;
	_ =	swait.ge @!p0 [sflag:s8], $0x0  }
0x24: {  	s3 =	sadd.s32 $0x88, s3;
	s6 =	simm.s32 @!p1 $0x1082;
	[sflag:s4] =	ssyncset.s32 $0xFFFFF086  }
0x25: {  	[simem:s6], [sflag:s4] =	dma.local [hbm:s3], $0xF7A  }
0x26: {  	[smem:$0x3F97] =	sst s1;
	(tag) =	ssettag s2;
	_ =	strace s9  }
0x27: {  	s1 =	sld [smem:$0x3FA7]  }
0x28: {  	s2 =	sld [smem:$0x3FA8]  }
0x29: {  	s4 =	sld [smem:$0x3FAA]  }
0x2a: {  	p0 =	seq.s32 s5, $0x0;
	s5 =	sld [smem:$0x3FAB]  }
0x2b: {  	s6 =	sld [smem:$0x3FAC]  }
0x2c: {  	s7 =	sld [smem:$0x3FAD]  }
0x2d: {  	s3 =	simm.s32 $0x108;
	s8 =	sld [smem:$0x3FAE]  }
0x2e: {  	s3 =	simm.s32 @!p0 $0x1082;
	s9 =	sld [smem:$0x3FAF]  }
0x2f: {  	lr =	sadd.s32 s0, s3;
	s0 =	sld [smem:$0x3FA6]  }
0x30: {  	s3 =	sld [smem:$0x3FA9]  }
0x31: {  	[smem:$0x3FB2] =	sst s10  }
0x32: {  	s10 =	sld [smem:$0x3FB0];
	_ =	sdelay $0x3  }
0x33: {  	p0 =	seq.s32 s10, $0x1;
	s10 =	sld [smem:$0x3FB2];
	_ =	sdelay $0x3  }
0x34: {  	[smem:$0x3FB2] =	sst s10  }
0x35: {  	s10 =	sld [smem:$0x3FB1];
	_ =	sdelay $0x3  }
0x36: {  	p1 =	seq.s32 s10, $0x1;
	s10 =	sld [smem:$0x3FB2];
	_ =	sdelay $0x3  }
0x37: {  	[smem:$0x3FB2] =	sst s10  }
0x38: {  	s10 =	sld [smem:$0x3FB3]  }
0x39: {  	_ = 	snop;
	(pc) =	sbr.ind lr, $3  }
0x3a: {  	_ = 	snop  }
0x3b: {  	_ = 	snop  }
0x3c: {  	p2 =	seq.s32 s10, $0x1;
	s10 =	sld [smem:$0x3FB2]  }
0x3d: {  	_ =	shalt  }
0x3e: {  	_ =	shalt  }
0x3f: {  	_ =	shalt  }
0x40: {  	_ =	shalt  }
0x41: {  	_ =	shalt  }
0x42: {  	_ =	shalt  }
0x43: {  	_ =	shalt  }
0x44: {  	_ =	shalt  }
0x45: {  	_ =	shalt  }
0x46: {  	_ =	shalt  }
0x47: {  	_ =	shalt  }
0x48: {  	_ =	shalt  }
0x49: {  	_ =	shalt  }
0x4a: {  	_ =	shalt  }
0x4b: {  	_ =	shalt  }
0x4c: {  	_ =	shalt  }
0x4d: {  	_ =	shalt  }
0x4e: {  	_ =	shalt  }
0x4f: {  	_ =	shalt  }
0x50: {  	_ =	shalt  }
0x51: {  	_ =	shalt  }
0x52: {  	_ =	shalt  }
0x53: {  	_ =	shalt  }
0x54: {  	_ =	shalt  }
0x55: {  	_ =	shalt  }
0x56: {  	_ =	shalt  }
0x57: {  	_ =	shalt  }
0x58: {  	_ =	shalt  }
0x59: {  	_ =	shalt  }
0x5a: {  	_ =	shalt  }
0x5b: {  	_ =	shalt  }
0x5c: {  	_ =	shalt  }
0x5d: {  	_ =	shalt  }
0x5e: {  	_ =	shalt  }
0x5f: {  	_ =	shalt  }
0x60: {  	_ =	shalt  }
0x61: {  	_ =	shalt  }
0x62: {  	_ =	shalt  }
0x63: {  	_ =	shalt  }
0x64: {  	_ =	shalt  }
0x65: {  	_ =	shalt  }
0x66: {  	_ =	shalt  }
0x67: {  	_ =	shalt  }
0x68: {  	_ =	shalt  }
0x69: {  	_ =	shalt  }
0x6a: {  	_ =	shalt  }
0x6b: {  	_ =	shalt  }
0x6c: {  	_ =	shalt  }
0x6d: {  	_ =	shalt  }
0x6e: {  	_ =	shalt  }
0x6f: {  	_ =	shalt  }
0x70: {  	_ =	shalt  }
0x71: {  	_ =	shalt  }
0x72: {  	_ =	shalt  }
0x73: {  	_ =	shalt  }
0x74: {  	_ =	shalt  }
0x75: {  	_ =	shalt  }
0x76: {  	_ =	shalt  }
0x77: {  	_ =	shalt  }
0x78: {  	_ =	shalt  }
0x79: {  	_ =	shalt  }
0x7a: {  	_ =	shalt  }
0x7b: {  	_ =	shalt  }
0x7c: {  	_ =	shalt  }
0x7d: {  	_ =	shalt  }
0x7e: {  	_ =	shalt  }
0x7f: {  	_ =	shalt  }
0x80: {  	_ =	shalt  }
0x81: {  	_ =	shalt  }
0x82: {  	_ =	shalt  }
0x83: {  	_ =	shalt  }
0x84: {  	_ =	shalt  }
0x85: {  	_ =	shalt  }
0x86: {  	_ =	shalt  }
0x87: {  	_ =	shalt  }
.Lfunc_end0:
.L_simem_size_0:
called_computation.3_lowered:
.L_overlay_start_0:
0x88: {  	s2 =	sld [smem:$0x3FD9]  }
0x89: {  	s3 =	sld [smem:$0x3FFE];
	_ =	sdelay $0x1  }
0x8a: {  	s1 =	srdreg.scid  }
0x8b: {  	s0 =	sand.u32 $0x1, s1  }
0x8c: {  	s17 =	sshll.u32 s0, $0xA;
	s2 =	sadd.s32 s3, s2  }
0x8d: {  	s2 =	sadd.s32 s2, s17  }
0x8e: {  	[smem:$0x3FBE] =	sst s2  }
0x8f: {  	_ = 	snop  }
0x90: {  	s2 =	sld [smem:$0x3FC1]  }
0x91: {  	s18 =	sld [smem:$0x3FD0];
	(tm) =	ssettm $0x1  }
0x92: {  	s4 =	sld [smem:$0x3FFB];
	_ =	sdelay $0x3  }
0x93: {  	_ =	strace s4  }
0x94: {  	s4 =	sld [smem:$0x3FFC];
	_ =	sdelay $0x3  }
0x95: {  	_ =	strace s4  }
0x96: {  	s4 =	sld [smem:$0x3FFD];
	_ =	sdelay $0x3  }
0x97: {  	_ =	strace s4  }
0x98: {  	_ =	strace $0x8FFFFFFF  }
0x99: {  	s19 =	sld [smem:$0x3FDB];
	_ =	sdelay $0x1  }
0x9a: {  	s5 =	simm.s32 $_scs_section_size  }
0x9b: {  	s6 =	simm.s32 $_size__tile_overlayer_lowered;
	s7 =	simm.s32 $_tile_overlayer_lowered  }
0x9c: {  	s22 =	simm.s32 $0x1BFF;
	s21 =	sshll.u32 s7, $0x1;
	s4 =	sadd.s32 s5, s19  }
0x9d: {  	s8 =	simm.s32 $0x0;
	s20 =	sshll.u32 s6, $0x1;
	s6 =	sadd.s32 s21, s4  }
0x9e: {  	[timem:s8], [sflag:s22] =	dma.local [hbm:s6], s20  }
0x9f: {  	_ =	swait.ge [sflag:s22], s20  }
0xa0: {  	s5 =	ssub.s32 $0x0, s20;
	[sflag:s22] =	ssyncset.done $0x0  }
0xa1: {  	[sflag:s22] =	ssyncadd.s32 s5;
	_ =	sdelay $0x1  }
0xa2: {  	s23 =	simm.s32 $0x1B8B  }
0xa3: {  	_ =	swait.ge [sflag:s23], $0x1  }
0xa4: {  	[sflag:s23] =	ssyncset.done $0x0  }
0xa5: {  	s25 =	simm.s32 $0x1B8E;
	s24 =	sld [smem:$0x3FFE];
	[sflag:s23] =	ssyncadd.s32 $0xFFFFFFFF  }
0xa6: {  	s26 =	simm.s32 $execute0_lowered;
	[smem:$0x3FD2] =	sst s25  }
0xa7: {  	s6 =	sshll.u32 s26, $0x1;
	_ =	strace $0x8000004F;
	[dreg:$0x1] =	wrdreg $0xFFFFFFFF  }
0xa8: {  	s28 =	simm.s32 $_size_execute0_lowered;
	s4 =	sadd.s32 s4, s6;
	[dreg:$0x0] =	wrdreg $0x0  }
0xa9: {  	s6 =	sshll.u32 s28, $0x1;
	[dreg:$0x2] =	wrdreg s4  }
0xaa: {  	[dreg:$0x3] =	wrdreg s6  }
0xab: {  	[dreg:$0x4] =	wrdreg $0xC0  }
0xac: {  	_ =	task [dreg:s8], $0x5FFFF  }
0xad: {  	[dreg:$0x1] =	wrdreg $0xFFFFFFFF  }
0xae: {  	[dreg:$0x0] =	wrdreg $0x60  }
0xaf: {  	[dreg:$0x2] =	wrdreg s24  }
0xb0: {  	[dreg:$0x3] =	wrdreg s2  }
0xb1: {  	[dreg:$0x4] =	wrdreg s18  }
0xb2: {  	[dreg:$0x5] =	wrdreg $0x9  }
0xb3: {  	_ =	task.clear_ibuf [dreg:s8], $0x6FFFF;
	_ =	strace $0x9000004F  }
0xb4: {  	s29 =	simm.s32 $0x9;
	_ =	strace $0x80000051  }
0xb5: {  	_ =	swait.ge [sflag:s29], $0x1  }
0xb6: {  	[sflag:s29] =	ssyncadd.s32 $0xFFFFFFFF  }
0xb7: {  	_ =	strace $0x90000051  }
0xb8: {  	_ =	sfence  }
0xb9: {  	s30 =	sld [smem:$0x0];
	_ =	sdelay $0x2  }
0xba: {  	s31 =	sshll.u32 s1, $0xD;
	s1 =	sshrl.u32 s1, $0x2  }
0xbb: {  	s3 =	sand.u32 $0x4000, s31;
	s1 =	sadd.s32 s1, s30  }
0xbc: {  	s0 =	sor.u32 s3, s0;
	s1 =	sshll.u32 s1, $0x11  }
0xbd: {  	s0 =	sor.u32 s1, s0  }
0xbe: {  	s0 =	sadd.s32 $0x8F2B, s0  }
0xbf: {  	[sflag:s0] =	ssyncadd.remote.s32 $0x1  }
0xc0: {  	_ =	sfence.sel $0xFFFF  }
0xc1: {  	[dreg:$0x0] =	wrdreg $0xFFFFFFFF;
	(pc) =	sbr.abs _section_cstart, $3  }
0xc2: {  	[dreg:$0x1] =	wrdreg $0xFFFFFFFF  }
0xc3: {  	_ =	task.clear_ibuf [dreg:s8], $0x2FFFF;
	_ =	strace $0x9FFFFFFF  }
0xc4: {  	(tm) =	ssettm $0x7FFFFFFF  }
0xc5: {  	_ =	shalt  }
tec
execute0_lowered:
.L_overlay_start_1:
0x0: {  	(tag) =	ssettag $0x1  }
0x1: {  	s0 =	rddreg [dreg:$0x0]  }
0x2: {  	s3 =	simm.s32 $0x0;
	s1 =	srdreg.scid;
	s9 =	stileid.u32  }
0x3: {  	s13 =	simm.s32 $0x3;
	s16 =	simm.s32 $0x100;
	s19 =	simm.s32 $0xC900  }
0x4: {  	s20 =	simm.s32 $0xD100;
	s21 =	simm.s32 $0xD900;
	s22 =	simm.s32 $0xE100  }
0x5: {  	s23 =	simm.s32 $0xE900;
	s24 =	simm.s32 $0xF100;
	s25 =	simm.s32 $0xF900  }
0x6: {  	s26 =	simm.s32 $0x1;
	s28 =	simm.s32 $0x2;
	s29 =	simm.s32 $0x10280  }
0x7: {  	[smem:$0x7FF] =	sst s3;
	s5 =	sadd.s32 $0xDC00, s0;
	s1 =	sand.u32 $0x1, s1  }
0x8: {  	s6 =	sadd.s32 $0x85C00, s0;
	s7 =	sadd.s32 $0x3C00, s0;
	s2 =	ssub.s32 $0x2, s1  }
0x9: {  	s8 =	sadd.s32 $0x8C00, s0;
	s10 =	sshll.u32 s9, $0x1;
	s4 =	sshrl.u32 s2, $0x1  }
0xa: {  	v3 =	vlaneseq.u32;
	vm0 =	vmmov $0xffff;
	s9 =	sadd.s32 $0x5DC00, s0;
	s1 =	sor.u32 s1, s10;
	s31 =	ssub.s32 s2, s4  }
0xb: {  	v1 =	vshrl.u32 v3, $0x3;
	v0 =	vand.u32 $0x7, v3;
	v2 =	vor.u32 $0x8, v3;
	_ =	strace $0x80000050;
	s10 =	smul.u32 $0x28, s1;
	s0 =	smax.u32 s31, $0x1  }
0xc: {  	v3 =	vmul.u32 $0x100, v3;
	v1 =	vmul.u32 $0x8, v1;
	v4 =	vmul.u32 $0x80, v0;
	s1 =	simm.s32 $0x0;
	s4 =	simm.s32 $0x8100;
	[dreg:$0x4] =	wrdreg s0  }
.LBB2_1:
0xd: {  	[dreg:$0x5] =	wrdreg s1  }
0xe: {  	s0 =	rddreg [dreg:$0x1];
	s17 =	simm.s32 $0x10100  }
0xf: {  	[tilespmem:s17], [sflag:$0x3] =	stream.linear.gather [hbm4b:s0+s3], $0x100, $0x38;
	[tilespmem:$0x10300] =	vst v63  }
0x10: {  	_ =	swait.ge [sflag:s13], $0x100  }
0x11: {  	[sflag:s13] =	ssyncset.done $0x0  }
0x12: {  	[sflag:s13] =	ssyncadd.s32 $0xFFFFFF00  }
0x13: {  	s31 =	simm.s32 $0x10200;
	s18 =	rddreg [dreg:$0x2]  }
0x14: {  	[tilespmem:s31], [sflag:$0x3] =	stream.linear.gather [hbm4b:s18+s3], $0x80, $0x38;
	[tilespmem:$0x10300] =	vst v63  }
0x15: {  	_ =	swait.ge [sflag:s13], $0x80  }
0x16: {  	[sflag:s13] =	ssyncset.done $0x0  }
0x17: {  	[sflag:s13] =	ssyncadd.s32 $0xFFFFFF80  }
0x18: {  	s30 =	simm.s32 $0x0;
	v5 =	vld [tilespmem:$0x10200]  }
.LBB2_2:
0x19: {  	s0 =	sadd.s32 s10, s30  }
0x1a: {  	s31 =	sshll.u32 s0, $0x4  }
0x1b: {  	s0 =	simm.s32 $0x0;
	s1 =	sadd.s32 s7, s31  }
0x1c: {  	[tilespmem:s0], [sflag:$0x3] =	stream.linear.gather [hbm4b:s1+s0], $0x80, $0x38;
	[tilespmem:$0x10300] =	vst v63  }
0x1d: {  	_ =	swait.ge [sflag:s13], $0x80  }
0x1e: {  	[sflag:s13] =	ssyncset.done $0x0  }
0x1f: {  	s2 =	simm.s32 $0x80;
	s15 =	sadd.s32 s8, s31;
	[sflag:s13] =	ssyncadd.s32 $0xFFFFFF80  }
0x20: {  	[tilespmem:s2], [sflag:$0x3] =	stream.linear.gather [hbm4b:s15+s0], $0x80, $0x38;
	[tilespmem:$0x10300] =	vst v63  }
0x21: {  	_ =	swait.ge [sflag:s13], $0x80  }
0x22: {  	[sflag:s13] =	ssyncset.done $0x0  }
0x23: {  	[sflag:s13] =	ssyncadd.s32 $0xFFFFFF80  }
0x24: {  	v6 =	vld [tilespmem:$0x0];
	_ =	sdelay $0x4  }
0x25: {  	v7 =	vshll.u32 v6, $0x1  }
0x26: {  	v6 =	vand.u32 $0x7, v6;
	v7 =	vand.u32 $0xFFFFFFF0, v7  }
0x27: {  	v6 =	vor.u32 v6, v7  }
0x28: {  	v7 =	vperm.xlane v6, v0;
	_ =	sdelay $0x1  }
0x29: {  	v6 =	vperm.xlane v6, v2;
	v7 =	vadd.s32 v1, v7;
	_ =	sdelay $0x1  }
0x2a: {  	v6 =	vadd.s32 v1, v6;
	_ =	sdelay $0x2  }
0x2b: {  	[tilespmem:s16], [sflag:$0x1] =	stream.indirect_vreg.gather [hbm4b:s5+s0], $0x80, v7, vm0, $0xb8;
	[tilespmem:$0x10300] =	vst v63  }
0x2c: {  	s17 =	simm.s32 $0x900  }
0x2d: {  	[tilespmem:s17], [sflag:$0x1] =	stream.indirect_vreg.gather [hbm4b:s5+s0], $0x80, v6, vm0, $0xb8;
	[tilespmem:$0x10300] =	vst v63  }
0x2e: {  	v6 =	vld [tilespmem:$0x10];
	_ =	sdelay $0x4  }
0x2f: {  	v7 =	vshll.u32 v6, $0x1  }
0x30: {  	v6 =	vand.u32 $0x7, v6;
	v7 =	vand.u32 $0xFFFFFFF0, v7  }
0x31: {  	v6 =	vor.u32 v6, v7  }
0x32: {  	v7 =	vperm.xlane v6, v0;
	_ =	sdelay $0x1  }
0x33: {  	v6 =	vperm.xlane v6, v2;
	v7 =	vadd.s32 v1, v7;
	_ =	sdelay $0x1  }
0x34: {  	v6 =	vadd.s32 v1, v6;
	_ =	sdelay $0x1  }
0x35: {  	s18 =	simm.s32 $0x1100  }
0x36: {  	[tilespmem:s18], [sflag:$0x1] =	stream.indirect_vreg.gather [hbm4b:s5+s0], $0x80, v7, vm0, $0xb8;
	[tilespmem:$0x10300] =	vst v63  }
0x37: {  	s2 =	simm.s32 $0x1900  }
0x38: {  	[tilespmem:s2], [sflag:$0x1] =	stream.indirect_vreg.gather [hbm4b:s5+s0], $0x80, v6, vm0, $0xb8;
	[tilespmem:$0x10300] =	vst v63  }
0x39: {  	v6 =	vld [tilespmem:$0x20];
	_ =	sdelay $0x4  }
0x3a: {  	v7 =	vshll.u32 v6, $0x1  }
0x3b: {  	v6 =	vand.u32 $0x7, v6;
	v7 =	vand.u32 $0xFFFFFFF0, v7  }
0x3c: {  	v6 =	vor.u32 v6, v7  }
0x3d: {  	v7 =	vperm.xlane v6, v0;
	_ =	sdelay $0x1  }
0x3e: {  	v6 =	vperm.xlane v6, v2;
	v7 =	vadd.s32 v1, v7;
	_ =	sdelay $0x1  }
0x3f: {  	v6 =	vadd.s32 v1, v6;
	_ =	sdelay $0x1  }
0x40: {  	s11 =	simm.s32 $0x2100  }
0x41: {  	[tilespmem:s11], [sflag:$0x1] =	stream.indirect_vreg.gather [hbm4b:s5+s0], $0x80, v7, vm0, $0xb8;
	[tilespmem:$0x10300] =	vst v63  }
0x42: {  	s12 =	simm.s32 $0x2900  }
0x43: {  	[tilespmem:s12], [sflag:$0x1] =	stream.indirect_vreg.gather [hbm4b:s5+s0], $0x80, v6, vm0, $0xb8;
	[tilespmem:$0x10300] =	vst v63  }
0x44: {  	v6 =	vld [tilespmem:$0x30];
	_ =	sdelay $0x4  }
0x45: {  	v7 =	vshll.u32 v6, $0x1  }
0x46: {  	v6 =	vand.u32 $0x7, v6;
	v7 =	vand.u32 $0xFFFFFFF0, v7  }
0x47: {  	v6 =	vor.u32 v6, v7  }
0x48: {  	v7 =	vperm.xlane v6, v0;
	_ =	sdelay $0x1  }
0x49: {  	v6 =	vperm.xlane v6, v2;
	v7 =	vadd.s32 v1, v7;
	_ =	sdelay $0x1  }
0x4a: {  	v6 =	vadd.s32 v1, v6;
	_ =	sdelay $0x1  }
0x4b: {  	s14 =	simm.s32 $0x3100  }
0x4c: {  	[tilespmem:s14], [sflag:$0x1] =	stream.indirect_vreg.gather [hbm4b:s5+s0], $0x80, v7, vm0, $0xb8;
	[tilespmem:$0x10300] =	vst v63  }
0x4d: {  	s15 =	simm.s32 $0x3900  }
0x4e: {  	[tilespmem:s15], [sflag:$0x1] =	stream.indirect_vreg.gather [hbm4b:s5+s0], $0x80, v6, vm0, $0xb8;
	[tilespmem:$0x10300] =	vst v63  }
0x4f: {  	v6 =	vld [tilespmem:$0x40];
	_ =	sdelay $0x4  }
0x50: {  	v7 =	vshll.u32 v6, $0x1  }
0x51: {  	v6 =	vand.u32 $0x7, v6;
	v7 =	vand.u32 $0xFFFFFFF0, v7  }
0x52: {  	v6 =	vor.u32 v6, v7  }
0x53: {  	v7 =	vperm.xlane v6, v0;
	_ =	sdelay $0x1  }
0x54: {  	v6 =	vperm.xlane v6, v2;
	v7 =	vadd.s32 v1, v7;
	_ =	sdelay $0x1  }
0x55: {  	v6 =	vadd.s32 v1, v6;
	_ =	sdelay $0x1  }
0x56: {  	s17 =	simm.s32 $0x4100  }
0x57: {  	[tilespmem:s17], [sflag:$0x1] =	stream.indirect_vreg.gather [hbm4b:s5+s0], $0x80, v7, vm0, $0xb8;
	[tilespmem:$0x10300] =	vst v63  }
0x58: {  	s18 =	simm.s32 $0x4900  }
0x59: {  	[tilespmem:s18], [sflag:$0x1] =	stream.indirect_vreg.gather [hbm4b:s5+s0], $0x80, v6, vm0, $0xb8;
	[tilespmem:$0x10300] =	vst v63  }
0x5a: {  	v6 =	vld [tilespmem:$0x50];
	_ =	sdelay $0x4  }
0x5b: {  	v7 =	vshll.u32 v6, $0x1  }
0x5c: {  	v6 =	vand.u32 $0x7, v6;
	v7 =	vand.u32 $0xFFFFFFF0, v7  }
0x5d: {  	v6 =	vor.u32 v6, v7  }
0x5e: {  	v7 =	vperm.xlane v6, v0;
	_ =	sdelay $0x1  }
0x5f: {  	v6 =	vperm.xlane v6, v2;
	v7 =	vadd.s32 v1, v7;
	_ =	sdelay $0x1  }
0x60: {  	v6 =	vadd.s32 v1, v6;
	_ =	sdelay $0x1  }
0x61: {  	s2 =	simm.s32 $0x5100  }
0x62: {  	[tilespmem:s2], [sflag:$0x1] =	stream.indirect_vreg.gather [hbm4b:s5+s0], $0x80, v7, vm0, $0xb8;
	[tilespmem:$0x10300] =	vst v63  }
0x63: {  	s11 =	simm.s32 $0x5900  }
0x64: {  	[tilespmem:s11], [sflag:$0x1] =	stream.indirect_vreg.gather [hbm4b:s5+s0], $0x80, v6, vm0, $0xb8;
	[tilespmem:$0x10300] =	vst v63  }
0x65: {  	v6 =	vld [tilespmem:$0x60];
	_ =	sdelay $0x4  }
0x66: {  	v7 =	vshll.u32 v6, $0x1  }
0x67: {  	v6 =	vand.u32 $0x7, v6;
	v7 =	vand.u32 $0xFFFFFFF0, v7  }
0x68: {  	v6 =	vor.u32 v6, v7  }
0x69: {  	v7 =	vperm.xlane v6, v0;
	_ =	sdelay $0x1  }
0x6a: {  	v6 =	vperm.xlane v6, v2;
	v7 =	vadd.s32 v1, v7;
	_ =	sdelay $0x1  }
0x6b: {  	v6 =	vadd.s32 v1, v6;
	_ =	sdelay $0x1  }
0x6c: {  	s12 =	simm.s32 $0x6100  }
0x6d: {  	[tilespmem:s12], [sflag:$0x1] =	stream.indirect_vreg.gather [hbm4b:s5+s0], $0x80, v7, vm0, $0xb8;
	[tilespmem:$0x10300] =	vst v63  }
0x6e: {  	s14 =	simm.s32 $0x6900  }
0x6f: {  	[tilespmem:s14], [sflag:$0x1] =	stream.indirect_vreg.gather [hbm4b:s5+s0], $0x80, v6, vm0, $0xb8;
	[tilespmem:$0x10300] =	vst v63  }
0x70: {  	v6 =	vld [tilespmem:$0x70];
	_ =	sdelay $0x4  }
0x71: {  	v7 =	vshll.u32 v6, $0x1  }
0x72: {  	v6 =	vand.u32 $0x7, v6;
	v7 =	vand.u32 $0xFFFFFFF0, v7  }
0x73: {  	v6 =	vor.u32 v6, v7  }
0x74: {  	v7 =	vperm.xlane v6, v0;
	_ =	sdelay $0x1  }
0x75: {  	v6 =	vperm.xlane v6, v2;
	v7 =	vadd.s32 v1, v7;
	_ =	sdelay $0x1  }
0x76: {  	v6 =	vadd.s32 v1, v6;
	_ =	sdelay $0x1  }
0x77: {  	s15 =	simm.s32 $0x7100  }
0x78: {  	[tilespmem:s15], [sflag:$0x1] =	stream.indirect_vreg.gather [hbm4b:s5+s0], $0x80, v7, vm0, $0xb8;
	[tilespmem:$0x10300] =	vst v63  }
0x79: {  	s17 =	simm.s32 $0x7900  }
0x7a: {  	[tilespmem:s17], [sflag:$0x1] =	stream.indirect_vreg.gather [hbm4b:s5+s0], $0x80, v6, vm0, $0xb8;
	[tilespmem:$0x10300] =	vst v63  }
0x7b: {  	v6 =	vld [tilespmem:$0x80];
	_ =	sdelay $0x4  }
0x7c: {  	v7 =	vshll.u32 v6, $0x1  }
0x7d: {  	v6 =	vand.u32 $0x7, v6;
	v7 =	vand.u32 $0xFFFFFFF0, v7  }
0x7e: {  	v6 =	vor.u32 v6, v7  }
0x7f: {  	v7 =	vperm.xlane v6, v0;
	_ =	sdelay $0x1  }
0x80: {  	v6 =	vperm.xlane v6, v2;
	v7 =	vadd.s32 v1, v7;
	_ =	sdelay $0x1  }
0x81: {  	v6 =	vadd.s32 v1, v6;
	_ =	sdelay $0x2  }
0x82: {  	[tilespmem:s4], [sflag:$0x2] =	stream.indirect_vreg.gather [hbm4b:s6+s0], $0x80, v7, vm0, $0xb8;
	[tilespmem:$0x10300] =	vst v63  }
0x83: {  	s18 =	simm.s32 $0x8900  }
0x84: {  	[tilespmem:s18], [sflag:$0x2] =	stream.indirect_vreg.gather [hbm4b:s6+s0], $0x80, v6, vm0, $0xb8;
	[tilespmem:$0x10300] =	vst v63  }
0x85: {  	v6 =	vld [tilespmem:$0x90];
	_ =	sdelay $0x4  }
0x86: {  	v7 =	vshll.u32 v6, $0x1  }
0x87: {  	v6 =	vand.u32 $0x7, v6;
	v7 =	vand.u32 $0xFFFFFFF0, v7  }
0x88: {  	v6 =	vor.u32 v6, v7  }
0x89: {  	v7 =	vperm.xlane v6, v0;
	_ =	sdelay $0x1  }
0x8a: {  	v6 =	vperm.xlane v6, v2;
	v7 =	vadd.s32 v1, v7;
	_ =	sdelay $0x1  }
0x8b: {  	v6 =	vadd.s32 v1, v6;
	_ =	sdelay $0x1  }
0x8c: {  	s2 =	simm.s32 $0x9100  }
0x8d: {  	[tilespmem:s2], [sflag:$0x2] =	stream.indirect_vreg.gather [hbm4b:s6+s0], $0x80, v7, vm0, $0xb8;
	[tilespmem:$0x10300] =	vst v63  }
0x8e: {  	s11 =	simm.s32 $0x9900  }
0x8f: {  	[tilespmem:s11], [sflag:$0x2] =	stream.indirect_vreg.gather [hbm4b:s6+s0], $0x80, v6, vm0, $0xb8;
	[tilespmem:$0x10300] =	vst v63  }
0x90: {  	v6 =	vld [tilespmem:$0xA0];
	_ =	sdelay $0x4  }
0x91: {  	v7 =	vshll.u32 v6, $0x1  }
0x92: {  	v6 =	vand.u32 $0x7, v6;
	v7 =	vand.u32 $0xFFFFFFF0, v7  }
0x93: {  	v6 =	vor.u32 v6, v7  }
0x94: {  	v7 =	vperm.xlane v6, v0;
	_ =	sdelay $0x1  }
0x95: {  	v6 =	vperm.xlane v6, v2;
	v7 =	vadd.s32 v1, v7;
	_ =	sdelay $0x1  }
0x96: {  	v6 =	vadd.s32 v1, v6;
	_ =	sdelay $0x1  }
0x97: {  	s12 =	simm.s32 $0xA100  }
0x98: {  	[tilespmem:s12], [sflag:$0x2] =	stream.indirect_vreg.gather [hbm4b:s6+s0], $0x80, v7, vm0, $0xb8;
	[tilespmem:$0x10300] =	vst v63  }
0x99: {  	s14 =	simm.s32 $0xA900  }
0x9a: {  	[tilespmem:s14], [sflag:$0x2] =	stream.indirect_vreg.gather [hbm4b:s6+s0], $0x80, v6, vm0, $0xb8;
	[tilespmem:$0x10300] =	vst v63  }
0x9b: {  	v6 =	vld [tilespmem:$0xB0];
	_ =	sdelay $0x4  }
0x9c: {  	v7 =	vshll.u32 v6, $0x1  }
0x9d: {  	v6 =	vand.u32 $0x7, v6;
	v7 =	vand.u32 $0xFFFFFFF0, v7  }
0x9e: {  	v6 =	vor.u32 v6, v7  }
0x9f: {  	v7 =	vperm.xlane v6, v0;
	_ =	sdelay $0x1  }
0xa0: {  	v6 =	vperm.xlane v6, v2;
	v7 =	vadd.s32 v1, v7;
	_ =	sdelay $0x1  }
0xa1: {  	v6 =	vadd.s32 v1, v6;
	_ =	sdelay $0x1  }
0xa2: {  	s15 =	simm.s32 $0xB100  }
0xa3: {  	[tilespmem:s15], [sflag:$0x2] =	stream.indirect_vreg.gather [hbm4b:s6+s0], $0x80, v7, vm0, $0xb8;
	[tilespmem:$0x10300] =	vst v63  }
0xa4: {  	s17 =	simm.s32 $0xB900  }
0xa5: {  	[tilespmem:s17], [sflag:$0x2] =	stream.indirect_vreg.gather [hbm4b:s6+s0], $0x80, v6, vm0, $0xb8;
	[tilespmem:$0x10300] =	vst v63  }
0xa6: {  	v6 =	vld [tilespmem:$0xC0];
	_ =	sdelay $0x4  }
0xa7: {  	v7 =	vshll.u32 v6, $0x1  }
0xa8: {  	v6 =	vand.u32 $0x7, v6;
	v7 =	vand.u32 $0xFFFFFFF0, v7  }
0xa9: {  	v6 =	vor.u32 v6, v7  }
0xaa: {  	v7 =	vperm.xlane v6, v0;
	_ =	sdelay $0x1  }
0xab: {  	v6 =	vperm.xlane v6, v2;
	v7 =	vadd.s32 v1, v7;
	_ =	sdelay $0x1  }
0xac: {  	v6 =	vadd.s32 v1, v6;
	_ =	sdelay $0x1  }
0xad: {  	s18 =	simm.s32 $0xC100  }
0xae: {  	[tilespmem:s18], [sflag:$0x2] =	stream.indirect_vreg.gather [hbm4b:s6+s0], $0x80, v7, vm0, $0xb8;
	[tilespmem:$0x10300] =	vst v63  }
0xaf: {  	_ = 	snop  }
0xb0: {  	[tilespmem:s19], [sflag:$0x2] =	stream.indirect_vreg.gather [hbm4b:s6+s0], $0x80, v6, vm0, $0xb8;
	[tilespmem:$0x10300] =	vst v63  }
0xb1: {  	v6 =	vld [tilespmem:$0xD0];
	_ =	sdelay $0x4  }
0xb2: {  	v7 =	vshll.u32 v6, $0x1  }
0xb3: {  	v6 =	vand.u32 $0x7, v6;
	v7 =	vand.u32 $0xFFFFFFF0, v7  }
0xb4: {  	v6 =	vor.u32 v6, v7  }
0xb5: {  	v7 =	vperm.xlane v6, v0;
	_ =	sdelay $0x1  }
0xb6: {  	v6 =	vperm.xlane v6, v2;
	v7 =	vadd.s32 v1, v7;
	_ =	sdelay $0x1  }
0xb7: {  	v6 =	vadd.s32 v1, v6;
	_ =	sdelay $0x2  }
0xb8: {  	[tilespmem:s20], [sflag:$0x2] =	stream.indirect_vreg.gather [hbm4b:s6+s0], $0x80, v7, vm0, $0xb8;
	[tilespmem:$0x10300] =	vst v63  }
0xb9: {  	_ = 	snop  }
0xba: {  	[tilespmem:s21], [sflag:$0x2] =	stream.indirect_vreg.gather [hbm4b:s6+s0], $0x80, v6, vm0, $0xb8;
	[tilespmem:$0x10300] =	vst v63  }
0xbb: {  	v6 =	vld [tilespmem:$0xE0];
	_ =	sdelay $0x4  }
0xbc: {  	v7 =	vshll.u32 v6, $0x1  }
0xbd: {  	v6 =	vand.u32 $0x7, v6;
	v7 =	vand.u32 $0xFFFFFFF0, v7  }
0xbe: {  	v6 =	vor.u32 v6, v7  }
0xbf: {  	v7 =	vperm.xlane v6, v0;
	_ =	sdelay $0x1  }
0xc0: {  	v6 =	vperm.xlane v6, v2;
	v7 =	vadd.s32 v1, v7;
	_ =	sdelay $0x1  }
0xc1: {  	v6 =	vadd.s32 v1, v6;
	_ =	sdelay $0x2  }
0xc2: {  	[tilespmem:s22], [sflag:$0x2] =	stream.indirect_vreg.gather [hbm4b:s6+s0], $0x80, v7, vm0, $0xb8;
	[tilespmem:$0x10300] =	vst v63  }
0xc3: {  	_ = 	snop  }
0xc4: {  	[tilespmem:s23], [sflag:$0x2] =	stream.indirect_vreg.gather [hbm4b:s6+s0], $0x80, v6, vm0, $0xb8;
	[tilespmem:$0x10300] =	vst v63  }
0xc5: {  	v6 =	vld [tilespmem:$0xF0];
	_ =	sdelay $0x4  }
0xc6: {  	v7 =	vshll.u32 v6, $0x1  }
0xc7: {  	v6 =	vand.u32 $0x7, v6;
	v7 =	vand.u32 $0xFFFFFFF0, v7  }
0xc8: {  	v6 =	vor.u32 v6, v7  }
0xc9: {  	v7 =	vperm.xlane v6, v0;
	_ =	sdelay $0x1  }
0xca: {  	v6 =	vperm.xlane v6, v2;
	v7 =	vadd.s32 v1, v7;
	_ =	sdelay $0x1  }
0xcb: {  	v6 =	vadd.s32 v1, v6;
	_ =	sdelay $0x2  }
0xcc: {  	[tilespmem:s24], [sflag:$0x2] =	stream.indirect_vreg.gather [hbm4b:s6+s0], $0x80, v7, vm0, $0xb8;
	[tilespmem:$0x10300] =	vst v63  }
0xcd: {  	_ = 	snop  }
0xce: {  	[tilespmem:s25], [sflag:$0x2] =	stream.indirect_vreg.gather [hbm4b:s6+s0], $0x80, v6, vm0, $0xb8;
	[tilespmem:$0x10300] =	vst v63  }
0xcf: {  	_ =	swait.ge [sflag:s26], $0x8000  }
0xd0: {  	[sflag:s26] =	ssyncset.done $0x0  }
0xd1: {  	[sflag:s26] =	ssyncadd.s32 $0xFFFF8000  }
0xd2: {  	_ =	swait.ge [sflag:s28], $0x8000  }
0xd3: {  	[sflag:s28] =	ssyncset.done $0x0  }
0xd4: {  	[sflag:s28] =	ssyncadd.s32 $0xFFFF8000  }
.LBB2_3:
0xd5: {  	s1 =	sshll.u32 s0, $0x4;
	s2 =	simm.s32 $0xF;
	s15 =	simm.s32 $0xE  }
0xd6: {  	s17 =	simm.s32 $0xD;
	s12 =	simm.s32 $0xB;
	s14 =	simm.s32 $0xC;
	v6 =	vmov s1;
	v7 =	vmov s2;
	v9 =	vmov s15  }
0xd7: {  	s18 =	simm.s32 $0xA;
	s11 =	simm.s32 $0x9;
	v10 =	vmov s17;
	v11 =	vmov s12;
	v12 =	vmov s14  }
0xd8: {  	s14 =	simm.s32 $0x7;
	v13 =	vmov s18;
	v16 =	vmov s11;
	v6 =	vshll.u32 v6, $0x8  }
0xd9: {  	s17 =	simm.s32 $0x8;
	s18 =	simm.s32 $0x5;
	s15 =	simm.s32 $0x6;
	v8 =	vand.u32 $0x7F, v7;
	v7 =	vshll.u32 v7, $0x3;
	v14 =	vmov s14  }
0xda: {  	s11 =	simm.s32 $0x2;
	s12 =	simm.s32 $0x3;
	v15 =	vmov s17;
	v17 =	vmov s18;
	v18 =	vmov s15  }
0xdb: {  	v19 =	vmov s11;
	v20 =	vmov s12;
	v24 =	vand.u32 $0x7D, v10  }
0xdc: {  	v25 =	vand.u32 $0x7E, v9;
	v9 =	vshll.u32 v9, $0x3;
	v26 =	vand.u32 $0x7C, v12  }
0xdd: {  	v12 =	vshll.u32 v12, $0x3;
	v10 =	vshll.u32 v10, $0x3;
	v27 =	vand.u32 $0x7A, v13  }
0xde: {  	v28 =	vand.u32 $0x7B, v11;
	v11 =	vshll.u32 v11, $0x3;
	v29 =	vand.u32 $0x79, v16  }
0xdf: {  	s14 =	simm.s32 $0x4;
	s17 =	simm.s32 $0x0;
	s18 =	simm.s32 $0x1;
	v16 =	vshll.u32 v16, $0x3;
	v13 =	vshll.u32 v13, $0x3;
	v6 =	vor.u32 v3, v6  }
0xe0: {  	v21 =	vmov s14;
	v22 =	vmov s17;
	v23 =	vmov s18  }
0xe1: {  	v7 =	vand.u32 $0x400, v7;
	v30 =	vand.u32 $0x77, v14;
	v31 =	vand.u32 $0x78, v15  }
0xe2: {  	v15 =	vshll.u32 v15, $0x3;
	v32 =	vand.u32 $0x76, v18;
	v18 =	vshll.u32 v18, $0x3  }
0xe3: {  	v14 =	vshll.u32 v14, $0x3;
	v34 =	vand.u32 $0x75, v17;
	v17 =	vshll.u32 v17, $0x3  }
0xe4: {  	v36 =	vand.u32 $0x73, v20;
	v20 =	vshll.u32 v20, $0x3;
	v6 =	vand.u32 $0x7800, v6  }
0xe5: {  	v33 =	vshll.u32 v22, $0x3;
	v22 =	vand.u32 $0x70, v22;
	v20 =	vand.u32 $0x400, v20  }
0xe6: {  	v6 =	vor.u32 v4, v6;
	v33 =	vand.u32 $0x400, v33;
	v20 =	vor.u32 v20, v36  }
0xe7: {  	v58 =	vshll.u32 v23, $0x3;
	v22 =	vor.u32 v33, v22;
	v20 =	vor.u32 v6, v20  }
0xe8: {  	v23 =	vand.u32 $0x71, v23;
	v33 =	vand.u32 $0x400, v58;
	v22 =	vor.u32 v6, v22  }
0xe9: {  	v59 =	vshll.u32 v19, $0x3;
	v19 =	vand.u32 $0x72, v19;
	v23 =	vor.u32 v33, v23  }
0xea: {  	s2 =	simm.s32 $0x10100;
	v9 =	vand.u32 $0x400, v9;
	v33 =	vand.u32 $0x400, v59;
	v23 =	vor.u32 v6, v23  }
0xeb: {  	v10 =	vand.u32 $0x400, v10;
	v8 =	vor.u32 v7, v8;
	v7 =	vld [tilespmem:s2+$0x0];
	v19 =	vor.u32 v33, v19  }
0xec: {  	v12 =	vand.u32 $0x400, v12;
	v10 =	vor.u32 v10, v24;
	v19 =	vor.u32 v6, v19;
	v24 =	vld.idx.msk [tilespmem:v20+s16+$0x0], $0xffff  }
0xed: {  	v35 =	vand.u32 $0x74, v21;
	v21 =	vshll.u32 v21, $0x3;
	v17 =	vand.u32 $0x400, v17;
	v60 =	vld.idx.msk [tilespmem:v22+s16+$0x0], $0xffff  }
0xee: {  	v11 =	vand.u32 $0x400, v11;
	v21 =	vand.u32 $0x400, v21;
	v17 =	vor.u32 v17, v34;
	v22 =	vld.idx.msk [tilespmem:v22+s4+$0x0], $0xffff  }
0xef: {  	v16 =	vand.u32 $0x400, v16;
	v21 =	vor.u32 v21, v35;
	v17 =	vor.u32 v6, v17;
	v61 =	vld.idx.msk [tilespmem:v23+s16+$0x0], $0xffff  }
0xf0: {  	v13 =	vand.u32 $0x400, v13;
	v15 =	vand.u32 $0x400, v15;
	v21 =	vor.u32 v6, v21;
	v23 =	vld.idx.msk [tilespmem:v23+s4+$0x0], $0xffff  }
0xf1: {  	v18 =	vand.u32 $0x400, v18;
	v14 =	vand.u32 $0x400, v14;
	v9 =	vor.u32 v9, v25;
	v62 =	vld.idx.msk [tilespmem:v19+s16+$0x0], $0xffff  }
0xf2: {  	v11 =	vor.u32 v11, v28;
	v12 =	vor.u32 v12, v26;
	v18 =	vor.u32 v18, v32;
	v19 =	vld.idx.msk [tilespmem:v19+s4+$0x0], $0xffff  }
0xf3: {  	v13 =	vor.u32 v13, v27;
	v18 =	vor.u32 v6, v18;
	v20 =	vld.idx.msk [tilespmem:v20+s4+$0x0], $0xffff;
	v22 =	vadd.f32 v22, v60  }
0xf4: {  	v16 =	vor.u32 v16, v29;
	v14 =	vor.u32 v14, v30;
	v25 =	vbroadcast v7, $0x0;
	v27 =	vld.idx.msk [tilespmem:v17+s16+$0x0], $0xffff  }
0xf5: {  	v14 =	vor.u32 v6, v14;
	v26 =	vld.idx.msk [tilespmem:v21+s16+$0x0], $0xffff;
	v23 =	vadd.f32 v23, v61;
	v22 =	vmax.f32 v22, $0.0e+00  }
0xf6: {  	v15 =	vor.u32 v15, v31;
	v21 =	vld.idx.msk [tilespmem:v21+s4+$0x0], $0xffff;
	v22 =	vmul.f32 v22, v25;
	v25 =	vbroadcast v7, $0x1  }
0xf7: {  	v15 =	vor.u32 v6, v15;
	v17 =	vld.idx.msk [tilespmem:v17+s4+$0x0], $0xffff;
	v19 =	vadd.f32 v19, v62;
	v23 =	vmax.f32 v23, $0.0e+00  }
0xf8: {  	v28 =	vld.idx.msk [tilespmem:v18+s16+$0x0], $0xffff;
	v22 =	vadd.f32 v22, v5;
	v23 =	vmul.f32 v23, v25;
	v25 =	vbroadcast v7, $0x2  }
0xf9: {  	v16 =	vor.u32 v6, v16;
	v18 =	vld.idx.msk [tilespmem:v18+s4+$0x0], $0xffff;
	v20 =	vadd.f32 v20, v24;
	v19 =	vmax.f32 v19, $0.0e+00  }
0xfa: {  	v24 =	vld.idx.msk [tilespmem:v14+s16+$0x0], $0xffff;
	v22 =	vadd.f32 v23, v22;
	v19 =	vmul.f32 v19, v25;
	v23 =	vbroadcast v7, $0x3  }
0xfb: {  	v13 =	vor.u32 v6, v13;
	v14 =	vld.idx.msk [tilespmem:v14+s4+$0x0], $0xffff;
	v21 =	vadd.f32 v21, v26;
	v20 =	vmax.f32 v20, $0.0e+00  }
0xfc: {  	v19 =	vadd.f32 v19, v22;
	v20 =	vmul.f32 v20, v23;
	v22 =	vbroadcast v7, $0x4;
	v23 =	vld.idx.msk [tilespmem:v15+s16+$0x0], $0xffff  }
0xfd: {  	v11 =	vor.u32 v6, v11;
	v17 =	vadd.f32 v17, v27;
	v21 =	vmax.f32 v21, $0.0e+00;
	v15 =	vld.idx.msk [tilespmem:v15+s4+$0x0], $0xffff  }
0xfe: {  	v19 =	vadd.f32 v20, v19;
	v20 =	vmul.f32 v21, v22;
	v21 =	vbroadcast v7, $0x5;
	v22 =	vld.idx.msk [tilespmem:v16+s16+$0x0], $0xffff  }
0xff: {  	v12 =	vor.u32 v6, v12;
	v18 =	vadd.f32 v18, v28;
	v17 =	vmax.f32 v17, $0.0e+00;
	v16 =	vld.idx.msk [tilespmem:v16+s4+$0x0], $0xffff  }
0x100: {  	v19 =	vadd.f32 v20, v19;
	v17 =	vmul.f32 v17, v21;
	v20 =	vbroadcast v7, $0x6;
	v21 =	vld.idx.msk [tilespmem:v13+s16+$0x0], $0xffff  }
0x101: {  	v10 =	vor.u32 v6, v10;
	v18 =	vmax.f32 v18, $0.0e+00;
	v14 =	vadd.f32 v14, v24;
	v13 =	vld.idx.msk [tilespmem:v13+s4+$0x0], $0xffff  }
0x102: {  	v17 =	vadd.f32 v17, v19;
	v18 =	vmul.f32 v18, v20;
	v19 =	vbroadcast v7, $0x7;
	v20 =	vld.idx.msk [tilespmem:v11+s16+$0x0], $0xffff  }
0x103: {  	v9 =	vor.u32 v6, v9;
	v14 =	vmax.f32 v14, $0.0e+00;
	v15 =	vadd.f32 v15, v23;
	v11 =	vld.idx.msk [tilespmem:v11+s4+$0x0], $0xffff  }
0x104: {  	v17 =	vadd.f32 v18, v17;
	v14 =	vmul.f32 v14, v19;
	v18 =	vbroadcast v7, $0x8;
	v19 =	vld.idx.msk [tilespmem:v12+s16+$0x0], $0xffff  }
0x105: {  	v15 =	vmax.f32 v15, $0.0e+00;
	v16 =	vadd.f32 v16, v22;
	v22 =	vor.u32 v6, v8;
	v12 =	vld.idx.msk [tilespmem:v12+s4+$0x0], $0xffff  }
0x106: {  	v8 =	vadd.f32 v14, v17;
	v14 =	vmul.f32 v15, v18;
	v15 =	vbroadcast v7, $0x9;
	v17 =	vld.idx.msk [tilespmem:v10+s16+$0x0], $0xffff  }
0x107: {  	v16 =	vmax.f32 v16, $0.0e+00;
	v13 =	vadd.f32 v13, v21;
	v10 =	vld.idx.msk [tilespmem:v10+s4+$0x0], $0xffff  }
0x108: {  	s17 =	simm.s32 $0x1F;
	v11 =	vadd.f32 v11, v20;
	v8 =	vadd.f32 v14, v8;
	v14 =	vmul.f32 v16, v15  }
0x109: {  	v18 =	vmov s17;
	v13 =	vmax.f32 v13, $0.0e+00;
	v15 =	vbroadcast v7, $0xA;
	v16 =	vld.idx.msk [tilespmem:v9+s16+$0x0], $0xffff  }
0x10a: {  	v9 =	vld.idx.msk [tilespmem:v9+s4+$0x0], $0xffff;
	v11 =	vmax.f32 v11, $0.0e+00;
	v12 =	vadd.f32 v12, v19;
	v14 =	vadd.f32 v14, v8  }
0x10b: {  	s18 =	simm.s32 $0x1E;
	v13 =	vmul.f32 v13, v15;
	v15 =	vbroadcast v7, $0xB;
	v8 =	vand.u32 $0x7F, v18  }
0x10c: {  	v12 =	vmax.f32 v12, $0.0e+00;
	v10 =	vadd.f32 v10, v17;
	v17 =	vmov s18  }
0x10d: {  	s17 =	simm.s32 $0x1A;
	s18 =	simm.s32 $0x15;
	v13 =	vadd.f32 v13, v14;
	v11 =	vmul.f32 v11, v15;
	v14 =	vbroadcast v7, $0xC  }
0x10e: {  	v15 =	vshll.u32 v18, $0x3;
	v18 =	vmov s17;
	v30 =	vmov s18  }
0x10f: {  	s12 =	simm.s32 $0x1D;
	v20 =	vld.idx.msk [tilespmem:v22+s16+$0x0], $0xffff;
	s17 =	simm.s32 $0x16;
	s18 =	simm.s32 $0x11;
	v27 =	vshll.u32 v17, $0x3;
	v10 =	vmax.f32 v10, $0.0e+00;
	v9 =	vadd.f32 v9, v16  }
0x110: {  	v19 =	vld.idx.msk [tilespmem:v22+s4+$0x0], $0xffff;
	v16 =	vmov s12;
	v63 =	vmov s17;
	v32 =	vmov s18  }
0x111: {  	v29 =	vand.u32 $0x400, v15;
	v15 =	vand.u32 $0x7E, v17;
	v23 =	vshll.u32 v18, $0x3  }
0x112: {  	s17 =	simm.s32 $0x10;
	v11 =	vadd.f32 v11, v13;
	v12 =	vmul.f32 v12, v14;
	v13 =	vbroadcast v7, $0xD  }
0x113: {  	v33 =	vmov s17;
	v14 =	vand.u32 $0x7D, v16;
	v26 =	vshll.u32 v16, $0x3  }
0x114: {  	s11 =	simm.s32 $0x17;
	v9 =	vmax.f32 v9, $0.0e+00;
	v11 =	vadd.f32 v12, v11;
	v10 =	vmul.f32 v10, v13  }
0x115: {  	s12 =	simm.s32 $0x18;
	v12 =	vbroadcast v7, $0xE;
	v13 =	vadd.f32 v19, v20;
	v20 =	vmov s11;
	s11 =	simm.s32 $0x12  }
0x116: {  	v7 =	vbroadcast v7, $0xF;
	v19 =	vmov s12;
	v28 =	vmov s11  }
0x117: {  	v16 =	vand.u32 $0x77, v20;
	v21 =	vshll.u32 v19, $0x3;
	v20 =	vshll.u32 v20, $0x3  }
0x118: {  	s15 =	simm.s32 $0x1C;
	s14 =	simm.s32 $0x1B;
	v10 =	vadd.f32 v10, v11;
	v9 =	vmul.f32 v9, v12;
	v13 =	vmax.f32 v13, $0.0e+00  }
0x119: {  	v11 =	vmov s14;
	v12 =	vmov s15;
	v7 =	vmul.f32 v13, v7  }
0x11a: {  	s15 =	simm.s32 $0x19;
	v13 =	vand.u32 $0x7C, v12;
	v25 =	vshll.u32 v12, $0x3;
	v12 =	vand.u32 $0x7A, v18  }
0x11b: {  	v17 =	vand.u32 $0x7B, v11;
	v9 =	vadd.f32 v9, v10;
	v10 =	vmov s15;
	s15 =	simm.s32 $0x14  }
0x11c: {  	v24 =	vshll.u32 v11, $0x3;
	v18 =	vand.u32 $0x76, v63;
	v31 =	vmov s15  }
0x11d: {  	s12 =	simm.s32 $0x13;
	v11 =	vand.u32 $0x79, v10;
	v22 =	vshll.u32 v10, $0x3;
	v10 =	vand.u32 $0x78, v19  }
0x11e: {  	v19 =	vshll.u32 v63, $0x3;
	v7 =	vadd.f32 v7, v9;
	v9 =	vmov s12;
	s12 =	simm.s32 $0x2F  }
.LBB2_4:
0x11f: {  	p0 =	sne.s32 s12, $0xFF;
	v34 =	vshll.u32 v33, $0x3;
	v35 =	vand.u32 $0x75, v30;
	v30 =	vshll.u32 v30, $0x3  }
0x120: {  	v33 =	vand.u32 $0x70, v33;
	v36 =	vand.u32 $0x74, v31;
	v34 =	vand.u32 $0x400, v34  }
0x121: {  	v31 =	vshll.u32 v31, $0x3;
	v33 =	vor.u32 v34, v33;
	v34 =	vshll.u32 v32, $0x3  }
0x122: {  	v32 =	vand.u32 $0x71, v32;
	v33 =	vor.u32 v6, v33;
	v34 =	vand.u32 $0x400, v34  }
0x123: {  	v37 =	vand.u32 $0x73, v9;
	v32 =	vor.u32 v34, v32;
	v34 =	vshll.u32 v28, $0x3  }
0x124: {  	v28 =	vand.u32 $0x72, v28;
	v32 =	vor.u32 v6, v32;
	v34 =	vand.u32 $0x400, v34  }
0x125: {  	v8 =	vor.u32 v29, v8;
	s2 =	sadd.s32 $0x10, s2;
	v28 =	vor.u32 v34, v28;
	v34 =	vshll.u32 v9, $0x3  }
0x126: {  	v27 =	vand.u32 $0x400, v27;
	v9 =	vld [tilespmem:s2+$0x0];
	v28 =	vor.u32 v6, v28;
	v29 =	vand.u32 $0x400, v34  }
0x127: {  	v25 =	vand.u32 $0x400, v25;
	v26 =	vand.u32 $0x400, v26;
	v34 =	vld.idx.msk [tilespmem:v33+s16+$0x0], $0xffff;
	v29 =	vor.u32 v29, v37  }
0x128: {  	v24 =	vand.u32 $0x400, v24;
	v31 =	vand.u32 $0x400, v31;
	v33 =	vld.idx.msk [tilespmem:v33+s4+$0x0], $0xffff;
	v29 =	vor.u32 v6, v29  }
0x129: {  	v22 =	vand.u32 $0x400, v22;
	v23 =	vand.u32 $0x400, v23;
	v31 =	vor.u32 v31, v36;
	v37 =	vld.idx.msk [tilespmem:v32+s16+$0x0], $0xffff  }
0x12a: {  	v21 =	vand.u32 $0x400, v21;
	v30 =	vand.u32 $0x400, v30;
	v31 =	vor.u32 v6, v31;
	v32 =	vld.idx.msk [tilespmem:v32+s4+$0x0], $0xffff  }
0x12b: {  	v19 =	vand.u32 $0x400, v19;
	v20 =	vand.u32 $0x400, v20;
	v30 =	vor.u32 v30, v35;
	v36 =	vld.idx.msk [tilespmem:v28+s16+$0x0], $0xffff  }
0x12c: {  	v14 =	vor.u32 v26, v14;
	v15 =	vor.u32 v27, v15;
	v30 =	vor.u32 v6, v30;
	v28 =	vld.idx.msk [tilespmem:v28+s4+$0x0], $0xffff  }
0x12d: {  	v18 =	vor.u32 v19, v18;
	v17 =	vor.u32 v24, v17;
	v13 =	vor.u32 v25, v13;
	v26 =	vld.idx.msk [tilespmem:v29+s16+$0x0], $0xffff  }
0x12e: {  	v12 =	vor.u32 v23, v12;
	v18 =	vor.u32 v6, v18;
	v19 =	vadd.f32 v33, v34;
	v24 =	vld.idx.msk [tilespmem:v29+s4+$0x0], $0xffff  }
0x12f: {  	v16 =	vor.u32 v20, v16;
	v11 =	vor.u32 v22, v11;
	v23 =	vbroadcast v9, $0x0;
	v25 =	vld.idx.msk [tilespmem:v31+s16+$0x0], $0xffff  }
0x130: {  	v16 =	vor.u32 v6, v16;
	v19 =	vmax.f32 v19, $0.0e+00;
	v20 =	vadd.f32 v32, v37;
	v22 =	vld.idx.msk [tilespmem:v31+s4+$0x0], $0xffff  }
0x131: {  	v10 =	vor.u32 v21, v10;
	v19 =	vmul.f32 v19, v23;
	v23 =	vbroadcast v9, $0x1;
	v27 =	vld.idx.msk [tilespmem:v30+s16+$0x0], $0xffff  }
0x132: {  	v10 =	vor.u32 v6, v10;
	v20 =	vmax.f32 v20, $0.0e+00;
	v21 =	vadd.f32 v28, v36;
	v28 =	vld.idx.msk [tilespmem:v30+s4+$0x0], $0xffff  }
0x133: {  	v7 =	vadd.f32 v19, v7;
	v19 =	vmul.f32 v20, v23;
	v20 =	vbroadcast v9, $0x2;
	v23 =	vld.idx.msk [tilespmem:v18+s16+$0x0], $0xffff  }
0x134: {  	v11 =	vor.u32 v6, v11;
	v21 =	vmax.f32 v21, $0.0e+00;
	v24 =	vadd.f32 v24, v26;
	v18 =	vld.idx.msk [tilespmem:v18+s4+$0x0], $0xffff  }
0x135: {  	v7 =	vadd.f32 v19, v7;
	v19 =	vmul.f32 v21, v20;
	v20 =	vbroadcast v9, $0x3;
	v21 =	vld.idx.msk [tilespmem:v16+s16+$0x0], $0xffff  }
0x136: {  	v12 =	vor.u32 v6, v12;
	v24 =	vmax.f32 v24, $0.0e+00;
	v22 =	vadd.f32 v22, v25;
	v16 =	vld.idx.msk [tilespmem:v16+s4+$0x0], $0xffff  }
0x137: {  	v7 =	vadd.f32 v19, v7;
	v19 =	vmul.f32 v24, v20;
	v20 =	vbroadcast v9, $0x4;
	v24 =	vld.idx.msk [tilespmem:v10+s16+$0x0], $0xffff  }
0x138: {  	v17 =	vor.u32 v6, v17;
	v22 =	vmax.f32 v22, $0.0e+00;
	v25 =	vadd.f32 v28, v27;
	v10 =	vld.idx.msk [tilespmem:v10+s4+$0x0], $0xffff  }
0x139: {  	v7 =	vadd.f32 v19, v7;
	v19 =	vmul.f32 v22, v20;
	v20 =	vbroadcast v9, $0x5;
	v22 =	vld.idx.msk [tilespmem:v11+s16+$0x0], $0xffff  }
0x13a: {  	v13 =	vor.u32 v6, v13;
	v25 =	vmax.f32 v25, $0.0e+00;
	v18 =	vadd.f32 v18, v23;
	v11 =	vld.idx.msk [tilespmem:v11+s4+$0x0], $0xffff  }
0x13b: {  	v7 =	vadd.f32 v19, v7;
	v19 =	vmul.f32 v25, v20;
	v20 =	vbroadcast v9, $0x6;
	v23 =	vld.idx.msk [tilespmem:v12+s16+$0x0], $0xffff  }
0x13c: {  	v14 =	vor.u32 v6, v14;
	v18 =	vmax.f32 v18, $0.0e+00;
	v16 =	vadd.f32 v16, v21;
	v12 =	vld.idx.msk [tilespmem:v12+s4+$0x0], $0xffff  }
0x13d: {  	v7 =	vadd.f32 v19, v7;
	v18 =	vmul.f32 v18, v20;
	v19 =	vbroadcast v9, $0x7;
	v20 =	vld.idx.msk [tilespmem:v17+s16+$0x0], $0xffff  }
0x13e: {  	v15 =	vor.u32 v6, v15;
	v16 =	vmax.f32 v16, $0.0e+00;
	v10 =	vadd.f32 v10, v24;
	v17 =	vld.idx.msk [tilespmem:v17+s4+$0x0], $0xffff  }
0x13f: {  	v7 =	vadd.f32 v18, v7;
	v16 =	vmul.f32 v16, v19;
	v18 =	vbroadcast v9, $0x8;
	v19 =	vld.idx.msk [tilespmem:v13+s16+$0x0], $0xffff  }
0x140: {  	v21 =	vor.u32 v6, v8;
	v10 =	vmax.f32 v10, $0.0e+00;
	v11 =	vadd.f32 v11, v22;
	v13 =	vld.idx.msk [tilespmem:v13+s4+$0x0], $0xffff  }
0x141: {  	v7 =	vadd.f32 v16, v7;
	v8 =	vmul.f32 v10, v18;
	v10 =	vbroadcast v9, $0x9;
	v16 =	vld.idx.msk [tilespmem:v14+s16+$0x0], $0xffff  }
0x142: {  	v11 =	vmax.f32 v11, $0.0e+00;
	v12 =	vadd.f32 v12, v23;
	v14 =	vld.idx.msk [tilespmem:v14+s4+$0x0], $0xffff  }
0x143: {  	v7 =	vadd.f32 v8, v7;
	v8 =	vmul.f32 v11, v10;
	v10 =	vbroadcast v9, $0xA;
	v11 =	vld.idx.msk [tilespmem:v15+s16+$0x0], $0xffff  }
0x144: {  	v18 =	vmov s12;
	v12 =	vmax.f32 v12, $0.0e+00;
	v17 =	vadd.f32 v17, v20;
	v15 =	vld.idx.msk [tilespmem:v15+s4+$0x0], $0xffff  }
0x145: {  	v7 =	vadd.f32 v8, v7;
	v10 =	vmul.f32 v12, v10;
	v12 =	vbroadcast v9, $0xB;
	v20 =	vld.idx.msk [tilespmem:v21+s16+$0x0], $0xffff  }
0x146: {  	v8 =	vand.u32 $0x7F, v18;
	v17 =	vmax.f32 v17, $0.0e+00;
	v13 =	vadd.f32 v13, v19;
	v19 =	vld.idx.msk [tilespmem:v21+s4+$0x0], $0xffff  }
0x147: {  	v7 =	vadd.f32 v10, v7;
	v10 =	vmul.f32 v17, v12;
	v12 =	vbroadcast v9, $0xC  }
0x148: {  	v17 =	vshll.u32 v18, $0x3;
	v13 =	vmax.f32 v13, $0.0e+00;
	v14 =	vadd.f32 v14, v16  }
0x149: {  	s11 =	sadd.s32 $0xFFFFFFFF, s12;
	v7 =	vadd.f32 v10, v7;
	v10 =	vmul.f32 v13, v12;
	v12 =	vbroadcast v9, $0xD  }
0x14a: {  	v13 =	vmov s11;
	v14 =	vmax.f32 v14, $0.0e+00;
	v11 =	vadd.f32 v15, v11  }
0x14b: {  	s11 =	sadd.s32 $0xFFFFFFFE, s12;
	v7 =	vadd.f32 v10, v7;
	v10 =	vmul.f32 v14, v12;
	v12 =	vbroadcast v9, $0xE  }
0x14c: {  	v16 =	vmov s11;
	v11 =	vmax.f32 v11, $0.0e+00;
	v14 =	vadd.f32 v19, v20  }
0x14d: {  	s14 =	sadd.s32 $0xFFFFFFFD, s12;
	s11 =	sadd.s32 $0xFFFFFFFC, s12;
	v9 =	vbroadcast v9, $0xF;
	v7 =	vadd.f32 v10, v7;
	v10 =	vmul.f32 v11, v12  }
0x14e: {  	s15 =	sadd.s32 $0xFFFFFFFB, s12;
	v11 =	vmov s11;
	v12 =	vmov s14;
	v14 =	vmax.f32 v14, $0.0e+00  }
0x14f: {  	s17 =	sadd.s32 $0xFFFFFFFA, s12;
	v18 =	vmov s15;
	s11 =	sadd.s32 $0xFFFFFFF8, s12;
	s14 =	sadd.s32 $0xFFFFFFF9, s12;
	v7 =	vadd.f32 v10, v7;
	v9 =	vmul.f32 v14, v9  }
0x150: {  	s18 =	sadd.s32 $0xFFFFFFF7, s12;
	s15 =	sadd.s32 $0xFFFFFFF6, s12;
	v20 =	vmov s11;
	v19 =	vmov s14;
	v10 =	vmov s17  }
0x151: {  	v34 =	vmov s18;
	v30 =	vmov s15;
	s11 =	sadd.s32 $0xFFFFFFF3, s12;
	s14 =	sadd.s32 $0xFFFFFFF4, s12;
	s17 =	sadd.s32 $0xFFFFFFF5, s12;
	v7 =	vadd.f32 v9, v7  }
0x152: {  	s18 =	sadd.s32 $0xFFFFFFF2, s12;
	s15 =	sadd.s32 $0xFFFFFFF1, s12;
	v28 =	vmov s11;
	v31 =	vmov s17;
	v9 =	vmov s14  }
0x153: {  	v32 =	vmov s18;
	v29 =	vand.u32 $0x400, v17;
	v33 =	vmov s15  }
0x154: {  	v15 =	vand.u32 $0x7E, v13;
	v27 =	vshll.u32 v13, $0x3;
	v14 =	vand.u32 $0x7D, v16  }
.Ltmp0:
0x155: {  	v26 =	vshll.u32 v16, $0x3;
	v13 =	vand.u32 $0x7C, v12;
	v25 =	vshll.u32 v12, $0x3;
	(pc) =	sbr.rel @p0 .LBB2_4-.Ltmp0, $4  }
0x156: {  	v12 =	vand.u32 $0x7A, v18;
	v17 =	vand.u32 $0x7B, v11;
	v24 =	vshll.u32 v11, $0x3  }
0x157: {  	v23 =	vshll.u32 v18, $0x3;
	v11 =	vand.u32 $0x79, v10;
	v22 =	vshll.u32 v10, $0x3  }
0x158: {  	v16 =	vand.u32 $0x77, v20;
	v21 =	vshll.u32 v19, $0x3;
	v10 =	vand.u32 $0x78, v19  }
0x159: {  	v18 =	vand.u32 $0x76, v34;
	v20 =	vshll.u32 v20, $0x3;
	s12 =	sadd.s32 $0x10, s12;
	v19 =	vshll.u32 v34, $0x3  }
0x15a: {  	v34 =	vshll.u32 v33, $0x3;
	v35 =	vand.u32 $0x75, v30;
	v40 =	vshll.u32 v30, $0x3  }
0x15b: {  	v41 =	vand.u32 $0x70, v33;
	v36 =	vand.u32 $0x74, v31;
	v42 =	vshll.u32 v32, $0x3  }
0x15c: {  	v43 =	vshll.u32 v31, $0x3;
	v44 =	vand.u32 $0x71, v32;
	v34 =	vand.u32 $0x400, v34  }
0x15d: {  	v45 =	vshll.u32 v28, $0x3;
	v37 =	vand.u32 $0x73, v9;
	v33 =	vor.u32 v34, v41  }
0x15e: {  	v46 =	vand.u32 $0x72, v28;
	v34 =	vand.u32 $0x400, v42;
	v33 =	vor.u32 v6, v33  }
0x15f: {  	v47 =	vshll.u32 v9, $0x3;
	v29 =	vor.u32 v29, v8;
	v32 =	vor.u32 v34, v44  }
0x160: {  	v27 =	vand.u32 $0x400, v27;
	v34 =	vand.u32 $0x400, v45;
	v32 =	vor.u32 v6, v32  }
0x161: {  	s2 =	sadd.s32 $0x10, s2;
	v25 =	vand.u32 $0x400, v25;
	v26 =	vand.u32 $0x400, v26;
	v28 =	vor.u32 v34, v46  }
0x162: {  	v24 =	vand.u32 $0x400, v24;
	v9 =	vand.u32 $0x400, v47;
	v8 =	vld [tilespmem:s2+$0x0];
	v28 =	vor.u32 v6, v28  }
0x163: {  	v22 =	vand.u32 $0x400, v22;
	v23 =	vand.u32 $0x400, v23;
	v9 =	vor.u32 v9, v37;
	v48 =	vld.idx.msk [tilespmem:v33+s16+$0x0], $0xffff  }
0x164: {  	v21 =	vand.u32 $0x400, v21;
	v31 =	vand.u32 $0x400, v43;
	v9 =	vor.u32 v6, v9;
	v33 =	vld.idx.msk [tilespmem:v33+s4+$0x0], $0xffff  }
0x165: {  	v19 =	vand.u32 $0x400, v19;
	v20 =	vand.u32 $0x400, v20;
	v31 =	vor.u32 v31, v36;
	v49 =	vld.idx.msk [tilespmem:v32+s16+$0x0], $0xffff  }
0x166: {  	v30 =	vand.u32 $0x400, v40;
	v14 =	vor.u32 v26, v14;
	v31 =	vor.u32 v6, v31;
	v32 =	vld.idx.msk [tilespmem:v32+s4+$0x0], $0xffff  }
0x167: {  	v15 =	vor.u32 v27, v15;
	v18 =	vor.u32 v19, v18;
	v30 =	vor.u32 v30, v35;
	v50 =	vld.idx.msk [tilespmem:v28+s16+$0x0], $0xffff  }
0x168: {  	v17 =	vor.u32 v24, v17;
	v13 =	vor.u32 v25, v13;
	v30 =	vor.u32 v6, v30;
	v51 =	vld.idx.msk [tilespmem:v28+s4+$0x0], $0xffff  }
0x169: {  	v12 =	vor.u32 v23, v12;
	v16 =	vor.u32 v20, v16;
	v52 =	vld.idx.msk [tilespmem:v9+s16+$0x0], $0xffff;
	v53 =	vadd.f32 v33, v48  }
0x16a: {  	v11 =	vor.u32 v22, v11;
	v18 =	vor.u32 v6, v18;
	v54 =	vbroadcast v8, $0x0;
	v9 =	vld.idx.msk [tilespmem:v9+s4+$0x0], $0xffff  }
0x16b: {  	v10 =	vor.u32 v21, v10;
	v55 =	vld.idx.msk [tilespmem:v31+s16+$0x0], $0xffff;
	v57 =	vadd.f32 v32, v49;
	v56 =	vmax.f32 v53, $0.0e+00  }
0x16c: {  	v16 =	vor.u32 v6, v16;
	v59 =	vbroadcast v8, $0x1;
	v58 =	vld.idx.msk [tilespmem:v31+s4+$0x0], $0xffff;
	v22 =	vmul.f32 v56, v54  }
0x16d: {  	v10 =	vor.u32 v6, v10;
	v60 =	vld.idx.msk [tilespmem:v30+s16+$0x0], $0xffff;
	v26 =	vadd.f32 v51, v50;
	v24 =	vmax.f32 v57, $0.0e+00  }
0x16e: {  	v63 =	vbroadcast v8, $0x2;
	v61 =	vld.idx.msk [tilespmem:v30+s4+$0x0], $0xffff;
	v62 =	vmul.f32 v24, v59;
	v7 =	vadd.f32 v22, v7  }
0x16f: {  	v11 =	vor.u32 v6, v11;
	v28 =	vld.idx.msk [tilespmem:v18+s16+$0x0], $0xffff;
	v9 =	vadd.f32 v9, v52;
	v26 =	vmax.f32 v26, $0.0e+00  }
0x170: {  	v31 =	vbroadcast v8, $0x3;
	v18 =	vld.idx.msk [tilespmem:v18+s4+$0x0], $0xffff;
	v30 =	vmul.f32 v26, v63;
	v7 =	vadd.f32 v62, v7  }
0x171: {  	v12 =	vor.u32 v6, v12;
	v20 =	vadd.f32 v58, v55;
	v32 =	vld.idx.msk [tilespmem:v16+s16+$0x0], $0xffff;
	v9 =	vmax.f32 v9, $0.0e+00  }
0x172: {  	v33 =	vbroadcast v8, $0x4;
	v16 =	vld.idx.msk [tilespmem:v16+s4+$0x0], $0xffff;
	v9 =	vmul.f32 v9, v31;
	v7 =	vadd.f32 v30, v7  }
0x173: {  	v17 =	vor.u32 v6, v17;
	v34 =	vld.idx.msk [tilespmem:v10+s16+$0x0], $0xffff;
	v21 =	vadd.f32 v61, v60;
	v20 =	vmax.f32 v20, $0.0e+00  }
0x174: {  	v36 =	vbroadcast v8, $0x5;
	v10 =	vld.idx.msk [tilespmem:v10+s4+$0x0], $0xffff;
	v35 =	vmul.f32 v20, v33;
	v7 =	vadd.f32 v9, v7  }
0x175: {  	v13 =	vor.u32 v6, v13;
	v37 =	vld.idx.msk [tilespmem:v11+s16+$0x0], $0xffff;
	v21 =	vmax.f32 v21, $0.0e+00;
	v18 =	vadd.f32 v18, v28  }
0x176: {  	v39 =	vbroadcast v8, $0x6;
	v11 =	vld.idx.msk [tilespmem:v11+s4+$0x0], $0xffff;
	v38 =	vmul.f32 v21, v36;
	v7 =	vadd.f32 v35, v7  }
0x177: {  	v14 =	vor.u32 v6, v14;
	v40 =	vld.idx.msk [tilespmem:v12+s16+$0x0], $0xffff;
	v18 =	vmax.f32 v18, $0.0e+00;
	v16 =	vadd.f32 v16, v32  }
0x178: {  	v42 =	vbroadcast v8, $0x7;
	v12 =	vld.idx.msk [tilespmem:v12+s4+$0x0], $0xffff;
	v41 =	vmul.f32 v18, v39;
	v7 =	vadd.f32 v38, v7  }
0x179: {  	v15 =	vor.u32 v6, v15;
	v43 =	vld.idx.msk [tilespmem:v17+s16+$0x0], $0xffff;
	v10 =	vadd.f32 v10, v34;
	v16 =	vmax.f32 v16, $0.0e+00  }
0x17a: {  	v45 =	vbroadcast v8, $0x8;
	v17 =	vld.idx.msk [tilespmem:v17+s4+$0x0], $0xffff;
	v44 =	vmul.f32 v16, v42;
	v7 =	vadd.f32 v41, v7  }
0x17b: {  	v6 =	vor.u32 v6, v29;
	v46 =	vld.idx.msk [tilespmem:v13+s16+$0x0], $0xffff;
	v11 =	vadd.f32 v11, v37;
	v10 =	vmax.f32 v10, $0.0e+00  }
0x17c: {  	v13 =	vld.idx.msk [tilespmem:v13+s4+$0x0], $0xffff;
	v48 =	vbroadcast v8, $0x9;
	v47 =	vmul.f32 v10, v45;
	v7 =	vadd.f32 v44, v7  }
0x17d: {  	v12 =	vadd.f32 v12, v40;
	v49 =	vld.idx.msk [tilespmem:v14+s16+$0x0], $0xffff;
	v11 =	vmax.f32 v11, $0.0e+00  }
0x17e: {  	v14 =	vld.idx.msk [tilespmem:v14+s4+$0x0], $0xffff;
	v50 =	vmul.f32 v11, v48;
	v51 =	vbroadcast v8, $0xA;
	v7 =	vadd.f32 v47, v7  }
0x17f: {  	v17 =	vadd.f32 v17, v43;
	v52 =	vld.idx.msk [tilespmem:v15+s16+$0x0], $0xffff;
	v12 =	vmax.f32 v12, $0.0e+00  }
0x180: {  	v15 =	vld.idx.msk [tilespmem:v15+s4+$0x0], $0xffff;
	v54 =	vbroadcast v8, $0xB;
	v53 =	vmul.f32 v12, v51;
	v7 =	vadd.f32 v50, v7  }
0x181: {  	v13 =	vadd.f32 v13, v46;
	v55 =	vld.idx.msk [tilespmem:v6+s16+$0x0], $0xffff;
	v17 =	vmax.f32 v17, $0.0e+00  }
0x182: {  	v6 =	vld.idx.msk [tilespmem:v6+s4+$0x0], $0xffff;
	v57 =	vbroadcast v8, $0xC;
	v56 =	vmul.f32 v17, v54;
	v7 =	vadd.f32 v53, v7  }
0x183: {  	v13 =	vmax.f32 v13, $0.0e+00;
	v14 =	vadd.f32 v14, v49  }
0x184: {  	v59 =	vbroadcast v8, $0xD;
	v58 =	vmul.f32 v13, v57;
	v7 =	vadd.f32 v56, v7  }
0x185: {  	v11 =	vadd.f32 v15, v52;
	v60 =	vmax.f32 v14, $0.0e+00  }
0x186: {  	v62 =	vbroadcast v8, $0xE;
	v61 =	vmul.f32 v60, v59;
	v7 =	vadd.f32 v58, v7  }
0x187: {  	v6 =	vadd.f32 v6, v55;
	v11 =	vmax.f32 v11, $0.0e+00  }
0x188: {  	s0 =	sadd.s32 $0x1, s0;
	v8 =	vbroadcast v8, $0xF;
	v63 =	vmul.f32 v11, v62;
	v7 =	vadd.f32 v61, v7  }
0x189: {  	p0 =	sne.s32 s0, $0x8;
	v6 =	vmax.f32 v6, $0.0e+00  }
.Ltmp1:
0x18a: {  	v6 =	vmul.f32 v6, v8;
	v7 =	vadd.f32 v63, v7;
	(pc) =	sbr.rel @p0 .LBB2_3-.Ltmp1, $3  }
0x18b: {  	_ = 	snop  }
0x18c: {  	v6 =	vadd.f32 v6, v7;
	_ =	sdelay $0x1  }
0x18d: {  	[tilespmem:s1+$0x10280] =	vst v6  }
0x18e: {  	s30 =	sadd.s32 $0x1, s30  }
0x18f: {  	p0 =	sne.s32 s30, $0x28  }
.Ltmp2:
0x190: {  	s0 =	sadd.s32 s9, s31;
	(pc) =	sbr.rel @p0 .LBB2_2-.Ltmp2, $4  }
0x191: {  	[hbm4b:s0+s3] =	stream.linear.scatter [tilespmem:s29], [sflag:$0x3], $0x80, $0x38;
	[tilespmem:$0x10300] =	vst v63  }
0x192: {  	_ =	swait.ge [sflag:s13], $0x80  }
0x193: {  	[sflag:s13] =	ssyncset.done $0x0  }
0x194: {  	[sflag:s13] =	ssyncadd.s32 $0xFFFFFF80  }
0x195: {  	s1 =	rddreg [dreg:$0x5]  }
0x196: {  	s0 =	rddreg [dreg:$0x4];
	s1 =	sadd.s32 $0x1, s1  }
0x197: {  	p0 =	sne.s32 s1, s0  }
.Ltmp3:
0x198: {  	_ = 	snop;
	(pc) =	sbr.rel @p0 .LBB2_1-.Ltmp3, $1  }
0x199: {  	_ =	sdelay $0x3  }
0x19a: {  	_ =	sfence.sel $0x180000  }
0x19b: {  	[bflag:$0x0] =	sbarrier.arrive $0xFFFF  }
0x19c: {  	_ =	strace $0x90000050  }
0x19d: {  	s0 =	stileid.u32;
	[bflag:$0x2] =	sbarrier.arrive $0xFFFF  }
0x19e: {  	p0 =	sne.s32 s0, $0x0;
	s0 =	rddreg [dreg:$0x3]  }
0x19f: {  	s0 =	sadd.s32 @!p0 $0x100000, s0  }
0x1a0: {  	[sflag:s0] =	ssyncadd.tile.s32 @!p0 $0x1;
	_ =	shalt  }
.Lfunc_end2:
_tile_overlayer_lowered:
.L_overlay_start_2:
0x1a1: {  	(tag) =	ssettag $0x2  }
0x1a2: {  	s0 =	rddreg [dreg:$0x0];
	s2 =	stileid.u32  }
0x1a3: {  	s1 =	rddreg [dreg:$0x1];
	p0 =	sne.s32 s2, $0x0  }
0x1a4: {  	s3 =	rddreg [dreg:$0x2];
	[bflag:$0x3] =	sbarrier.arrive $0xFFFF;
	s2 =	simm.s32 @!p0 $0x1C03  }
0x1a5: {  	[timem:s3], [sflag:s2] =	dma.local @!p0 [hbm:s0], s1  }
0x1a6: {  	s0 =	simm.s32 @!p0 $0x3  }
0x1a7: {  	_ =	swait.ge @!p0 [sflag:s0], s1  }
0x1a8: {  	s1 =	ssub.s32 @!p0 $0x0, s1;
	[sflag:s0] =	ssyncset.done @!p0 $0x0  }
0x1a9: {  	[sflag:s0] =	ssyncadd.s32 @!p0 s1  }
0x1aa: {  	[bflag:$0x3] =	sbarrier.arrive $0xFFFF  }
0x1ab: {  	_ =	shalt  }

// kernel: kernel.9.cloned.1.call-start
scs
__scs_entry_jumppad:
0x0: {  	(pc) =	sbr.rel $0x88, $3  }
0x1: {  	(tag) =	ssettag $0x0;
	lr =	simm.s32 $0x1  }
0x2: {  	[smem:$0x3F97] =	sst lr;
	_ =	strace $0xD0000000  }
0x3: {  	_ = 	snop  }
0x4: {  	_ = 	snop  }
0x5: {  	_ = 	snop  }
0x6: {  	_ = 	snop  }
0x7: {  	_ = 	snop  }
__scs_overlays_trampoline_lowered:
0x8: {  	[smem:$0x3FA6] =	sst s0  }
0x9: {  	[smem:$0x3FA7] =	sst s1  }
0xa: {  	[smem:$0x3FA8] =	sst s2  }
0xb: {  	[smem:$0x3FA9] =	sst s3  }
0xc: {  	[smem:$0x3FAA] =	sst s4  }
0xd: {  	[smem:$0x3FAB] =	sst s5  }
0xe: {  	[smem:$0x3FAC] =	sst s6  }
0xf: {  	[smem:$0x3FAD] =	sst s7  }
0x10: {  	[smem:$0x3FAE] =	sst s8  }
0x11: {  	[smem:$0x3FAF] =	sst s9;
	s0 =	simm.s32 @!p0 $0x0  }
0x12: {  	s1 =	sld [smem:$0x3F95];
	s0 =	simm.s32 @p0 $0x1  }
0x13: {  	[smem:$0x3FB0] =	sst s0;
	s0 =	simm.s32 @!p1 $0x0  }
0x14: {  	s2 =	sld [smem:$0x3F94];
	s0 =	simm.s32 @p1 $0x1  }
0x15: {  	[smem:$0x3FB1] =	sst s0;
	s0 =	simm.s32 @!p2 $0x0  }
0x16: {  	s3 =	sld [smem:$0x3FDB];
	s0 =	simm.s32 @p2 $0x1  }
0x17: {  	s4 =	simm.s32 $0x1BF5;
	[smem:$0x3FB3] =	sst s0  }
0x18: {  	s0 =	sld [smem:$0x3F96];
	_ =	swait.ge [sflag:s4], $0x0  }
0x19: {  	s7 =	sld [smem:$0x3F97]  }
0x1a: {  	s8 =	sadd.s32 $0xFFFFE003, lr  }
0x1b: {  	s9 =	sadd.s32 $0xFFFFFEF7, lr;
	s5 =	simm.s32 $0xFFFFFFFF;
	p2 =	slt.u32 s8, $0xFFFFF086  }
0x1c: {  	p1 =	slt.u32 s9, $0xF7A;
	s5 =	simm.s32 @!p2 $0x0  }
0x1d: {  	s5 =	simm.s32 @p1 $0x1;
	p0 =	seq.s32 s7, s2  }
0x1e: {  	s7 =	smul.u32 @!p0 $0xF7A, s2;
	p2 =	seq.s32 @!p0 s5, $0x0  }
0x1f: {  	s9 =	smul.u32 $0xF7A, s1;
	s8 =	simm.s32 @!p0 $0x1BF5;
	p2 =	por !p2, p0  }
0x20: {  	[sflag:s8] =	ssyncset.s32 @!p0 $0xFFFFF086;
	s6 =	sadd.s32 @!p0 s3, s7;
	s7 =	simm.s32 @!p0 $0x108  }
0x21: {  	s3 =	sadd.s32 s3, s9;
	s6 =	sadd.s32 @!p0 $0x88, s6;
	s7 =	simm.s32 @p2 $0x1082  }
0x22: {  	[simem:s7], [sflag:s8] =	dma.local @!p0 [hbm:s6], $0xF7A  }
0x23: {  	s9 =	sor.u32 $0xD0000000, s2;
	s6 =	simm.s32 $0x108;
	_ =	swait.ge @!p0 [sflag:s8], $0x0  }
0x24: {  	s3 =	sadd.s32 $0x88, s3;
	s6 =	simm.s32 @!p1 $0x1082;
	[sflag:s4] =	ssyncset.s32 $0xFFFFF086  }
0x25: {  	[simem:s6], [sflag:s4] =	dma.local [hbm:s3], $0xF7A  }
0x26: {  	[smem:$0x3F97] =	sst s1;
	(tag) =	ssettag s2;
	_ =	strace s9  }
0x27: {  	s1 =	sld [smem:$0x3FA7]  }
0x28: {  	s2 =	sld [smem:$0x3FA8]  }
0x29: {  	s4 =	sld [smem:$0x3FAA]  }
0x2a: {  	p0 =	seq.s32 s5, $0x0;
	s5 =	sld [smem:$0x3FAB]  }
0x2b: {  	s6 =	sld [smem:$0x3FAC]  }
0x2c: {  	s7 =	sld [smem:$0x3FAD]  }
0x2d: {  	s3 =	simm.s32 $0x108;
	s8 =	sld [smem:$0x3FAE]  }
0x2e: {  	s3 =	simm.s32 @!p0 $0x1082;
	s9 =	sld [smem:$0x3FAF]  }
0x2f: {  	lr =	sadd.s32 s0, s3;
	s0 =	sld [smem:$0x3FA6]  }
0x30: {  	s3 =	sld [smem:$0x3FA9]  }
0x31: {  	[smem:$0x3FB2] =	sst s10  }
0x32: {  	s10 =	sld [smem:$0x3FB0];
	_ =	sdelay $0x3  }
0x33: {  	p0 =	seq.s32 s10, $0x1;
	s10 =	sld [smem:$0x3FB2];
	_ =	sdelay $0x3  }
0x34: {  	[smem:$0x3FB2] =	sst s10  }
0x35: {  	s10 =	sld [smem:$0x3FB1];
	_ =	sdelay $0x3  }
0x36: {  	p1 =	seq.s32 s10, $0x1;
	s10 =	sld [smem:$0x3FB2];
	_ =	sdelay $0x3  }
0x37: {  	[smem:$0x3FB2] =	sst s10  }
0x38: {  	s10 =	sld [smem:$0x3FB3]  }
0x39: {  	_ = 	snop;
	(pc) =	sbr.ind lr, $3  }
0x3a: {  	_ = 	snop  }
0x3b: {  	_ = 	snop  }
0x3c: {  	p2 =	seq.s32 s10, $0x1;
	s10 =	sld [smem:$0x3FB2]  }
0x3d: {  	_ =	shalt  }
0x3e: {  	_ =	shalt  }
0x3f: {  	_ =	shalt  }
0x40: {  	_ =	shalt  }
0x41: {  	_ =	shalt  }
0x42: {  	_ =	shalt  }
0x43: {  	_ =	shalt  }
0x44: {  	_ =	shalt  }
0x45: {  	_ =	shalt  }
0x46: {  	_ =	shalt  }
0x47: {  	_ =	shalt  }
0x48: {  	_ =	shalt  }
0x49: {  	_ =	shalt  }
0x4a: {  	_ =	shalt  }
0x4b: {  	_ =	shalt  }
0x4c: {  	_ =	shalt  }
0x4d: {  	_ =	shalt  }
0x4e: {  	_ =	shalt  }
0x4f: {  	_ =	shalt  }
0x50: {  	_ =	shalt  }
0x51: {  	_ =	shalt  }
0x52: {  	_ =	shalt  }
0x53: {  	_ =	shalt  }
0x54: {  	_ =	shalt  }
0x55: {  	_ =	shalt  }
0x56: {  	_ =	shalt  }
0x57: {  	_ =	shalt  }
0x58: {  	_ =	shalt  }
0x59: {  	_ =	shalt  }
0x5a: {  	_ =	shalt  }
0x5b: {  	_ =	shalt  }
0x5c: {  	_ =	shalt  }
0x5d: {  	_ =	shalt  }
0x5e: {  	_ =	shalt  }
0x5f: {  	_ =	shalt  }
0x60: {  	_ =	shalt  }
0x61: {  	_ =	shalt  }
0x62: {  	_ =	shalt  }
0x63: {  	_ =	shalt  }
0x64: {  	_ =	shalt  }
0x65: {  	_ =	shalt  }
0x66: {  	_ =	shalt  }
0x67: {  	_ =	shalt  }
0x68: {  	_ =	shalt  }
0x69: {  	_ =	shalt  }
0x6a: {  	_ =	shalt  }
0x6b: {  	_ =	shalt  }
0x6c: {  	_ =	shalt  }
0x6d: {  	_ =	shalt  }
0x6e: {  	_ =	shalt  }
0x6f: {  	_ =	shalt  }
0x70: {  	_ =	shalt  }
0x71: {  	_ =	shalt  }
0x72: {  	_ =	shalt  }
0x73: {  	_ =	shalt  }
0x74: {  	_ =	shalt  }
0x75: {  	_ =	shalt  }
0x76: {  	_ =	shalt  }
0x77: {  	_ =	shalt  }
0x78: {  	_ =	shalt  }
0x79: {  	_ =	shalt  }
0x7a: {  	_ =	shalt  }
0x7b: {  	_ =	shalt  }
0x7c: {  	_ =	shalt  }
0x7d: {  	_ =	shalt  }
0x7e: {  	_ =	shalt  }
0x7f: {  	_ =	shalt  }
0x80: {  	_ =	shalt  }
0x81: {  	_ =	shalt  }
0x82: {  	_ =	shalt  }
0x83: {  	_ =	shalt  }
0x84: {  	_ =	shalt  }
0x85: {  	_ =	shalt  }
0x86: {  	_ =	shalt  }
0x87: {  	_ =	shalt  }
.Lfunc_end0:
.L_simem_size_0:
called_computation_lowered:
.L_overlay_start_0:
0x88: {  	s2 =	sld [smem:$0x3FD9]  }
0x89: {  	s3 =	sld [smem:$0x3FFE];
	_ =	sdelay $0x1  }
0x8a: {  	s1 =	srdreg.scid  }
0x8b: {  	s0 =	sand.u32 $0x1, s1  }
0x8c: {  	s17 =	sshll.u32 s0, $0xA;
	s2 =	sadd.s32 s3, s2  }
0x8d: {  	s2 =	sadd.s32 s2, s17  }
0x8e: {  	[smem:$0x3FBE] =	sst s2  }
0x8f: {  	_ = 	snop  }
0x90: {  	s2 =	sld [smem:$0x3FD0];
	(tm) =	ssettm $0x1  }
0x91: {  	s18 =	sld [smem:$0x3FFB];
	_ =	sdelay $0x3  }
0x92: {  	_ =	strace s18  }
0x93: {  	s3 =	sld [smem:$0x3FFC];
	_ =	sdelay $0x3  }
0x94: {  	_ =	strace s3  }
0x95: {  	s3 =	sld [smem:$0x3FFD];
	_ =	sdelay $0x3  }
0x96: {  	_ =	strace s3  }
0x97: {  	_ =	strace $0x8FFFFFFF  }
0x98: {  	s19 =	sld [smem:$0x3FDB];
	_ =	sdelay $0x1  }
0x99: {  	s4 =	simm.s32 $_scs_section_size  }
0x9a: {  	s5 =	simm.s32 $_size__tile_overlayer_lowered;
	s6 =	simm.s32 $_tile_overlayer_lowered  }
0x9b: {  	s22 =	simm.s32 $0x1BFF;
	s21 =	sshll.u32 s6, $0x1;
	s3 =	sadd.s32 s4, s19  }
0x9c: {  	s7 =	simm.s32 $0x0;
	s20 =	sshll.u32 s5, $0x1;
	s5 =	sadd.s32 s21, s3  }
0x9d: {  	[timem:s7], [sflag:s22] =	dma.local [hbm:s5], s20  }
0x9e: {  	_ =	swait.ge [sflag:s22], s20  }
0x9f: {  	s4 =	ssub.s32 $0x0, s20;
	[sflag:s22] =	ssyncset.done $0x0  }
0xa0: {  	[sflag:s22] =	ssyncadd.s32 s4;
	_ =	sdelay $0x1  }
0xa1: {  	s23 =	simm.s32 $0x1B8B  }
0xa2: {  	_ =	swait.ge [sflag:s23], $0x1  }
0xa3: {  	[sflag:s23] =	ssyncset.done $0x0  }
0xa4: {  	s25 =	simm.s32 $0x1B8E;
	s24 =	sld [smem:$0x3FFE];
	[sflag:s23] =	ssyncadd.s32 $0xFFFFFFFF  }
0xa5: {  	s26 =	simm.s32 $execute0_lowered;
	[smem:$0x3FD2] =	sst s25  }
0xa6: {  	s5 =	sshll.u32 s26, $0x1;
	_ =	strace $0x80000046;
	[dreg:$0x1] =	wrdreg $0xFFFFFFFF  }
0xa7: {  	s28 =	simm.s32 $_size_execute0_lowered;
	s3 =	sadd.s32 s3, s5;
	[dreg:$0x0] =	wrdreg $0x0  }
0xa8: {  	s5 =	sshll.u32 s28, $0x1;
	[dreg:$0x2] =	wrdreg s3  }
0xa9: {  	[dreg:$0x3] =	wrdreg s5  }
0xaa: {  	[dreg:$0x4] =	wrdreg $0xC0  }
0xab: {  	_ =	task [dreg:s7], $0x5FFFF  }
0xac: {  	[dreg:$0x1] =	wrdreg $0xFFFFFFFF  }
0xad: {  	[dreg:$0x0] =	wrdreg $0x60  }
0xae: {  	[dreg:$0x2] =	wrdreg s24  }
0xaf: {  	[dreg:$0x3] =	wrdreg s2  }
0xb0: {  	[dreg:$0x4] =	wrdreg $0x0  }
0xb1: {  	[dreg:$0x5] =	wrdreg $0x9  }
0xb2: {  	_ =	task.clear_ibuf [dreg:s7], $0x6FFFF;
	_ =	strace $0x90000046  }
0xb3: {  	s29 =	simm.s32 $0x9;
	_ =	strace $0x80000048  }
0xb4: {  	_ =	swait.ge [sflag:s29], $0x1  }
0xb5: {  	[sflag:s29] =	ssyncadd.s32 $0xFFFFFFFF  }
0xb6: {  	_ =	strace $0x90000048  }
0xb7: {  	_ =	sfence  }
0xb8: {  	s30 =	sld [smem:$0x0];
	_ =	sdelay $0x2  }
0xb9: {  	s31 =	sshll.u32 s1, $0xD;
	s1 =	sshrl.u32 s1, $0x2  }
0xba: {  	s3 =	sand.u32 $0x4000, s31;
	s1 =	sadd.s32 s1, s30  }
0xbb: {  	s0 =	sor.u32 s3, s0;
	s1 =	sshll.u32 s1, $0x11  }
0xbc: {  	s0 =	sor.u32 s1, s0  }
0xbd: {  	s0 =	sadd.s32 $0x8F2B, s0  }
0xbe: {  	[sflag:s0] =	ssyncadd.remote.s32 $0x1  }
0xbf: {  	_ =	sfence.sel $0xFFFF  }
0xc0: {  	[dreg:$0x0] =	wrdreg $0xFFFFFFFF;
	(pc) =	sbr.abs _section_cstart, $3  }
0xc1: {  	[dreg:$0x1] =	wrdreg $0xFFFFFFFF  }
0xc2: {  	_ =	task.clear_ibuf [dreg:s7], $0x2FFFF;
	_ =	strace $0x9FFFFFFF  }
0xc3: {  	(tm) =	ssettm $0x7FFFFFFF  }
tec
execute0_lowered:
.L_overlay_start_1:
0x0: {  	(tag) =	ssettag $0x1  }
0x1: {  	s5 =	rddreg [dreg:$0x0]  }
0x2: {  	s7 =	rddreg [dreg:$0x1];
	s1 =	srdreg.scid  }
0x3: {  	s0 =	stileid.u32;
	s2 =	rddreg [dreg:$0x2]  }
0x4: {  	s3 =	simm.s32 $0x0;
	s13 =	simm.s32 $0x280;
	s14 =	simm.s32 $0x80  }
0x5: {  	s15 =	simm.s32 $0x0;
	s4 =	sand.u32 $0x1, s1;
	s1 =	rddreg [dreg:$0x3]  }
0x6: {  	s6 =	smul.u32 $0x280, s0;
	[smem:$0x7FF] =	sst s3;
	s31 =	sshll.u32 s0, $0x6  }
0x7: {  	s8 =	smul.u32 $0x2800, s4;
	_ =	strace $0x80000047;
	s9 =	ssub.s32 $0x2, s4  }
0x8: {  	s4 =	sadd.s32 $0xDC00, s5;
	s11 =	sshrl.u32 s9, $0x1;
	s12 =	sadd.s32 s6, s2  }
0x9: {  	s8 =	sadd.s32 s6, s8;
	s9 =	ssub.s32 s9, s11;
	s6 =	sor.u32 $0x1C01, s31  }
0xa: {  	s11 =	simm.s32 $0x1;
	s10 =	sadd.s32 s8, s5;
	s8 =	sshrl.u32 s8, $0x3  }
0xb: {  	s5 =	sadd.s32 $0xDE00, s5;
	s7 =	sadd.s32 s7, s8;
	s8 =	smax.u32 s9, $0x1  }
0xc: {  	s9 =	sadd.s32 $0x8C00, s10;
	s10 =	sshrl.u32 s12, $0x3;
	s12 =	simm.s32 $0x300  }
.LBB2_1:
0xd: {  	[spmem:s10], [sflag:s6] =	dma.local [hbm:s4], $0x50  }
0xe: {  	_ =	swait.ge [sflag:s11], $0x50  }
0xf: {  	[sflag:s11] =	ssyncset.done $0x0  }
0x10: {  	[sflag:s11] =	ssyncadd.s32 $0xFFFFFFB0  }
0x11: {  	[tilespmem:s12], [sflag:$0x1] =	stream.linear.gather [hbm4b:s5+s3], $0x80, $0x38;
	[tilespmem:$0x380] =	vst v63  }
0x12: {  	_ =	swait.ge [sflag:s11], $0x80  }
0x13: {  	[sflag:s11] =	ssyncset.done $0x0  }
0x14: {  	[sflag:s11] =	ssyncadd.s32 $0xFFFFFF80  }
0x15: {  	s16 =	sadd.s32 $0x0, s9;
	[bflag:$0x0] =	sbarrier.arrive $0xFFFF  }
0x16: {  	[tilespmem:s13], [sflag:$0x1] =	stream.linear.gather [hbm4b:s16+s3], $0x80, $0x38;
	[tilespmem:$0x380] =	vst v63  }
0x17: {  	_ =	swait.ge [sflag:s11], $0x80  }
0x18: {  	[sflag:s11] =	ssyncset.done $0x0  }
0x19: {  	[sflag:s11] =	ssyncadd.s32 $0xFFFFFF80  }
0x1a: {  	[spmem:s2] =	stream.indirect.scatter.add.f32 [tilespmem:s12], [sflag:$0x1], $0x1, s13, s14, $0xb8;
	[tilespmem:$0x380] =	vst v63  }
0x1b: {  	_ =	swait.ge [sflag:s11], $0x80  }
0x1c: {  	s17 =	simm.s32 $0x20;
	s16 =	simm.s32 $0x10;
	[sflag:s11] =	ssyncset.done $0x0  }
.LBB2_2:
0x1d: {  	s18 =	sadd.s32 s16, s9  }
0x1e: {  	[sflag:s11] =	ssyncadd.s32 $0xFFFFFF80;
	s16 =	smov.u32 s17;
	s19 =	sadd.s32 $0x10, s17  }
0x1f: {  	[tilespmem:s13], [sflag:$0x1] =	stream.linear.gather [hbm4b:s18+s3], $0x80, $0x38;
	[tilespmem:$0x380] =	vst v63  }
0x20: {  	p0 =	sne.s32 s17, $0x270;
	_ =	swait.ge [sflag:s11], $0x80  }
.Ltmp0:
0x21: {  	[sflag:s11] =	ssyncset.done $0x0;
	(pc) =	sbr.rel @p0 .LBB2_2-.Ltmp0, $4  }
0x22: {  	[sflag:s11] =	ssyncadd.s32 $0xFFFFFF80  }
0x23: {  	[spmem:s2] =	stream.indirect.scatter.add.f32 [tilespmem:s12], [sflag:$0x1], $0x1, s13, s14, $0xb8;
	[tilespmem:$0x380] =	vst v63  }
0x24: {  	_ =	swait.ge [sflag:s11], $0x80  }
0x25: {  	s17 =	smov.u32 s19;
	[sflag:s11] =	ssyncset.done $0x0  }
0x26: {  	s16 =	sadd.s32 s16, s9;
	[sflag:s11] =	ssyncadd.s32 $0xFFFFFF80  }
0x27: {  	[tilespmem:s13], [sflag:$0x1] =	stream.linear.gather [hbm4b:s16+s3], $0x80, $0x38;
	[tilespmem:$0x380] =	vst v63  }
0x28: {  	_ =	swait.ge [sflag:s11], $0x80  }
0x29: {  	[sflag:s11] =	ssyncset.done $0x0  }
0x2a: {  	[sflag:s11] =	ssyncadd.s32 $0xFFFFFF80  }
0x2b: {  	[spmem:s2] =	stream.indirect.scatter.add.f32 [tilespmem:s12], [sflag:$0x1], $0x1, s13, s14, $0xb8;
	[tilespmem:$0x380] =	vst v63  }
0x2c: {  	_ =	swait.ge [sflag:s11], $0x80  }
0x2d: {  	s15 =	sadd.s32 $0x1, s15;
	[sflag:s11] =	ssyncset.done $0x0  }
0x2e: {  	p0 =	sne.s32 s15, s8;
	[sflag:s11] =	ssyncadd.s32 $0xFFFFFF80  }
.Ltmp1:
0x2f: {  	[bflag:$0x0] =	sbarrier.arrive $0xFFFF;
	(pc) =	sbr.rel @p0 .LBB2_1-.Ltmp1, $4  }
0x30: {  	[hbm:s7], [sflag:s6] =	dma.local [spmem:s10], $0x50  }
0x31: {  	_ =	swait.ge [sflag:s11], $0x50  }
0x32: {  	[sflag:s11] =	ssyncset.done $0x0  }
0x33: {  	[sflag:s11] =	ssyncadd.s32 $0xFFFFFFB0  }
0x34: {  	_ =	sfence.sel $0x180000  }
0x35: {  	[bflag:$0x0] =	sbarrier.arrive $0xFFFF  }
0x36: {  	p0 =	sne.s32 s0, $0x0;
	_ =	strace $0x90000047  }
0x37: {  	s0 =	sadd.s32 @!p0 $0x100000, s1;
	[bflag:$0x2] =	sbarrier.arrive $0xFFFF  }
0x38: {  	[sflag:s0] =	ssyncadd.tile.s32 @!p0 $0x1;
	_ =	shalt  }
.Lfunc_end2:
_tile_overlayer_lowered:
.L_overlay_start_2:
0x39: {  	(tag) =	ssettag $0x2  }
0x3a: {  	s0 =	rddreg [dreg:$0x0];
	s2 =	stileid.u32  }
0x3b: {  	s1 =	rddreg [dreg:$0x1];
	p0 =	sne.s32 s2, $0x0  }
0x3c: {  	s3 =	rddreg [dreg:$0x2];
	[bflag:$0x3] =	sbarrier.arrive $0xFFFF;
	s2 =	simm.s32 @!p0 $0x1C01  }
0x3d: {  	[timem:s3], [sflag:s2] =	dma.local @!p0 [hbm:s0], s1  }
0x3e: {  	s0 =	simm.s32 @!p0 $0x1  }
0x3f: {  	_ =	swait.ge @!p0 [sflag:s0], s1  }
0x40: {  	s1 =	ssub.s32 @!p0 $0x0, s1;
	[sflag:s0] =	ssyncset.done @!p0 $0x0  }
0x41: {  	[sflag:s0] =	ssyncadd.s32 @!p0 s1  }
0x42: {  	[bflag:$0x3] =	sbarrier.arrive $0xFFFF  }
0x43: {  	_ =	shalt  }

</sc_bundles>
